<compile_context>
chip_gen: v7x
topology: tpu7x:2x2x1
jax: 0.10.2.dev20260603
libtpu: 0.0.44.dev20260713+nightly
codegen_flags: <defaults>
</compile_context>

<pallas_src>
import functools

import numpy as _np

import jax
import jax.numpy as jnp
from jax import lax
from jax.experimental import pallas as pl
from jax.experimental.pallas import tpu as pltpu
from jax.experimental.pallas import tpu_sc as plsc

N = 10000
E = 320000
D = 128
H = 128
C = 64
G = 64

NTILES = 16
NCORES = 2
CHUNK = 128
TPW = 80
EPAD = TPW * CHUNK * NTILES * NCORES
NPAD = 10240
RPT = NPAD // NTILES
RB = RPT // CHUNK

_mesh = plsc.VectorSubcoreMesh(core_axis_name="c", subcore_axis_name="s")
_f32 = jnp.float32


def _zero_vmem_2d(ref, rows, cols):
    z16 = jnp.zeros((16,), _f32)
    def body(i, _):
        for l in range(cols // 16):
            ref[i, pl.ds(l * 16, 16)] = z16
        return 0
    lax.fori_loop(0, rows, body, 0)


@functools.partial(
    pl.kernel,
    out_type=jax.ShapeDtypeStruct((NCORES * NPAD,), _f32),
    mesh=_mesh,
    scratch_types=[
        pltpu.VMEM((TPW, CHUNK), jnp.int32),
        pltpu.VMEM((CHUNK,), _f32),
        pltpu.VMEM((RPT,), _f32),
        pltpu.VMEM_SHARED((NPAD,), _f32),
        pltpu.SemaphoreType.DMA,
        pltpu.SemaphoreType.DMA,
    ],
)
def _deg_kernel(dst_hbm, out_hbm, dst_v, ones_v, buf_v, acc_sh,
                sem_a, sem_b):
    c = lax.axis_index("c")
    s = lax.axis_index("s")
    wid = c * NTILES + s

    one16 = jnp.ones((16,), _f32)
    z16 = jnp.zeros((16,), _f32)
    for l in range(CHUNK // 16):
        ones_v[pl.ds(l * 16, 16)] = one16
    for l in range(RPT // 16):
        buf_v[pl.ds(l * 16, 16)] = z16

    pltpu.sync_copy(buf_v, acc_sh.at[pl.ds(s * RPT, RPT)])
    pltpu.sync_copy(dst_hbm.at[pl.ds(wid * TPW, TPW)], dst_v)
    plsc.subcore_barrier()

    def body(jj, _):
        j0 = 2 * jj
        pltpu.async_copy(ones_v, acc_sh.at[dst_v.at[j0]], sem_a, add=True)
        pltpu.async_copy(ones_v, acc_sh.at[dst_v.at[j0 + 1]], sem_b,
                         add=True)
        pltpu.make_async_copy(ones_v, acc_sh.at[dst_v.at[j0]], sem_a).wait()
        pltpu.make_async_copy(ones_v, acc_sh.at[dst_v.at[j0 + 1]],
                              sem_b).wait()
        return 0
    lax.fori_loop(0, TPW // 2, body, 0)

    plsc.subcore_barrier()
    pltpu.sync_copy(acc_sh.at[pl.ds(s * RPT, RPT)], buf_v)
    pltpu.sync_copy(buf_v, out_hbm.at[pl.ds(c * NPAD + s * RPT, RPT)])


@functools.partial(
    pl.kernel,
    out_type=jax.ShapeDtypeStruct((NCORES * NPAD, D), _f32),
    mesh=_mesh,
    scratch_types=[
        pltpu.VMEM((TPW // 2, CHUNK), jnp.int32),
        pltpu.VMEM((TPW // 2, CHUNK), jnp.int32),
        pltpu.VMEM((CHUNK, D), _f32),
        pltpu.VMEM((CHUNK, D), _f32),
        pltpu.VMEM_SHARED((NPAD, D), _f32),
        pltpu.SemaphoreType.DMA,
        pltpu.SemaphoreType.DMA,
    ],
)
def _scatter_kernel(hs_hbm, src_hbm, dst_hbm, out_hbm,
                    src_v, dst_v, rows_a, rows_b, acc_sh, sem_a, sem_b):
    c = lax.axis_index("c")
    s = lax.axis_index("s")
    wid = c * NTILES + s
    half = TPW // 2

    pltpu.async_copy(src_hbm.at[pl.ds(wid * TPW, half)], src_v, sem_a)
    pltpu.async_copy(dst_hbm.at[pl.ds(wid * TPW, half)], dst_v, sem_b)
    _zero_vmem_2d(rows_b, CHUNK, D)
    for k in range(RB):
        pltpu.sync_copy(rows_b, acc_sh.at[pl.ds(s * RPT + k * CHUNK, CHUNK)])
    pltpu.make_async_copy(
        src_hbm.at[pl.ds(wid * TPW, half)], src_v, sem_a).wait()
    pltpu.make_async_copy(
        dst_hbm.at[pl.ds(wid * TPW, half)], dst_v, sem_b).wait()
    plsc.subcore_barrier()

    for h in range(2):
        if h == 1:
            r0 = wid * TPW + half
            pltpu.sync_copy(src_hbm.at[pl.ds(r0, half)], src_v)
            pltpu.sync_copy(dst_hbm.at[pl.ds(r0, half)], dst_v)
        pltpu.async_copy(hs_hbm.at[src_v.at[0]], rows_a, sem_a)

        def body(jj, _):
            j0 = 2 * jj
            pltpu.async_copy(hs_hbm.at[src_v.at[j0 + 1]], rows_b, sem_b)
            pltpu.make_async_copy(
                hs_hbm.at[src_v.at[j0]], rows_a, sem_a).wait()
            pltpu.sync_copy(rows_a, acc_sh.at[dst_v.at[j0]], add=True)

            @pl.when(jj < half // 2 - 1)
            def _():
                pltpu.async_copy(hs_hbm.at[src_v.at[j0 + 2]], rows_a, sem_a)

            pltpu.make_async_copy(
                hs_hbm.at[src_v.at[j0 + 1]], rows_b, sem_b).wait()
            pltpu.sync_copy(rows_b, acc_sh.at[dst_v.at[j0 + 1]], add=True)
            return 0
        lax.fori_loop(0, half // 2, body, 0)

    plsc.subcore_barrier()
    pltpu.sync_copy(acc_sh.at[pl.ds(s * RPT, RPT)],
                    out_hbm.at[pl.ds(c * NPAD + s * RPT, RPT)])


_PREC = lax.Precision.DEFAULT


def _mm_body(x_ref, w1_ref, h_ref):
    h_ref[...] = jnp.dot(x_ref[...], w1_ref[...],
                         preferred_element_type=_f32, precision=_PREC)


_tc_mm = pl.pallas_call(
    _mm_body,
    out_shape=jax.ShapeDtypeStruct((N, H), _f32),
)


def _scale_body(h_ref, degp_ref, hs_ref, dinv_ref):
    deg = degp_ref[0, :N] + degp_ref[1, :N] + 1.0
    dinv = lax.rsqrt(deg)[:, None]
    hs_ref[...] = h_ref[...] * dinv
    dinv_ref[...] = dinv


_tc_scale = pl.pallas_call(
    _scale_body,
    out_shape=(jax.ShapeDtypeStruct((N, H), _f32),
               jax.ShapeDtypeStruct((N, 1), _f32)),
)


def _norm_relu(z, g_ref, be_ref):
    mu = jnp.mean(z, axis=0, keepdims=True)
    var = jnp.mean(z * z, axis=0, keepdims=True) - mu * mu
    zn = g_ref[...] * (z - mu) * lax.rsqrt(var + 1e-5) + be_ref[...]
    return jnp.maximum(zn, 0.0)


def _combine(accp_ref, hs_ref, dinv_ref, b_ref):
    acc = accp_ref[0:N, :] + accp_ref[NPAD:NPAD + N, :]
    return (acc + hs_ref[...]) * dinv_ref[...] + b_ref[...]


def _tc2_body(accp_ref, hs1_ref, dinv_ref, b1_ref, g1_ref, be1_ref, w2_ref,
              hs2_ref):
    z = _combine(accp_ref, hs1_ref, dinv_ref, b1_ref)
    zn = _norm_relu(z, g1_ref, be1_ref)
    h2 = jnp.dot(zn, w2_ref[...], preferred_element_type=_f32, precision=_PREC)
    hs2_ref[...] = h2 * dinv_ref[...]


_tc2 = pl.pallas_call(
    _tc2_body,
    out_shape=jax.ShapeDtypeStruct((N, H), _f32),
)


def _tc3_body(accp_ref, hs2_ref, dinv_ref, b2_ref, g2_ref, be2_ref,
              batch_ref, wl_ref, bl_ref, out_ref):
    z = _combine(accp_ref, hs2_ref, dinv_ref, b2_ref)
    zn = _norm_relu(z, g2_ref, be2_ref)
    onehot = (batch_ref[...] ==
              lax.broadcasted_iota(jnp.int32, (N, G), 1)).astype(_f32)
    psum = lax.dot_general(onehot, zn, (((0,), (0,)), ((), ())),
                           preferred_element_type=_f32, precision=_PREC)
    cnt = jnp.sum(onehot, axis=0)[:, None]
    p = psum / jnp.maximum(cnt, 1.0)
    out_ref[...] = jnp.dot(p, wl_ref[...],
                           preferred_element_type=_f32, precision=_PREC) \
        + bl_ref[...]


_tc3 = pl.pallas_call(
    _tc3_body,
    out_shape=jax.ShapeDtypeStruct((G, C), _f32),
)


def kernel(x, edge_index, batch, W1, b1, g1, be1, W2, b2, g2, be2, Wl, bl):
    src = edge_index[0].astype(jnp.int32)
    dst = edge_index[1].astype(jnp.int32)
    pad = EPAD - E
    pad_ar = _np.arange(pad)
    src_tail = jnp.asarray(pad_ar % N, jnp.int32)
    dst_tail = jnp.asarray(N + pad_ar % (NPAD - N), jnp.int32)
    srcp = jnp.concatenate([src, src_tail]).reshape(EPAD // CHUNK, CHUNK)
    dstp = jnp.concatenate([dst, dst_tail]).reshape(EPAD // CHUNK, CHUNK)

    degp = _deg_kernel(dstp).reshape(NCORES, NPAD)

    h1 = _tc_mm(x, W1)
    hs1, dinv = _tc_scale(h1, degp)
    acc1 = _scatter_kernel(hs1, srcp, dstp)
    hs2 = _tc2(acc1, hs1, dinv, b1.reshape(1, H), g1.reshape(1, H),
               be1.reshape(1, H), W2)
    acc2 = _scatter_kernel(hs2, srcp, dstp)
    out = _tc3(acc2, hs2, dinv, b2.reshape(1, H), g2.reshape(1, H),
               be2.reshape(1, H), batch.astype(jnp.int32).reshape(N, 1),
               Wl, bl.reshape(1, C))
    return out

# --- scband reference (transcript-rebuilt; emitter-appended) ---
"""Pipeline reference for scband-gcn2-layer-1056561955280 (READ-ONLY COPY).

The authoritative reference and input builder live on the scoring server;
editing this copy changes nothing except your own understanding.
"""

import jax, jax.numpy as jnp
import numpy as np

N = 10000
E = 320000
D = 128
H = 128
C = 64
G = 64


def setup_inputs(seed: int = 0) -> dict:
    key = jax.random.key(seed)
    ks = jax.random.split(key, 14)
    x = jax.random.normal(ks[0], (N, D), dtype=jnp.float32)
    edge_index = jax.random.randint(ks[1], (2, E), 0, N)
    batch = jnp.sort(jax.random.randint(ks[2], (N,), 0, G))
    W1 = jax.random.normal(ks[3], (D, H), dtype=jnp.float32) * 0.05
    b1 = jnp.zeros((H,), dtype=jnp.float32)
    g1 = jnp.ones((H,), dtype=jnp.float32)
    be1 = jnp.zeros((H,), dtype=jnp.float32)
    W2 = jax.random.normal(ks[4], (H, H), dtype=jnp.float32) * 0.05
    b2 = jnp.zeros((H,), dtype=jnp.float32)
    g2 = jnp.ones((H,), dtype=jnp.float32)
    be2 = jnp.zeros((H,), dtype=jnp.float32)
    Wl = jax.random.normal(ks[5], (H, C), dtype=jnp.float32) * 0.05
    bl = jnp.zeros((C,), dtype=jnp.float32)
    return {"x": x, "edge_index": edge_index, "batch": batch,
            "W1": W1, "b1": b1, "g1": g1, "be1": be1,
            "W2": W2, "b2": b2, "g2": g2, "be2": be2,
            "Wl": Wl, "bl": bl}


def gcn_conv(x, edge_index, W, b):
    n = x.shape[0]
    src = edge_index[0]
    dst = edge_index[1]
    loop = jnp.arange(n, dtype=src.dtype)
    src_all = jnp.concatenate([src, loop])
    dst_all = jnp.concatenate([dst, loop])
    ones = jnp.ones((src_all.shape[0],), dtype=x.dtype)
    deg = jax.ops.segment_sum(ones, dst_all, num_segments=n)
    dinv = deg ** -0.5  # deg >= 1 due to self-loops
    norm = dinv[src_all] * dinv[dst_all]
    h = x @ W
    msg = jnp.take(h, src_all, axis=0) * norm[:, None]
    out = jax.ops.segment_sum(msg, dst_all, num_segments=n)
    return out + b


def batch_norm(x, gamma, beta, eps=1e-5):
    mu = jnp.mean(x, axis=0)
    var = jnp.var(x, axis=0)
    return gamma * (x - mu) * jax.lax.rsqrt(var + eps) + beta


def global_mean_pool(x, batch, num_graphs):
    s = jax.ops.segment_sum(x, batch, num_segments=num_graphs)
    cnt = jax.ops.segment_sum(jnp.ones((x.shape[0],), x.dtype), batch, num_segments=num_graphs)
    return s / jnp.clip(cnt, 1.0)[:, None]


def reference(x, edge_index, batch, W1, b1, g1, be1, W2, b2, g2, be2, Wl, bl):
    h = gcn_conv(x, edge_index, W1, b1)
    h = batch_norm(h, g1, be1)
    h = jax.nn.relu(h)
    # dropout is identity in eval mode
    h = gcn_conv(h, edge_index, W2, b2)
    h = batch_norm(h, g2, be2)
    h = jax.nn.relu(h)
    p = global_mean_pool(h, batch, G)
    return p @ Wl + bl

if __name__ == "__main__":
    import jax
    _d = setup_inputs()
    print(jax.jit(kernel)(*tuple(_d.values())))

</pallas_src>

<mosaic_0001>
#map = affine_map<(d0, d1) -> (0, 0)>
#map1 = affine_map<(d0, d1) -> (0)>
module attributes {stable_mosaic.version = 14 : i64} {
  func.func @_deg_kernel(%arg0: i32, %arg1: i32, %arg2: memref<2560x128xi32, #tpu.memory_space<hbm>>, %arg3: memref<20480xf32, #tpu.memory_space<hbm>>, %arg4: memref<80x128xi32, #tpu.memory_space<vmem>>, %arg5: memref<128xf32, #tpu.memory_space<vmem>>, %arg6: memref<640xf32, #tpu.memory_space<vmem>>, %arg7: memref<10240xf32, #tpu.memory_space<vmem_shared>>, %arg8: memref<!tpu.dma_semaphore, #tpu.memory_space<semaphore_mem>>, %arg9: memref<!tpu.dma_semaphore, #tpu.memory_space<semaphore_mem>>) attributes {dimension_semantics = [#tpu.dimension_semantics<core_parallel>, #tpu.dimension_semantics<subcore_parallel>], iteration_bounds = array<i64: 2, 16>, scalar_prefetch = 0 : i64, scratch_operands = 6 : i64, tpu.core_type = #tpu.core_type<sc_vector_subcore>, window_params = [{transform_indices = #map}, {transform_indices = #map1}]} {
    %mul3A = arith.constant 16 : i32
    %mul3A_0 = arith.muli %arg0, %mul3A : i32
    %add3A = arith.addi %mul3A_0, %arg1 : i32
    %broadcast_in_dim3A = arith.constant 1.000000e+00 : f32
    %broadcast_in_dim3A_1 = vector.broadcast %broadcast_in_dim3A : f32 to vector<16xf32>
    %broadcast_in_dim3A_2 = arith.constant 0.000000e+00 : f32
    %broadcast_in_dim3A_3 = vector.broadcast %broadcast_in_dim3A_2 : f32 to vector<16xf32>
    %swap3A = arith.constant 0 : index
    %swap3A_4 = tpu.vector_load %arg5[%swap3A] {strides = array<i32>} : memref<128xf32, #tpu.memory_space<vmem>>, vector<16xf32>,
    %swap3A_5 = vector.shape_cast %swap3A_4 : vector<16xf32> to vector<16xf32>
    %swap3A_6 = vector.shape_cast %broadcast_in_dim3A_1 : vector<16xf32> to vector<16xf32>
    tpu.vector_store %arg5[%swap3A], %swap3A_6 {strides = array<i32>} : memref<128xf32, #tpu.memory_space<vmem>>, vector<16xf32>,
    %swap3A_7 = arith.constant 16 : index
    %swap3A_8 = tpu.vector_load %arg5[%swap3A_7] {strides = array<i32>} : memref<128xf32, #tpu.memory_space<vmem>>, vector<16xf32>,
    %swap3A_9 = vector.shape_cast %swap3A_8 : vector<16xf32> to vector<16xf32>
    %swap3A_10 = vector.shape_cast %broadcast_in_dim3A_1 : vector<16xf32> to vector<16xf32>
    tpu.vector_store %arg5[%swap3A_7], %swap3A_10 {strides = array<i32>} : memref<128xf32, #tpu.memory_space<vmem>>, vector<16xf32>,
    %swap3A_11 = arith.constant 32 : index
    %swap3A_12 = tpu.vector_load %arg5[%swap3A_11] {strides = array<i32>} : memref<128xf32, #tpu.memory_space<vmem>>, vector<16xf32>,
    %swap3A_13 = vector.shape_cast %swap3A_12 : vector<16xf32> to vector<16xf32>
    %swap3A_14 = vector.shape_cast %broadcast_in_dim3A_1 : vector<16xf32> to vector<16xf32>
    tpu.vector_store %arg5[%swap3A_11], %swap3A_14 {strides = array<i32>} : memref<128xf32, #tpu.memory_space<vmem>>, vector<16xf32>,
    %swap3A_15 = arith.constant 48 : index
    %swap3A_16 = tpu.vector_load %arg5[%swap3A_15] {strides = array<i32>} : memref<128xf32, #tpu.memory_space<vmem>>, vector<16xf32>,
    %swap3A_17 = vector.shape_cast %swap3A_16 : vector<16xf32> to vector<16xf32>
    %swap3A_18 = vector.shape_cast %broadcast_in_dim3A_1 : vector<16xf32> to vector<16xf32>
    tpu.vector_store %arg5[%swap3A_15], %swap3A_18 {strides = array<i32>} : memref<128xf32, #tpu.memory_space<vmem>>, vector<16xf32>,
    %swap3A_19 = arith.constant 64 : index
    %swap3A_20 = tpu.vector_load %arg5[%swap3A_19] {strides = array<i32>} : memref<128xf32, #tpu.memory_space<vmem>>, vector<16xf32>,
    %swap3A_21 = vector.shape_cast %swap3A_20 : vector<16xf32> to vector<16xf32>
    %swap3A_22 = vector.shape_cast %broadcast_in_dim3A_1 : vector<16xf32> to vector<16xf32>
    tpu.vector_store %arg5[%swap3A_19], %swap3A_22 {strides = array<i32>} : memref<128xf32, #tpu.memory_space<vmem>>, vector<16xf32>,
    %swap3A_23 = arith.constant 80 : index
    %swap3A_24 = tpu.vector_load %arg5[%swap3A_23] {strides = array<i32>} : memref<128xf32, #tpu.memory_space<vmem>>, vector<16xf32>,
    %swap3A_25 = vector.shape_cast %swap3A_24 : vector<16xf32> to vector<16xf32>
    %swap3A_26 = vector.shape_cast %broadcast_in_dim3A_1 : vector<16xf32> to vector<16xf32>
    tpu.vector_store %arg5[%swap3A_23], %swap3A_26 {strides = array<i32>} : memref<128xf32, #tpu.memory_space<vmem>>, vector<16xf32>,
    %swap3A_27 = arith.constant 96 : index
    %swap3A_28 = tpu.vector_load %arg5[%swap3A_27] {strides = array<i32>} : memref<128xf32, #tpu.memory_space<vmem>>, vector<16xf32>,
    %swap3A_29 = vector.shape_cast %swap3A_28 : vector<16xf32> to vector<16xf32>
    %swap3A_30 = vector.shape_cast %broadcast_in_dim3A_1 : vector<16xf32> to vector<16xf32>
    tpu.vector_store %arg5[%swap3A_27], %swap3A_30 {strides = array<i32>} : memref<128xf32, #tpu.memory_space<vmem>>, vector<16xf32>,
    %swap3A_31 = arith.constant 112 : index
    %swap3A_32 = tpu.vector_load %arg5[%swap3A_31] {strides = array<i32>} : memref<128xf32, #tpu.memory_space<vmem>>, vector<16xf32>,
    %swap3A_33 = vector.shape_cast %swap3A_32 : vector<16xf32> to vector<16xf32>
    %swap3A_34 = vector.shape_cast %broadcast_in_dim3A_1 : vector<16xf32> to vector<16xf32>
    tpu.vector_store %arg5[%swap3A_31], %swap3A_34 {strides = array<i32>} : memref<128xf32, #tpu.memory_space<vmem>>, vector<16xf32>,
    %swap3A_35 = arith.constant 0 : index
    %swap3A_36 = tpu.vector_load %arg6[%swap3A_35] {strides = array<i32>} : memref<640xf32, #tpu.memory_space<vmem>>, vector<16xf32>,
    %swap3A_37 = vector.shape_cast %swap3A_36 : vector<16xf32> to vector<16xf32>
    %swap3A_38 = vector.shape_cast %broadcast_in_dim3A_3 : vector<16xf32> to vector<16xf32>
    tpu.vector_store %arg6[%swap3A_35], %swap3A_38 {strides = array<i32>} : memref<640xf32, #tpu.memory_space<vmem>>, vector<16xf32>,
    %swap3A_39 = arith.constant 16 : index
    %swap3A_40 = tpu.vector_load %arg6[%swap3A_39] {strides = array<i32>} : memref<640xf32, #tpu.memory_space<vmem>>, vector<16xf32>,
    %swap3A_41 = vector.shape_cast %swap3A_40 : vector<16xf32> to vector<16xf32>
    %swap3A_42 = vector.shape_cast %broadcast_in_dim3A_3 : vector<16xf32> to vector<16xf32>
    tpu.vector_store %arg6[%swap3A_39], %swap3A_42 {strides = array<i32>} : memref<640xf32, #tpu.memory_space<vmem>>, vector<16xf32>,
    %swap3A_43 = arith.constant 32 : index
    %swap3A_44 = tpu.vector_load %arg6[%swap3A_43] {strides = array<i32>} : memref<640xf32, #tpu.memory_space<vmem>>, vector<16xf32>,
    %swap3A_45 = vector.shape_cast %swap3A_44 : vector<16xf32> to vector<16xf32>
    %swap3A_46 = vector.shape_cast %broadcast_in_dim3A_3 : vector<16xf32> to vector<16xf32>
    tpu.vector_store %arg6[%swap3A_43], %swap3A_46 {strides = array<i32>} : memref<640xf32, #tpu.memory_space<vmem>>, vector<16xf32>,
    %swap3A_47 = arith.constant 48 : index
    %swap3A_48 = tpu.vector_load %arg6[%swap3A_47] {strides = array<i32>} : memref<640xf32, #tpu.memory_space<vmem>>, vector<16xf32>,
    %swap3A_49 = vector.shape_cast %swap3A_48 : vector<16xf32> to vector<16xf32>
    %swap3A_50 = vector.shape_cast %broadcast_in_dim3A_3 : vector<16xf32> to vector<16xf32>
    tpu.vector_store %arg6[%swap3A_47], %swap3A_50 {strides = array<i32>} : memref<640xf32, #tpu.memory_space<vmem>>, vector<16xf32>,
    %swap3A_51 = arith.constant 64 : index
    %swap3A_52 = tpu.vector_load %arg6[%swap3A_51] {strides = array<i32>} : memref<640xf32, #tpu.memory_space<vmem>>, vector<16xf32>,
    %swap3A_53 = vector.shape_cast %swap3A_52 : vector<16xf32> to vector<16xf32>
    %swap3A_54 = vector.shape_cast %broadcast_in_dim3A_3 : vector<16xf32> to vector<16xf32>
    tpu.vector_store %arg6[%swap3A_51], %swap3A_54 {strides = array<i32>} : memref<640xf32, #tpu.memory_space<vmem>>, vector<16xf32>,
    %swap3A_55 = arith.constant 80 : index
    %swap3A_56 = tpu.vector_load %arg6[%swap3A_55] {strides = array<i32>} : memref<640xf32, #tpu.memory_space<vmem>>, vector<16xf32>,
    %swap3A_57 = vector.shape_cast %swap3A_56 : vector<16xf32> to vector<16xf32>
    %swap3A_58 = vector.shape_cast %broadcast_in_dim3A_3 : vector<16xf32> to vector<16xf32>
    tpu.vector_store %arg6[%swap3A_55], %swap3A_58 {strides = array<i32>} : memref<640xf32, #tpu.memory_space<vmem>>, vector<16xf32>,
    %swap3A_59 = arith.constant 96 : index
    %swap3A_60 = tpu.vector_load %arg6[%swap3A_59] {strides = array<i32>} : memref<640xf32, #tpu.memory_space<vmem>>, vector<16xf32>,
    %swap3A_61 = vector.shape_cast %swap3A_60 : vector<16xf32> to vector<16xf32>
    %swap3A_62 = vector.shape_cast %broadcast_in_dim3A_3 : vector<16xf32> to vector<16xf32>
    tpu.vector_store %arg6[%swap3A_59], %swap3A_62 {strides = array<i32>} : memref<640xf32, #tpu.memory_space<vmem>>, vector<16xf32>,
    %swap3A_63 = arith.constant 112 : index
    %swap3A_64 = tpu.vector_load %arg6[%swap3A_63] {strides = array<i32>} : memref<640xf32, #tpu.memory_space<vmem>>, vector<16xf32>,
    %swap3A_65 = vector.shape_cast %swap3A_64 : vector<16xf32> to vector<16xf32>
    %swap3A_66 = vector.shape_cast %broadcast_in_dim3A_3 : vector<16xf32> to vector<16xf32>
    tpu.vector_store %arg6[%swap3A_63], %swap3A_66 {strides = array<i32>} : memref<640xf32, #tpu.memory_space<vmem>>, vector<16xf32>,
    %swap3A_67 = arith.constant 128 : index
    %swap3A_68 = tpu.vector_load %arg6[%swap3A_67] {strides = array<i32>} : memref<640xf32, #tpu.memory_space<vmem>>, vector<16xf32>,
    %swap3A_69 = vector.shape_cast %swap3A_68 : vector<16xf32> to vector<16xf32>
    %swap3A_70 = vector.shape_cast %broadcast_in_dim3A_3 : vector<16xf32> to vector<16xf32>
    tpu.vector_store %arg6[%swap3A_67], %swap3A_70 {strides = array<i32>} : memref<640xf32, #tpu.memory_space<vmem>>, vector<16xf32>,
    %swap3A_71 = arith.constant 144 : index
    %swap3A_72 = tpu.vector_load %arg6[%swap3A_71] {strides = array<i32>} : memref<640xf32, #tpu.memory_space<vmem>>, vector<16xf32>,
    %swap3A_73 = vector.shape_cast %swap3A_72 : vector<16xf32> to vector<16xf32>
    %swap3A_74 = vector.shape_cast %broadcast_in_dim3A_3 : vector<16xf32> to vector<16xf32>
    tpu.vector_store %arg6[%swap3A_71], %swap3A_74 {strides = array<i32>} : memref<640xf32, #tpu.memory_space<vmem>>, vector<16xf32>,
    %swap3A_75 = arith.constant 160 : index
    %swap3A_76 = tpu.vector_load %arg6[%swap3A_75] {strides = array<i32>} : memref<640xf32, #tpu.memory_space<vmem>>, vector<16xf32>,
    %swap3A_77 = vector.shape_cast %swap3A_76 : vector<16xf32> to vector<16xf32>
    %swap3A_78 = vector.shape_cast %broadcast_in_dim3A_3 : vector<16xf32> to vector<16xf32>
    tpu.vector_store %arg6[%swap3A_75], %swap3A_78 {strides = array<i32>} : memref<640xf32, #tpu.memory_space<vmem>>, vector<16xf32>,
    %swap3A_79 = arith.constant 176 : index
    %swap3A_80 = tpu.vector_load %arg6[%swap3A_79] {strides = array<i32>} : memref<640xf32, #tpu.memory_space<vmem>>, vector<16xf32>,
    %swap3A_81 = vector.shape_cast %swap3A_80 : vector<16xf32> to vector<16xf32>
    %swap3A_82 = vector.shape_cast %broadcast_in_dim3A_3 : vector<16xf32> to vector<16xf32>
    tpu.vector_store %arg6[%swap3A_79], %swap3A_82 {strides = array<i32>} : memref<640xf32, #tpu.memory_space<vmem>>, vector<16xf32>,
    %swap3A_83 = arith.constant 192 : index
    %swap3A_84 = tpu.vector_load %arg6[%swap3A_83] {strides = array<i32>} : memref<640xf32, #tpu.memory_space<vmem>>, vector<16xf32>,
    %swap3A_85 = vector.shape_cast %swap3A_84 : vector<16xf32> to vector<16xf32>
    %swap3A_86 = vector.shape_cast %broadcast_in_dim3A_3 : vector<16xf32> to vector<16xf32>
    tpu.vector_store %arg6[%swap3A_83], %swap3A_86 {strides = array<i32>} : memref<640xf32, #tpu.memory_space<vmem>>, vector<16xf32>,
    %swap3A_87 = arith.constant 208 : index
    %swap3A_88 = tpu.vector_load %arg6[%swap3A_87] {strides = array<i32>} : memref<640xf32, #tpu.memory_space<vmem>>, vector<16xf32>,
    %swap3A_89 = vector.shape_cast %swap3A_88 : vector<16xf32> to vector<16xf32>
    %swap3A_90 = vector.shape_cast %broadcast_in_dim3A_3 : vector<16xf32> to vector<16xf32>
    tpu.vector_store %arg6[%swap3A_87], %swap3A_90 {strides = array<i32>} : memref<640xf32, #tpu.memory_space<vmem>>, vector<16xf32>,
    %swap3A_91 = arith.constant 224 : index
    %swap3A_92 = tpu.vector_load %arg6[%swap3A_91] {strides = array<i32>} : memref<640xf32, #tpu.memory_space<vmem>>, vector<16xf32>,
    %swap3A_93 = vector.shape_cast %swap3A_92 : vector<16xf32> to vector<16xf32>
    %swap3A_94 = vector.shape_cast %broadcast_in_dim3A_3 : vector<16xf32> to vector<16xf32>
    tpu.vector_store %arg6[%swap3A_91], %swap3A_94 {strides = array<i32>} : memref<640xf32, #tpu.memory_space<vmem>>, vector<16xf32>,
    %swap3A_95 = arith.constant 240 : index
    %swap3A_96 = tpu.vector_load %arg6[%swap3A_95] {strides = array<i32>} : memref<640xf32, #tpu.memory_space<vmem>>, vector<16xf32>,
    %swap3A_97 = vector.shape_cast %swap3A_96 : vector<16xf32> to vector<16xf32>
    %swap3A_98 = vector.shape_cast %broadcast_in_dim3A_3 : vector<16xf32> to vector<16xf32>
    tpu.vector_store %arg6[%swap3A_95], %swap3A_98 {strides = array<i32>} : memref<640xf32, #tpu.memory_space<vmem>>, vector<16xf32>,
    %swap3A_99 = arith.constant 256 : index
    %swap3A_100 = tpu.vector_load %arg6[%swap3A_99] {strides = array<i32>} : memref<640xf32, #tpu.memory_space<vmem>>, vector<16xf32>,
    %swap3A_101 = vector.shape_cast %swap3A_100 : vector<16xf32> to vector<16xf32>
    %swap3A_102 = vector.shape_cast %broadcast_in_dim3A_3 : vector<16xf32> to vector<16xf32>
    tpu.vector_store %arg6[%swap3A_99], %swap3A_102 {strides = array<i32>} : memref<640xf32, #tpu.memory_space<vmem>>, vector<16xf32>,
    %swap3A_103 = arith.constant 272 : index
    %swap3A_104 = tpu.vector_load %arg6[%swap3A_103] {strides = array<i32>} : memref<640xf32, #tpu.memory_space<vmem>>, vector<16xf32>,
    %swap3A_105 = vector.shape_cast %swap3A_104 : vector<16xf32> to vector<16xf32>
    %swap3A_106 = vector.shape_cast %broadcast_in_dim3A_3 : vector<16xf32> to vector<16xf32>
    tpu.vector_store %arg6[%swap3A_103], %swap3A_106 {strides = array<i32>} : memref<640xf32, #tpu.memory_space<vmem>>, vector<16xf32>,
    %swap3A_107 = arith.constant 288 : index
    %swap3A_108 = tpu.vector_load %arg6[%swap3A_107] {strides = array<i32>} : memref<640xf32, #tpu.memory_space<vmem>>, vector<16xf32>,
    %swap3A_109 = vector.shape_cast %swap3A_108 : vector<16xf32> to vector<16xf32>
    %swap3A_110 = vector.shape_cast %broadcast_in_dim3A_3 : vector<16xf32> to vector<16xf32>
    tpu.vector_store %arg6[%swap3A_107], %swap3A_110 {strides = array<i32>} : memref<640xf32, #tpu.memory_space<vmem>>, vector<16xf32>,
    %swap3A_111 = arith.constant 304 : index
    %swap3A_112 = tpu.vector_load %arg6[%swap3A_111] {strides = array<i32>} : memref<640xf32, #tpu.memory_space<vmem>>, vector<16xf32>,
    %swap3A_113 = vector.shape_cast %swap3A_112 : vector<16xf32> to vector<16xf32>
    %swap3A_114 = vector.shape_cast %broadcast_in_dim3A_3 : vector<16xf32> to vector<16xf32>
    tpu.vector_store %arg6[%swap3A_111], %swap3A_114 {strides = array<i32>} : memref<640xf32, #tpu.memory_space<vmem>>, vector<16xf32>,
    %swap3A_115 = arith.constant 320 : index
    %swap3A_116 = tpu.vector_load %arg6[%swap3A_115] {strides = array<i32>} : memref<640xf32, #tpu.memory_space<vmem>>, vector<16xf32>,
    %swap3A_117 = vector.shape_cast %swap3A_116 : vector<16xf32> to vector<16xf32>
    %swap3A_118 = vector.shape_cast %broadcast_in_dim3A_3 : vector<16xf32> to vector<16xf32>
    tpu.vector_store %arg6[%swap3A_115], %swap3A_118 {strides = array<i32>} : memref<640xf32, #tpu.memory_space<vmem>>, vector<16xf32>,
    %swap3A_119 = arith.constant 336 : index
    %swap3A_120 = tpu.vector_load %arg6[%swap3A_119] {strides = array<i32>} : memref<640xf32, #tpu.memory_space<vmem>>, vector<16xf32>,
    %swap3A_121 = vector.shape_cast %swap3A_120 : vector<16xf32> to vector<16xf32>
    %swap3A_122 = vector.shape_cast %broadcast_in_dim3A_3 : vector<16xf32> to vector<16xf32>
    tpu.vector_store %arg6[%swap3A_119], %swap3A_122 {strides = array<i32>} : memref<640xf32, #tpu.memory_space<vmem>>, vector<16xf32>,
    %swap3A_123 = arith.constant 352 : index
    %swap3A_124 = tpu.vector_load %arg6[%swap3A_123] {strides = array<i32>} : memref<640xf32, #tpu.memory_space<vmem>>, vector<16xf32>,
    %swap3A_125 = vector.shape_cast %swap3A_124 : vector<16xf32> to vector<16xf32>
    %swap3A_126 = vector.shape_cast %broadcast_in_dim3A_3 : vector<16xf32> to vector<16xf32>
    tpu.vector_store %arg6[%swap3A_123], %swap3A_126 {strides = array<i32>} : memref<640xf32, #tpu.memory_space<vmem>>, vector<16xf32>,
    %swap3A_127 = arith.constant 368 : index
    %swap3A_128 = tpu.vector_load %arg6[%swap3A_127] {strides = array<i32>} : memref<640xf32, #tpu.memory_space<vmem>>, vector<16xf32>,
    %swap3A_129 = vector.shape_cast %swap3A_128 : vector<16xf32> to vector<16xf32>
    %swap3A_130 = vector.shape_cast %broadcast_in_dim3A_3 : vector<16xf32> to vector<16xf32>
    tpu.vector_store %arg6[%swap3A_127], %swap3A_130 {strides = array<i32>} : memref<640xf32, #tpu.memory_space<vmem>>, vector<16xf32>,
    %swap3A_131 = arith.constant 384 : index
    %swap3A_132 = tpu.vector_load %arg6[%swap3A_131] {strides = array<i32>} : memref<640xf32, #tpu.memory_space<vmem>>, vector<16xf32>,
    %swap3A_133 = vector.shape_cast %swap3A_132 : vector<16xf32> to vector<16xf32>
    %swap3A_134 = vector.shape_cast %broadcast_in_dim3A_3 : vector<16xf32> to vector<16xf32>
    tpu.vector_store %arg6[%swap3A_131], %swap3A_134 {strides = array<i32>} : memref<640xf32, #tpu.memory_space<vmem>>, vector<16xf32>,
    %swap3A_135 = arith.constant 400 : index
    %swap3A_136 = tpu.vector_load %arg6[%swap3A_135] {strides = array<i32>} : memref<640xf32, #tpu.memory_space<vmem>>, vector<16xf32>,
    %swap3A_137 = vector.shape_cast %swap3A_136 : vector<16xf32> to vector<16xf32>
    %swap3A_138 = vector.shape_cast %broadcast_in_dim3A_3 : vector<16xf32> to vector<16xf32>
    tpu.vector_store %arg6[%swap3A_135], %swap3A_138 {strides = array<i32>} : memref<640xf32, #tpu.memory_space<vmem>>, vector<16xf32>,
    %swap3A_139 = arith.constant 416 : index
    %swap3A_140 = tpu.vector_load %arg6[%swap3A_139] {strides = array<i32>} : memref<640xf32, #tpu.memory_space<vmem>>, vector<16xf32>,
    %swap3A_141 = vector.shape_cast %swap3A_140 : vector<16xf32> to vector<16xf32>
    %swap3A_142 = vector.shape_cast %broadcast_in_dim3A_3 : vector<16xf32> to vector<16xf32>
    tpu.vector_store %arg6[%swap3A_139], %swap3A_142 {strides = array<i32>} : memref<640xf32, #tpu.memory_space<vmem>>, vector<16xf32>,
    %swap3A_143 = arith.constant 432 : index
    %swap3A_144 = tpu.vector_load %arg6[%swap3A_143] {strides = array<i32>} : memref<640xf32, #tpu.memory_space<vmem>>, vector<16xf32>,
    %swap3A_145 = vector.shape_cast %swap3A_144 : vector<16xf32> to vector<16xf32>
    %swap3A_146 = vector.shape_cast %broadcast_in_dim3A_3 : vector<16xf32> to vector<16xf32>
    tpu.vector_store %arg6[%swap3A_143], %swap3A_146 {strides = array<i32>} : memref<640xf32, #tpu.memory_space<vmem>>, vector<16xf32>,
    %swap3A_147 = arith.constant 448 : index
    %swap3A_148 = tpu.vector_load %arg6[%swap3A_147] {strides = array<i32>} : memref<640xf32, #tpu.memory_space<vmem>>, vector<16xf32>,
    %swap3A_149 = vector.shape_cast %swap3A_148 : vector<16xf32> to vector<16xf32>
    %swap3A_150 = vector.shape_cast %broadcast_in_dim3A_3 : vector<16xf32> to vector<16xf32>
    tpu.vector_store %arg6[%swap3A_147], %swap3A_150 {strides = array<i32>} : memref<640xf32, #tpu.memory_space<vmem>>, vector<16xf32>,
    %swap3A_151 = arith.constant 464 : index
    %swap3A_152 = tpu.vector_load %arg6[%swap3A_151] {strides = array<i32>} : memref<640xf32, #tpu.memory_space<vmem>>, vector<16xf32>,
    %swap3A_153 = vector.shape_cast %swap3A_152 : vector<16xf32> to vector<16xf32>
    %swap3A_154 = vector.shape_cast %broadcast_in_dim3A_3 : vector<16xf32> to vector<16xf32>
    tpu.vector_store %arg6[%swap3A_151], %swap3A_154 {strides = array<i32>} : memref<640xf32, #tpu.memory_space<vmem>>, vector<16xf32>,
    %swap3A_155 = arith.constant 480 : index
    %swap3A_156 = tpu.vector_load %arg6[%swap3A_155] {strides = array<i32>} : memref<640xf32, #tpu.memory_space<vmem>>, vector<16xf32>,
    %swap3A_157 = vector.shape_cast %swap3A_156 : vector<16xf32> to vector<16xf32>
    %swap3A_158 = vector.shape_cast %broadcast_in_dim3A_3 : vector<16xf32> to vector<16xf32>
    tpu.vector_store %arg6[%swap3A_155], %swap3A_158 {strides = array<i32>} : memref<640xf32, #tpu.memory_space<vmem>>, vector<16xf32>,
    %swap3A_159 = arith.constant 496 : index
    %swap3A_160 = tpu.vector_load %arg6[%swap3A_159] {strides = array<i32>} : memref<640xf32, #tpu.memory_space<vmem>>, vector<16xf32>,
    %swap3A_161 = vector.shape_cast %swap3A_160 : vector<16xf32> to vector<16xf32>
    %swap3A_162 = vector.shape_cast %broadcast_in_dim3A_3 : vector<16xf32> to vector<16xf32>
    tpu.vector_store %arg6[%swap3A_159], %swap3A_162 {strides = array<i32>} : memref<640xf32, #tpu.memory_space<vmem>>, vector<16xf32>,
    %swap3A_163 = arith.constant 512 : index
    %swap3A_164 = tpu.vector_load %arg6[%swap3A_163] {strides = array<i32>} : memref<640xf32, #tpu.memory_space<vmem>>, vector<16xf32>,
    %swap3A_165 = vector.shape_cast %swap3A_164 : vector<16xf32> to vector<16xf32>
    %swap3A_166 = vector.shape_cast %broadcast_in_dim3A_3 : vector<16xf32> to vector<16xf32>
    tpu.vector_store %arg6[%swap3A_163], %swap3A_166 {strides = array<i32>} : memref<640xf32, #tpu.memory_space<vmem>>, vector<16xf32>,
    %swap3A_167 = arith.constant 528 : index
    %swap3A_168 = tpu.vector_load %arg6[%swap3A_167] {strides = array<i32>} : memref<640xf32, #tpu.memory_space<vmem>>, vector<16xf32>,
    %swap3A_169 = vector.shape_cast %swap3A_168 : vector<16xf32> to vector<16xf32>
    %swap3A_170 = vector.shape_cast %broadcast_in_dim3A_3 : vector<16xf32> to vector<16xf32>
    tpu.vector_store %arg6[%swap3A_167], %swap3A_170 {strides = array<i32>} : memref<640xf32, #tpu.memory_space<vmem>>, vector<16xf32>,
    %swap3A_171 = arith.constant 544 : index
    %swap3A_172 = tpu.vector_load %arg6[%swap3A_171] {strides = array<i32>} : memref<640xf32, #tpu.memory_space<vmem>>, vector<16xf32>,
    %swap3A_173 = vector.shape_cast %swap3A_172 : vector<16xf32> to vector<16xf32>
    %swap3A_174 = vector.shape_cast %broadcast_in_dim3A_3 : vector<16xf32> to vector<16xf32>
    tpu.vector_store %arg6[%swap3A_171], %swap3A_174 {strides = array<i32>} : memref<640xf32, #tpu.memory_space<vmem>>, vector<16xf32>,
    %swap3A_175 = arith.constant 560 : index
    %swap3A_176 = tpu.vector_load %arg6[%swap3A_175] {strides = array<i32>} : memref<640xf32, #tpu.memory_space<vmem>>, vector<16xf32>,
    %swap3A_177 = vector.shape_cast %swap3A_176 : vector<16xf32> to vector<16xf32>
    %swap3A_178 = vector.shape_cast %broadcast_in_dim3A_3 : vector<16xf32> to vector<16xf32>
    tpu.vector_store %arg6[%swap3A_175], %swap3A_178 {strides = array<i32>} : memref<640xf32, #tpu.memory_space<vmem>>, vector<16xf32>,
    %swap3A_179 = arith.constant 576 : index
    %swap3A_180 = tpu.vector_load %arg6[%swap3A_179] {strides = array<i32>} : memref<640xf32, #tpu.memory_space<vmem>>, vector<16xf32>,
    %swap3A_181 = vector.shape_cast %swap3A_180 : vector<16xf32> to vector<16xf32>
    %swap3A_182 = vector.shape_cast %broadcast_in_dim3A_3 : vector<16xf32> to vector<16xf32>
    tpu.vector_store %arg6[%swap3A_179], %swap3A_182 {strides = array<i32>} : memref<640xf32, #tpu.memory_space<vmem>>, vector<16xf32>,
    %swap3A_183 = arith.constant 592 : index
    %swap3A_184 = tpu.vector_load %arg6[%swap3A_183] {strides = array<i32>} : memref<640xf32, #tpu.memory_space<vmem>>, vector<16xf32>,
    %swap3A_185 = vector.shape_cast %swap3A_184 : vector<16xf32> to vector<16xf32>
    %swap3A_186 = vector.shape_cast %broadcast_in_dim3A_3 : vector<16xf32> to vector<16xf32>
    tpu.vector_store %arg6[%swap3A_183], %swap3A_186 {strides = array<i32>} : memref<640xf32, #tpu.memory_space<vmem>>, vector<16xf32>,
    %swap3A_187 = arith.constant 608 : index
    %swap3A_188 = tpu.vector_load %arg6[%swap3A_187] {strides = array<i32>} : memref<640xf32, #tpu.memory_space<vmem>>, vector<16xf32>,
    %swap3A_189 = vector.shape_cast %swap3A_188 : vector<16xf32> to vector<16xf32>
    %swap3A_190 = vector.shape_cast %broadcast_in_dim3A_3 : vector<16xf32> to vector<16xf32>
    tpu.vector_store %arg6[%swap3A_187], %swap3A_190 {strides = array<i32>} : memref<640xf32, #tpu.memory_space<vmem>>, vector<16xf32>,
    %swap3A_191 = arith.constant 624 : index
    %swap3A_192 = tpu.vector_load %arg6[%swap3A_191] {strides = array<i32>} : memref<640xf32, #tpu.memory_space<vmem>>, vector<16xf32>,
    %swap3A_193 = vector.shape_cast %swap3A_192 : vector<16xf32> to vector<16xf32>
    %swap3A_194 = vector.shape_cast %broadcast_in_dim3A_3 : vector<16xf32> to vector<16xf32>
    tpu.vector_store %arg6[%swap3A_191], %swap3A_194 {strides = array<i32>} : memref<640xf32, #tpu.memory_space<vmem>>, vector<16xf32>,
    %mul3A_195 = arith.constant 640 : i32
    %mul3A_196 = arith.muli %arg1, %mul3A_195 : i32
    "tpu.region"() ({
      %run_scoped3A = tpu.sem_alloc : memref<!tpu.dma_semaphore, #tpu.memory_space<semaphore_mem>>
      %dma_start3A = tpu.memref_slice %arg7[%mul3A_196] : memref<10240xf32, #tpu.memory_space<vmem_shared>> -> memref<640xf32, #tpu.memory_space<vmem_shared>>
      %dma_start3A_213 = tpu.memref_slice %arg7[%mul3A_196] : memref<10240xf32, #tpu.memory_space<vmem_shared>> -> memref<640xf32, #tpu.memory_space<vmem_shared>>
      tpu.enqueue_dma source(%arg6 : memref<640xf32, #tpu.memory_space<vmem>>) target(%dma_start3A_213 : memref<640xf32, #tpu.memory_space<vmem_shared>>) target_semaphore(%run_scoped3A : memref<!tpu.dma_semaphore, #tpu.memory_space<semaphore_mem>>)
      %dma_wait3A = tpu.memref_slice %arg7[%mul3A_196] : memref<10240xf32, #tpu.memory_space<vmem_shared>> -> memref<640xf32, #tpu.memory_space<vmem_shared>>
      %dma_wait3A_214 = tpu.memref_slice %arg7[%mul3A_196] : memref<10240xf32, #tpu.memory_space<vmem_shared>> -> memref<640xf32, #tpu.memory_space<vmem_shared>>
      tpu.wait_dma2 semaphore(%run_scoped3A : memref<!tpu.dma_semaphore, #tpu.memory_space<semaphore_mem>>) src(%arg6 : memref<640xf32, #tpu.memory_space<vmem>>) dst(%dma_wait3A_214 : memref<640xf32, #tpu.memory_space<vmem_shared>>)
      tpu.yield
    }) : () -> ()
    %mul3A_197 = arith.constant 80 : i32
    %mul3A_198 = arith.muli %add3A, %mul3A_197 : i32
    "tpu.region"() ({
      %run_scoped3A = tpu.sem_alloc : memref<!tpu.dma_semaphore, #tpu.memory_space<semaphore_mem>>
      %dma_start3A = arith.constant 0 : i32
      %dma_start3A_213 = tpu.memref_slice %arg2[%mul3A_198, %dma_start3A] : memref<2560x128xi32, #tpu.memory_space<hbm>> -> memref<80x128xi32, #tpu.memory_space<hbm>>
      %dma_start3A_214 = arith.constant 0 : i32
      %dma_start3A_215 = tpu.memref_slice %arg2[%mul3A_198, %dma_start3A_214] : memref<2560x128xi32, #tpu.memory_space<hbm>> -> memref<80x128xi32, #tpu.memory_space<hbm>>
      tpu.enqueue_dma source(%dma_start3A_215 : memref<80x128xi32, #tpu.memory_space<hbm>>) target(%arg4 : memref<80x128xi32, #tpu.memory_space<vmem>>) target_semaphore(%run_scoped3A : memref<!tpu.dma_semaphore, #tpu.memory_space<semaphore_mem>>)
      %dma_wait3A = arith.constant 0 : i32
      %dma_wait3A_216 = tpu.memref_slice %arg2[%mul3A_198, %dma_wait3A] : memref<2560x128xi32, #tpu.memory_space<hbm>> -> memref<80x128xi32, #tpu.memory_space<hbm>>
      %dma_wait3A_217 = arith.constant 0 : i32
      %dma_wait3A_218 = tpu.memref_slice %arg2[%mul3A_198, %dma_wait3A_217] : memref<2560x128xi32, #tpu.memory_space<hbm>> -> memref<80x128xi32, #tpu.memory_space<hbm>>
      tpu.wait_dma2 semaphore(%run_scoped3A : memref<!tpu.dma_semaphore, #tpu.memory_space<semaphore_mem>>) src(%dma_wait3A_218 : memref<80x128xi32, #tpu.memory_space<hbm>>) dst(%arg4 : memref<80x128xi32, #tpu.memory_space<vmem>>)
      tpu.yield
    }) : () -> ()
    %barrier3A = arith.constant 0 : index
    tpu.barrier barrier_id(%barrier3A)
    %scan3A = arith.constant 0 : i32
    %scan3A_199 = arith.constant 0 : i32
    %scan3A_200 = arith.constant 40 : i32
    %scan3A_201 = arith.addi %scan3A_199, %scan3A_200 : i32
    %scan3A_202 = arith.constant 1 : i32
    %scan3A_203 = scf.for %scan3A_213 = %scan3A_199 to %scan3A_201 step %scan3A_202 iter_args(%scan3A_214 = %scan3A) -> (i32)  : i32 {
      %mul3A_215 = arith.constant 2 : i32
      %mul3A_216 = arith.muli %mul3A_215, %scan3A_213 : i32
      %dma_start3A = arith.constant 0 : i32
      %dma_start3A_217 = tpu.memref_slice %arg4[%mul3A_216, %dma_start3A] : memref<80x128xi32, #tpu.memory_space<vmem>> -> memref<1x128xi32, #tpu.memory_space<vmem>>
      %dma_start3A_218 = tpu.memref_squeeze %dma_start3A_217 : memref<1x128xi32, #tpu.memory_space<vmem>> -> memref<128xi32, #tpu.memory_space<vmem>>
      %dma_start3A_219 = arith.constant 0 : i32
      %dma_start3A_220 = tpu.memref_slice %arg7[%dma_start3A_219] : memref<10240xf32, #tpu.memory_space<vmem_shared>> -> memref<10240xf32, #tpu.memory_space<vmem_shared>>
      tpu.enqueue_indirect_dma source(%arg5 : memref<128xf32, #tpu.memory_space<vmem>>) target(%dma_start3A_220 : memref<10240xf32, #tpu.memory_space<vmem_shared>>) offsets(%dma_start3A_218 : memref<128xi32, #tpu.memory_space<vmem>>) semaphore(%arg8 : memref<!tpu.dma_semaphore, #tpu.memory_space<semaphore_mem>>) {add = true}
      %add3A_221 = arith.constant 1 : i32
      %add3A_222 = arith.addi %mul3A_216, %add3A_221 : i32
      %dma_start3A_223 = arith.constant 0 : i32
      %dma_start3A_224 = tpu.memref_slice %arg4[%add3A_222, %dma_start3A_223] : memref<80x128xi32, #tpu.memory_space<vmem>> -> memref<1x128xi32, #tpu.memory_space<vmem>>
      %dma_start3A_225 = tpu.memref_squeeze %dma_start3A_224 : memref<1x128xi32, #tpu.memory_space<vmem>> -> memref<128xi32, #tpu.memory_space<vmem>>
      %dma_start3A_226 = arith.constant 0 : i32
      %dma_start3A_227 = tpu.memref_slice %arg7[%dma_start3A_226] : memref<10240xf32, #tpu.memory_space<vmem_shared>> -> memref<10240xf32, #tpu.memory_space<vmem_shared>>
      tpu.enqueue_indirect_dma source(%arg5 : memref<128xf32, #tpu.memory_space<vmem>>) target(%dma_start3A_227 : memref<10240xf32, #tpu.memory_space<vmem_shared>>) offsets(%dma_start3A_225 : memref<128xi32, #tpu.memory_space<vmem>>) semaphore(%arg9 : memref<!tpu.dma_semaphore, #tpu.memory_space<semaphore_mem>>) {add = true}
      %dma_wait3A = arith.constant 0 : i32
      %dma_wait3A_228 = tpu.memref_slice %arg4[%mul3A_216, %dma_wait3A] : memref<80x128xi32, #tpu.memory_space<vmem>> -> memref<1x128xi32, #tpu.memory_space<vmem>>
      %dma_wait3A_229 = tpu.memref_squeeze %dma_wait3A_228 : memref<1x128xi32, #tpu.memory_space<vmem>> -> memref<128xi32, #tpu.memory_space<vmem>>
      %dma_wait3A_230 = arith.constant 0 : i32
      %dma_wait3A_231 = tpu.memref_slice %arg7[%dma_wait3A_230] : memref<10240xf32, #tpu.memory_space<vmem_shared>> -> memref<10240xf32, #tpu.memory_space<vmem_shared>>
      tpu.wait_indirect_dma semaphore(%arg8 : memref<!tpu.dma_semaphore, #tpu.memory_space<semaphore_mem>>) src(%arg5 : memref<128xf32, #tpu.memory_space<vmem>>) dst(%dma_wait3A_231 : memref<10240xf32, #tpu.memory_space<vmem_shared>>)
      %add3A_232 = arith.constant 1 : i32
      %add3A_233 = arith.addi %mul3A_216, %add3A_232 : i32
      %dma_wait3A_234 = arith.constant 0 : i32
      %dma_wait3A_235 = tpu.memref_slice %arg4[%add3A_233, %dma_wait3A_234] : memref<80x128xi32, #tpu.memory_space<vmem>> -> memref<1x128xi32, #tpu.memory_space<vmem>>
      %dma_wait3A_236 = tpu.memref_squeeze %dma_wait3A_235 : memref<1x128xi32, #tpu.memory_space<vmem>> -> memref<128xi32, #tpu.memory_space<vmem>>
      %dma_wait3A_237 = arith.constant 0 : i32
      %dma_wait3A_238 = tpu.memref_slice %arg7[%dma_wait3A_237] : memref<10240xf32, #tpu.memory_space<vmem_shared>> -> memref<10240xf32, #tpu.memory_space<vmem_shared>>
      tpu.wait_indirect_dma semaphore(%arg9 : memref<!tpu.dma_semaphore, #tpu.memory_space<semaphore_mem>>) src(%arg5 : memref<128xf32, #tpu.memory_space<vmem>>) dst(%dma_wait3A_238 : memref<10240xf32, #tpu.memory_space<vmem_shared>>)
      %scan3A_239 = arith.constant 0 : i32
      scf.yield %scan3A_239 : i32
    }
    %scan3A_204 = arith.constant 40 : i32
    %barrier3A_205 = arith.constant 0 : index
    tpu.barrier barrier_id(%barrier3A_205)
    %mul3A_206 = arith.constant 640 : i32
    %mul3A_207 = arith.muli %arg1, %mul3A_206 : i32
    "tpu.region"() ({
      %run_scoped3A = tpu.sem_alloc : memref<!tpu.dma_semaphore, #tpu.memory_space<semaphore_mem>>
      %dma_start3A = tpu.memref_slice %arg7[%mul3A_207] : memref<10240xf32, #tpu.memory_space<vmem_shared>> -> memref<640xf32, #tpu.memory_space<vmem_shared>>
      %dma_start3A_213 = tpu.memref_slice %arg7[%mul3A_207] : memref<10240xf32, #tpu.memory_space<vmem_shared>> -> memref<640xf32, #tpu.memory_space<vmem_shared>>
      tpu.enqueue_dma source(%dma_start3A_213 : memref<640xf32, #tpu.memory_space<vmem_shared>>) target(%arg6 : memref<640xf32, #tpu.memory_space<vmem>>) target_semaphore(%run_scoped3A : memref<!tpu.dma_semaphore, #tpu.memory_space<semaphore_mem>>)
      %dma_wait3A = tpu.memref_slice %arg7[%mul3A_207] : memref<10240xf32, #tpu.memory_space<vmem_shared>> -> memref<640xf32, #tpu.memory_space<vmem_shared>>
      %dma_wait3A_214 = tpu.memref_slice %arg7[%mul3A_207] : memref<10240xf32, #tpu.memory_space<vmem_shared>> -> memref<640xf32, #tpu.memory_space<vmem_shared>>
      tpu.wait_dma2 semaphore(%run_scoped3A : memref<!tpu.dma_semaphore, #tpu.memory_space<semaphore_mem>>) src(%dma_wait3A_214 : memref<640xf32, #tpu.memory_space<vmem_shared>>) dst(%arg6 : memref<640xf32, #tpu.memory_space<vmem>>)
      tpu.yield
    }) : () -> ()
    %mul3A_208 = arith.constant 10240 : i32
    %mul3A_209 = arith.muli %arg0, %mul3A_208 : i32
    %mul3A_210 = arith.constant 640 : i32
    %mul3A_211 = arith.muli %arg1, %mul3A_210 : i32
    %add3A_212 = arith.addi %mul3A_209, %mul3A_211 : i32
    "tpu.region"() ({
      %run_scoped3A = tpu.sem_alloc : memref<!tpu.dma_semaphore, #tpu.memory_space<semaphore_mem>>
      %dma_start3A = tpu.memref_slice %arg3[%add3A_212] : memref<20480xf32, #tpu.memory_space<hbm>> -> memref<640xf32, #tpu.memory_space<hbm>>
      %dma_start3A_213 = tpu.memref_slice %arg3[%add3A_212] : memref<20480xf32, #tpu.memory_space<hbm>> -> memref<640xf32, #tpu.memory_space<hbm>>
      tpu.enqueue_dma source(%arg6 : memref<640xf32, #tpu.memory_space<vmem>>) target(%dma_start3A_213 : memref<640xf32, #tpu.memory_space<hbm>>) target_semaphore(%run_scoped3A : memref<!tpu.dma_semaphore, #tpu.memory_space<semaphore_mem>>)
      %dma_wait3A = tpu.memref_slice %arg3[%add3A_212] : memref<20480xf32, #tpu.memory_space<hbm>> -> memref<640xf32, #tpu.memory_space<hbm>>
      %dma_wait3A_214 = tpu.memref_slice %arg3[%add3A_212] : memref<20480xf32, #tpu.memory_space<hbm>> -> memref<640xf32, #tpu.memory_space<hbm>>
      tpu.wait_dma2 semaphore(%run_scoped3A : memref<!tpu.dma_semaphore, #tpu.memory_space<semaphore_mem>>) src(%arg6 : memref<640xf32, #tpu.memory_space<vmem>>) dst(%dma_wait3A_214 : memref<640xf32, #tpu.memory_space<hbm>>)
      tpu.yield
    }) : () -> ()
    return
  }
}

#map = affine_map<(d0, d1) -> (0, 0)>
module attributes {stable_mosaic.version = 14 : i64} {
  func.func @_scatter_kernel(%arg0: i32, %arg1: i32, %arg2: memref<10000x128xf32, #tpu.memory_space<hbm>>, %arg3: memref<2560x128xi32, #tpu.memory_space<hbm>>, %arg4: memref<2560x128xi32, #tpu.memory_space<hbm>>, %arg5: memref<20480x128xf32, #tpu.memory_space<hbm>>, %arg6: memref<40x128xi32, #tpu.memory_space<vmem>>, %arg7: memref<40x128xi32, #tpu.memory_space<vmem>>, %arg8: memref<128x128xf32, #tpu.memory_space<vmem>>, %arg9: memref<128x128xf32, #tpu.memory_space<vmem>>, %arg10: memref<10240x128xf32, #tpu.memory_space<vmem_shared>>, %arg11: memref<!tpu.dma_semaphore, #tpu.memory_space<semaphore_mem>>, %arg12: memref<!tpu.dma_semaphore, #tpu.memory_space<semaphore_mem>>) attributes {dimension_semantics = [#tpu.dimension_semantics<core_parallel>, #tpu.dimension_semantics<subcore_parallel>], iteration_bounds = array<i64: 2, 16>, scalar_prefetch = 0 : i64, scratch_operands = 7 : i64, tpu.core_type = #tpu.core_type<sc_vector_subcore>, window_params = [{transform_indices = #map}, {transform_indices = #map}, {transform_indices = #map}, {transform_indices = #map}]} {
    %mul3A = arith.constant 16 : i32
    %mul3A_0 = arith.muli %arg0, %mul3A : i32
    %add3A = arith.addi %mul3A_0, %arg1 : i32
    %mul3A_1 = arith.constant 80 : i32
    %mul3A_2 = arith.muli %add3A, %mul3A_1 : i32
    %dma_start3A = arith.constant 0 : i32
    %dma_start3A_3 = tpu.memref_slice %arg3[%mul3A_2, %dma_start3A] : memref<2560x128xi32, #tpu.memory_space<hbm>> -> memref<40x128xi32, #tpu.memory_space<hbm>>
    %dma_start3A_4 = arith.constant 0 : i32
    %dma_start3A_5 = tpu.memref_slice %arg3[%mul3A_2, %dma_start3A_4] : memref<2560x128xi32, #tpu.memory_space<hbm>> -> memref<40x128xi32, #tpu.memory_space<hbm>>
    tpu.enqueue_dma source(%dma_start3A_5 : memref<40x128xi32, #tpu.memory_space<hbm>>) target(%arg6 : memref<40x128xi32, #tpu.memory_space<vmem>>) target_semaphore(%arg11 : memref<!tpu.dma_semaphore, #tpu.memory_space<semaphore_mem>>)
    %mul3A_6 = arith.constant 80 : i32
    %mul3A_7 = arith.muli %add3A, %mul3A_6 : i32
    %dma_start3A_8 = arith.constant 0 : i32
    %dma_start3A_9 = tpu.memref_slice %arg4[%mul3A_7, %dma_start3A_8] : memref<2560x128xi32, #tpu.memory_space<hbm>> -> memref<40x128xi32, #tpu.memory_space<hbm>>
    %dma_start3A_10 = arith.constant 0 : i32
    %dma_start3A_11 = tpu.memref_slice %arg4[%mul3A_7, %dma_start3A_10] : memref<2560x128xi32, #tpu.memory_space<hbm>> -> memref<40x128xi32, #tpu.memory_space<hbm>>
    tpu.enqueue_dma source(%dma_start3A_11 : memref<40x128xi32, #tpu.memory_space<hbm>>) target(%arg7 : memref<40x128xi32, #tpu.memory_space<vmem>>) target_semaphore(%arg12 : memref<!tpu.dma_semaphore, #tpu.memory_space<semaphore_mem>>)
    %broadcast_in_dim3A = arith.constant 0.000000e+00 : f32
    %broadcast_in_dim3A_12 = vector.broadcast %broadcast_in_dim3A : f32 to vector<16xf32>
    %scan3A = arith.constant 0 : i32
    %scan3A_13 = arith.constant 0 : i32
    %scan3A_14 = arith.constant 128 : i32
    %scan3A_15 = arith.addi %scan3A_13, %scan3A_14 : i32
    %scan3A_16 = arith.constant 1 : i32
    %scan3A_17 = scf.for %scan3A_90 = %scan3A_13 to %scan3A_15 step %scan3A_16 iter_args(%scan3A_91 = %scan3A) -> (i32)  : i32 {
      %swap3A = arith.index_cast %scan3A_90 : i32 to index
      %swap3A_92 = arith.constant 0 : index
      %swap3A_93 = tpu.vector_load %arg9[%swap3A, %swap3A_92] {strides = array<i32>} : memref<128x128xf32, #tpu.memory_space<vmem>>, vector<1x16xf32>,
      %swap3A_94 = vector.shape_cast %swap3A_93 : vector<1x16xf32> to vector<16xf32>
      %swap3A_95 = vector.shape_cast %broadcast_in_dim3A_12 : vector<16xf32> to vector<1x16xf32>
      tpu.vector_store %arg9[%swap3A, %swap3A_92], %swap3A_95 {strides = array<i32>} : memref<128x128xf32, #tpu.memory_space<vmem>>, vector<1x16xf32>,
      %swap3A_96 = arith.index_cast %scan3A_90 : i32 to index
      %swap3A_97 = arith.constant 16 : index
      %swap3A_98 = tpu.vector_load %arg9[%swap3A_96, %swap3A_97] {strides = array<i32>} : memref<128x128xf32, #tpu.memory_space<vmem>>, vector<1x16xf32>,
      %swap3A_99 = vector.shape_cast %swap3A_98 : vector<1x16xf32> to vector<16xf32>
      %swap3A_100 = vector.shape_cast %broadcast_in_dim3A_12 : vector<16xf32> to vector<1x16xf32>
      tpu.vector_store %arg9[%swap3A_96, %swap3A_97], %swap3A_100 {strides = array<i32>} : memref<128x128xf32, #tpu.memory_space<vmem>>, vector<1x16xf32>,
      %swap3A_101 = arith.index_cast %scan3A_90 : i32 to index
      %swap3A_102 = arith.constant 32 : index
      %swap3A_103 = tpu.vector_load %arg9[%swap3A_101, %swap3A_102] {strides = array<i32>} : memref<128x128xf32, #tpu.memory_space<vmem>>, vector<1x16xf32>,
      %swap3A_104 = vector.shape_cast %swap3A_103 : vector<1x16xf32> to vector<16xf32>
      %swap3A_105 = vector.shape_cast %broadcast_in_dim3A_12 : vector<16xf32> to vector<1x16xf32>
      tpu.vector_store %arg9[%swap3A_101, %swap3A_102], %swap3A_105 {strides = array<i32>} : memref<128x128xf32, #tpu.memory_space<vmem>>, vector<1x16xf32>,
      %swap3A_106 = arith.index_cast %scan3A_90 : i32 to index
      %swap3A_107 = arith.constant 48 : index
      %swap3A_108 = tpu.vector_load %arg9[%swap3A_106, %swap3A_107] {strides = array<i32>} : memref<128x128xf32, #tpu.memory_space<vmem>>, vector<1x16xf32>,
      %swap3A_109 = vector.shape_cast %swap3A_108 : vector<1x16xf32> to vector<16xf32>
      %swap3A_110 = vector.shape_cast %broadcast_in_dim3A_12 : vector<16xf32> to vector<1x16xf32>
      tpu.vector_store %arg9[%swap3A_106, %swap3A_107], %swap3A_110 {strides = array<i32>} : memref<128x128xf32, #tpu.memory_space<vmem>>, vector<1x16xf32>,
      %swap3A_111 = arith.index_cast %scan3A_90 : i32 to index
      %swap3A_112 = arith.constant 64 : index
      %swap3A_113 = tpu.vector_load %arg9[%swap3A_111, %swap3A_112] {strides = array<i32>} : memref<128x128xf32, #tpu.memory_space<vmem>>, vector<1x16xf32>,
      %swap3A_114 = vector.shape_cast %swap3A_113 : vector<1x16xf32> to vector<16xf32>
      %swap3A_115 = vector.shape_cast %broadcast_in_dim3A_12 : vector<16xf32> to vector<1x16xf32>
      tpu.vector_store %arg9[%swap3A_111, %swap3A_112], %swap3A_115 {strides = array<i32>} : memref<128x128xf32, #tpu.memory_space<vmem>>, vector<1x16xf32>,
      %swap3A_116 = arith.index_cast %scan3A_90 : i32 to index
      %swap3A_117 = arith.constant 80 : index
      %swap3A_118 = tpu.vector_load %arg9[%swap3A_116, %swap3A_117] {strides = array<i32>} : memref<128x128xf32, #tpu.memory_space<vmem>>, vector<1x16xf32>,
      %swap3A_119 = vector.shape_cast %swap3A_118 : vector<1x16xf32> to vector<16xf32>
      %swap3A_120 = vector.shape_cast %broadcast_in_dim3A_12 : vector<16xf32> to vector<1x16xf32>
      tpu.vector_store %arg9[%swap3A_116, %swap3A_117], %swap3A_120 {strides = array<i32>} : memref<128x128xf32, #tpu.memory_space<vmem>>, vector<1x16xf32>,
      %swap3A_121 = arith.index_cast %scan3A_90 : i32 to index
      %swap3A_122 = arith.constant 96 : index
      %swap3A_123 = tpu.vector_load %arg9[%swap3A_121, %swap3A_122] {strides = array<i32>} : memref<128x128xf32, #tpu.memory_space<vmem>>, vector<1x16xf32>,
      %swap3A_124 = vector.shape_cast %swap3A_123 : vector<1x16xf32> to vector<16xf32>
      %swap3A_125 = vector.shape_cast %broadcast_in_dim3A_12 : vector<16xf32> to vector<1x16xf32>
      tpu.vector_store %arg9[%swap3A_121, %swap3A_122], %swap3A_125 {strides = array<i32>} : memref<128x128xf32, #tpu.memory_space<vmem>>, vector<1x16xf32>,
      %swap3A_126 = arith.index_cast %scan3A_90 : i32 to index
      %swap3A_127 = arith.constant 112 : index
      %swap3A_128 = tpu.vector_load %arg9[%swap3A_126, %swap3A_127] {strides = array<i32>} : memref<128x128xf32, #tpu.memory_space<vmem>>, vector<1x16xf32>,
      %swap3A_129 = vector.shape_cast %swap3A_128 : vector<1x16xf32> to vector<16xf32>
      %swap3A_130 = vector.shape_cast %broadcast_in_dim3A_12 : vector<16xf32> to vector<1x16xf32>
      tpu.vector_store %arg9[%swap3A_126, %swap3A_127], %swap3A_130 {strides = array<i32>} : memref<128x128xf32, #tpu.memory_space<vmem>>, vector<1x16xf32>,
      %scan3A_131 = arith.constant 0 : i32
      scf.yield %scan3A_131 : i32
    }
    %scan3A_18 = arith.constant 128 : i32
    %mul3A_19 = arith.constant 640 : i32
    %mul3A_20 = arith.muli %arg1, %mul3A_19 : i32
    %add3A_21 = arith.constant 0 : i32
    %add3A_22 = arith.addi %mul3A_20, %add3A_21 : i32
    "tpu.region"() ({
      %run_scoped3A = tpu.sem_alloc : memref<!tpu.dma_semaphore, #tpu.memory_space<semaphore_mem>>
      %dma_start3A_90 = arith.constant 0 : i32
      %dma_start3A_91 = tpu.memref_slice %arg10[%add3A_22, %dma_start3A_90] : memref<10240x128xf32, #tpu.memory_space<vmem_shared>> -> memref<128x128xf32, #tpu.memory_space<vmem_shared>>
      %dma_start3A_92 = arith.constant 0 : i32
      %dma_start3A_93 = tpu.memref_slice %arg10[%add3A_22, %dma_start3A_92] : memref<10240x128xf32, #tpu.memory_space<vmem_shared>> -> memref<128x128xf32, #tpu.memory_space<vmem_shared>>
      tpu.enqueue_dma source(%arg9 : memref<128x128xf32, #tpu.memory_space<vmem>>) target(%dma_start3A_93 : memref<128x128xf32, #tpu.memory_space<vmem_shared>>) target_semaphore(%run_scoped3A : memref<!tpu.dma_semaphore, #tpu.memory_space<semaphore_mem>>)
      %dma_wait3A_94 = arith.constant 0 : i32
      %dma_wait3A_95 = tpu.memref_slice %arg10[%add3A_22, %dma_wait3A_94] : memref<10240x128xf32, #tpu.memory_space<vmem_shared>> -> memref<128x128xf32, #tpu.memory_space<vmem_shared>>
      %dma_wait3A_96 = arith.constant 0 : i32
      %dma_wait3A_97 = tpu.memref_slice %arg10[%add3A_22, %dma_wait3A_96] : memref<10240x128xf32, #tpu.memory_space<vmem_shared>> -> memref<128x128xf32, #tpu.memory_space<vmem_shared>>
      tpu.wait_dma2 semaphore(%run_scoped3A : memref<!tpu.dma_semaphore, #tpu.memory_space<semaphore_mem>>) src(%arg9 : memref<128x128xf32, #tpu.memory_space<vmem>>) dst(%dma_wait3A_97 : memref<128x128xf32, #tpu.memory_space<vmem_shared>>)
      tpu.yield
    }) : () -> ()
    %mul3A_23 = arith.constant 640 : i32
    %mul3A_24 = arith.muli %arg1, %mul3A_23 : i32
    %add3A_25 = arith.constant 128 : i32
    %add3A_26 = arith.addi %mul3A_24, %add3A_25 : i32
    "tpu.region"() ({
      %run_scoped3A = tpu.sem_alloc : memref<!tpu.dma_semaphore, #tpu.memory_space<semaphore_mem>>
      %dma_start3A_90 = arith.constant 0 : i32
      %dma_start3A_91 = tpu.memref_slice %arg10[%add3A_26, %dma_start3A_90] : memref<10240x128xf32, #tpu.memory_space<vmem_shared>> -> memref<128x128xf32, #tpu.memory_space<vmem_shared>>
      %dma_start3A_92 = arith.constant 0 : i32
      %dma_start3A_93 = tpu.memref_slice %arg10[%add3A_26, %dma_start3A_92] : memref<10240x128xf32, #tpu.memory_space<vmem_shared>> -> memref<128x128xf32, #tpu.memory_space<vmem_shared>>
      tpu.enqueue_dma source(%arg9 : memref<128x128xf32, #tpu.memory_space<vmem>>) target(%dma_start3A_93 : memref<128x128xf32, #tpu.memory_space<vmem_shared>>) target_semaphore(%run_scoped3A : memref<!tpu.dma_semaphore, #tpu.memory_space<semaphore_mem>>)
      %dma_wait3A_94 = arith.constant 0 : i32
      %dma_wait3A_95 = tpu.memref_slice %arg10[%add3A_26, %dma_wait3A_94] : memref<10240x128xf32, #tpu.memory_space<vmem_shared>> -> memref<128x128xf32, #tpu.memory_space<vmem_shared>>
      %dma_wait3A_96 = arith.constant 0 : i32
      %dma_wait3A_97 = tpu.memref_slice %arg10[%add3A_26, %dma_wait3A_96] : memref<10240x128xf32, #tpu.memory_space<vmem_shared>> -> memref<128x128xf32, #tpu.memory_space<vmem_shared>>
      tpu.wait_dma2 semaphore(%run_scoped3A : memref<!tpu.dma_semaphore, #tpu.memory_space<semaphore_mem>>) src(%arg9 : memref<128x128xf32, #tpu.memory_space<vmem>>) dst(%dma_wait3A_97 : memref<128x128xf32, #tpu.memory_space<vmem_shared>>)
      tpu.yield
    }) : () -> ()
    %mul3A_27 = arith.constant 640 : i32
    %mul3A_28 = arith.muli %arg1, %mul3A_27 : i32
    %add3A_29 = arith.constant 256 : i32
    %add3A_30 = arith.addi %mul3A_28, %add3A_29 : i32
    "tpu.region"() ({
      %run_scoped3A = tpu.sem_alloc : memref<!tpu.dma_semaphore, #tpu.memory_space<semaphore_mem>>
      %dma_start3A_90 = arith.constant 0 : i32
      %dma_start3A_91 = tpu.memref_slice %arg10[%add3A_30, %dma_start3A_90] : memref<10240x128xf32, #tpu.memory_space<vmem_shared>> -> memref<128x128xf32, #tpu.memory_space<vmem_shared>>
      %dma_start3A_92 = arith.constant 0 : i32
      %dma_start3A_93 = tpu.memref_slice %arg10[%add3A_30, %dma_start3A_92] : memref<10240x128xf32, #tpu.memory_space<vmem_shared>> -> memref<128x128xf32, #tpu.memory_space<vmem_shared>>
      tpu.enqueue_dma source(%arg9 : memref<128x128xf32, #tpu.memory_space<vmem>>) target(%dma_start3A_93 : memref<128x128xf32, #tpu.memory_space<vmem_shared>>) target_semaphore(%run_scoped3A : memref<!tpu.dma_semaphore, #tpu.memory_space<semaphore_mem>>)
      %dma_wait3A_94 = arith.constant 0 : i32
      %dma_wait3A_95 = tpu.memref_slice %arg10[%add3A_30, %dma_wait3A_94] : memref<10240x128xf32, #tpu.memory_space<vmem_shared>> -> memref<128x128xf32, #tpu.memory_space<vmem_shared>>
      %dma_wait3A_96 = arith.constant 0 : i32
      %dma_wait3A_97 = tpu.memref_slice %arg10[%add3A_30, %dma_wait3A_96] : memref<10240x128xf32, #tpu.memory_space<vmem_shared>> -> memref<128x128xf32, #tpu.memory_space<vmem_shared>>
      tpu.wait_dma2 semaphore(%run_scoped3A : memref<!tpu.dma_semaphore, #tpu.memory_space<semaphore_mem>>) src(%arg9 : memref<128x128xf32, #tpu.memory_space<vmem>>) dst(%dma_wait3A_97 : memref<128x128xf32, #tpu.memory_space<vmem_shared>>)
      tpu.yield
    }) : () -> ()
    %mul3A_31 = arith.constant 640 : i32
    %mul3A_32 = arith.muli %arg1, %mul3A_31 : i32
    %add3A_33 = arith.constant 384 : i32
    %add3A_34 = arith.addi %mul3A_32, %add3A_33 : i32
    "tpu.region"() ({
      %run_scoped3A = tpu.sem_alloc : memref<!tpu.dma_semaphore, #tpu.memory_space<semaphore_mem>>
      %dma_start3A_90 = arith.constant 0 : i32
      %dma_start3A_91 = tpu.memref_slice %arg10[%add3A_34, %dma_start3A_90] : memref<10240x128xf32, #tpu.memory_space<vmem_shared>> -> memref<128x128xf32, #tpu.memory_space<vmem_shared>>
      %dma_start3A_92 = arith.constant 0 : i32
      %dma_start3A_93 = tpu.memref_slice %arg10[%add3A_34, %dma_start3A_92] : memref<10240x128xf32, #tpu.memory_space<vmem_shared>> -> memref<128x128xf32, #tpu.memory_space<vmem_shared>>
      tpu.enqueue_dma source(%arg9 : memref<128x128xf32, #tpu.memory_space<vmem>>) target(%dma_start3A_93 : memref<128x128xf32, #tpu.memory_space<vmem_shared>>) target_semaphore(%run_scoped3A : memref<!tpu.dma_semaphore, #tpu.memory_space<semaphore_mem>>)
      %dma_wait3A_94 = arith.constant 0 : i32
      %dma_wait3A_95 = tpu.memref_slice %arg10[%add3A_34, %dma_wait3A_94] : memref<10240x128xf32, #tpu.memory_space<vmem_shared>> -> memref<128x128xf32, #tpu.memory_space<vmem_shared>>
      %dma_wait3A_96 = arith.constant 0 : i32
      %dma_wait3A_97 = tpu.memref_slice %arg10[%add3A_34, %dma_wait3A_96] : memref<10240x128xf32, #tpu.memory_space<vmem_shared>> -> memref<128x128xf32, #tpu.memory_space<vmem_shared>>
      tpu.wait_dma2 semaphore(%run_scoped3A : memref<!tpu.dma_semaphore, #tpu.memory_space<semaphore_mem>>) src(%arg9 : memref<128x128xf32, #tpu.memory_space<vmem>>) dst(%dma_wait3A_97 : memref<128x128xf32, #tpu.memory_space<vmem_shared>>)
      tpu.yield
    }) : () -> ()
    %mul3A_35 = arith.constant 640 : i32
    %mul3A_36 = arith.muli %arg1, %mul3A_35 : i32
    %add3A_37 = arith.constant 512 : i32
    %add3A_38 = arith.addi %mul3A_36, %add3A_37 : i32
    "tpu.region"() ({
      %run_scoped3A = tpu.sem_alloc : memref<!tpu.dma_semaphore, #tpu.memory_space<semaphore_mem>>
      %dma_start3A_90 = arith.constant 0 : i32
      %dma_start3A_91 = tpu.memref_slice %arg10[%add3A_38, %dma_start3A_90] : memref<10240x128xf32, #tpu.memory_space<vmem_shared>> -> memref<128x128xf32, #tpu.memory_space<vmem_shared>>
      %dma_start3A_92 = arith.constant 0 : i32
      %dma_start3A_93 = tpu.memref_slice %arg10[%add3A_38, %dma_start3A_92] : memref<10240x128xf32, #tpu.memory_space<vmem_shared>> -> memref<128x128xf32, #tpu.memory_space<vmem_shared>>
      tpu.enqueue_dma source(%arg9 : memref<128x128xf32, #tpu.memory_space<vmem>>) target(%dma_start3A_93 : memref<128x128xf32, #tpu.memory_space<vmem_shared>>) target_semaphore(%run_scoped3A : memref<!tpu.dma_semaphore, #tpu.memory_space<semaphore_mem>>)
      %dma_wait3A_94 = arith.constant 0 : i32
      %dma_wait3A_95 = tpu.memref_slice %arg10[%add3A_38, %dma_wait3A_94] : memref<10240x128xf32, #tpu.memory_space<vmem_shared>> -> memref<128x128xf32, #tpu.memory_space<vmem_shared>>
      %dma_wait3A_96 = arith.constant 0 : i32
      %dma_wait3A_97 = tpu.memref_slice %arg10[%add3A_38, %dma_wait3A_96] : memref<10240x128xf32, #tpu.memory_space<vmem_shared>> -> memref<128x128xf32, #tpu.memory_space<vmem_shared>>
      tpu.wait_dma2 semaphore(%run_scoped3A : memref<!tpu.dma_semaphore, #tpu.memory_space<semaphore_mem>>) src(%arg9 : memref<128x128xf32, #tpu.memory_space<vmem>>) dst(%dma_wait3A_97 : memref<128x128xf32, #tpu.memory_space<vmem_shared>>)
      tpu.yield
    }) : () -> ()
    %mul3A_39 = arith.constant 80 : i32
    %mul3A_40 = arith.muli %add3A, %mul3A_39 : i32
    %dma_wait3A = arith.constant 0 : i32
    %dma_wait3A_41 = tpu.memref_slice %arg3[%mul3A_40, %dma_wait3A] : memref<2560x128xi32, #tpu.memory_space<hbm>> -> memref<40x128xi32, #tpu.memory_space<hbm>>
    %dma_wait3A_42 = arith.constant 0 : i32
    %dma_wait3A_43 = tpu.memref_slice %arg3[%mul3A_40, %dma_wait3A_42] : memref<2560x128xi32, #tpu.memory_space<hbm>> -> memref<40x128xi32, #tpu.memory_space<hbm>>
    tpu.wait_dma2 semaphore(%arg11 : memref<!tpu.dma_semaphore, #tpu.memory_space<semaphore_mem>>) src(%dma_wait3A_43 : memref<40x128xi32, #tpu.memory_space<hbm>>) dst(%arg6 : memref<40x128xi32, #tpu.memory_space<vmem>>)
    %mul3A_44 = arith.constant 80 : i32
    %mul3A_45 = arith.muli %add3A, %mul3A_44 : i32
    %dma_wait3A_46 = arith.constant 0 : i32
    %dma_wait3A_47 = tpu.memref_slice %arg4[%mul3A_45, %dma_wait3A_46] : memref<2560x128xi32, #tpu.memory_space<hbm>> -> memref<40x128xi32, #tpu.memory_space<hbm>>
    %dma_wait3A_48 = arith.constant 0 : i32
    %dma_wait3A_49 = tpu.memref_slice %arg4[%mul3A_45, %dma_wait3A_48] : memref<2560x128xi32, #tpu.memory_space<hbm>> -> memref<40x128xi32, #tpu.memory_space<hbm>>
    tpu.wait_dma2 semaphore(%arg12 : memref<!tpu.dma_semaphore, #tpu.memory_space<semaphore_mem>>) src(%dma_wait3A_49 : memref<40x128xi32, #tpu.memory_space<hbm>>) dst(%arg7 : memref<40x128xi32, #tpu.memory_space<vmem>>)
    %barrier3A = arith.constant 0 : index
    tpu.barrier barrier_id(%barrier3A)
    %dma_start3A_50 = arith.constant 0 : i32
    %dma_start3A_51 = arith.constant 0 : i32
    %dma_start3A_52 = tpu.memref_slice %arg6[%dma_start3A_50, %dma_start3A_51] : memref<40x128xi32, #tpu.memory_space<vmem>> -> memref<1x128xi32, #tpu.memory_space<vmem>>
    %dma_start3A_53 = tpu.memref_squeeze %dma_start3A_52 : memref<1x128xi32, #tpu.memory_space<vmem>> -> memref<128xi32, #tpu.memory_space<vmem>>
    %dma_start3A_54 = arith.constant 0 : i32
    %dma_start3A_55 = arith.constant 0 : i32
    %dma_start3A_56 = tpu.memref_slice %arg2[%dma_start3A_54, %dma_start3A_55] : memref<10000x128xf32, #tpu.memory_space<hbm>> -> memref<10000x128xf32, #tpu.memory_space<hbm>>
    tpu.enqueue_indirect_dma source(%dma_start3A_56 : memref<10000x128xf32, #tpu.memory_space<hbm>>) target(%arg8 : memref<128x128xf32, #tpu.memory_space<vmem>>) offsets(%dma_start3A_53 : memref<128xi32, #tpu.memory_space<vmem>>) semaphore(%arg11 : memref<!tpu.dma_semaphore, #tpu.memory_space<semaphore_mem>>)
    %scan3A_57 = arith.constant 0 : i32
    %scan3A_58 = arith.constant 0 : i32
    %scan3A_59 = arith.constant 20 : i32
    %scan3A_60 = arith.addi %scan3A_58, %scan3A_59 : i32
    %scan3A_61 = arith.constant 1 : i32
    %scan3A_62 = scf.for %scan3A_90 = %scan3A_58 to %scan3A_60 step %scan3A_61 iter_args(%scan3A_91 = %scan3A_57) -> (i32)  : i32 {
      %mul3A_92 = arith.constant 2 : i32
      %mul3A_93 = arith.muli %mul3A_92, %scan3A_90 : i32
      %add3A_94 = arith.constant 1 : i32
      %add3A_95 = arith.addi %mul3A_93, %add3A_94 : i32
      %dma_start3A_96 = arith.constant 0 : i32
      %dma_start3A_97 = tpu.memref_slice %arg6[%add3A_95, %dma_start3A_96] : memref<40x128xi32, #tpu.memory_space<vmem>> -> memref<1x128xi32, #tpu.memory_space<vmem>>
      %dma_start3A_98 = tpu.memref_squeeze %dma_start3A_97 : memref<1x128xi32, #tpu.memory_space<vmem>> -> memref<128xi32, #tpu.memory_space<vmem>>
      %dma_start3A_99 = arith.constant 0 : i32
      %dma_start3A_100 = arith.constant 0 : i32
      %dma_start3A_101 = tpu.memref_slice %arg2[%dma_start3A_99, %dma_start3A_100] : memref<10000x128xf32, #tpu.memory_space<hbm>> -> memref<10000x128xf32, #tpu.memory_space<hbm>>
      tpu.enqueue_indirect_dma source(%dma_start3A_101 : memref<10000x128xf32, #tpu.memory_space<hbm>>) target(%arg9 : memref<128x128xf32, #tpu.memory_space<vmem>>) offsets(%dma_start3A_98 : memref<128xi32, #tpu.memory_space<vmem>>) semaphore(%arg12 : memref<!tpu.dma_semaphore, #tpu.memory_space<semaphore_mem>>)
      %dma_wait3A_102 = arith.constant 0 : i32
      %dma_wait3A_103 = tpu.memref_slice %arg6[%mul3A_93, %dma_wait3A_102] : memref<40x128xi32, #tpu.memory_space<vmem>> -> memref<1x128xi32, #tpu.memory_space<vmem>>
      %dma_wait3A_104 = tpu.memref_squeeze %dma_wait3A_103 : memref<1x128xi32, #tpu.memory_space<vmem>> -> memref<128xi32, #tpu.memory_space<vmem>>
      %dma_wait3A_105 = arith.constant 0 : i32
      %dma_wait3A_106 = arith.constant 0 : i32
      %dma_wait3A_107 = tpu.memref_slice %arg2[%dma_wait3A_105, %dma_wait3A_106] : memref<10000x128xf32, #tpu.memory_space<hbm>> -> memref<10000x128xf32, #tpu.memory_space<hbm>>
      tpu.wait_indirect_dma semaphore(%arg11 : memref<!tpu.dma_semaphore, #tpu.memory_space<semaphore_mem>>) src(%dma_wait3A_107 : memref<10000x128xf32, #tpu.memory_space<hbm>>) dst(%arg8 : memref<128x128xf32, #tpu.memory_space<vmem>>)
      "tpu.region"() ({
        %run_scoped3A = tpu.sem_alloc : memref<!tpu.dma_semaphore, #tpu.memory_space<semaphore_mem>>
        %dma_start3A_121 = arith.constant 0 : i32
        %dma_start3A_122 = tpu.memref_slice %arg7[%mul3A_93, %dma_start3A_121] : memref<40x128xi32, #tpu.memory_space<vmem>> -> memref<1x128xi32, #tpu.memory_space<vmem>>
        %dma_start3A_123 = tpu.memref_squeeze %dma_start3A_122 : memref<1x128xi32, #tpu.memory_space<vmem>> -> memref<128xi32, #tpu.memory_space<vmem>>
        %dma_start3A_124 = arith.constant 0 : i32
        %dma_start3A_125 = arith.constant 0 : i32
        %dma_start3A_126 = tpu.memref_slice %arg10[%dma_start3A_124, %dma_start3A_125] : memref<10240x128xf32, #tpu.memory_space<vmem_shared>> -> memref<10240x128xf32, #tpu.memory_space<vmem_shared>>
        tpu.enqueue_indirect_dma source(%arg8 : memref<128x128xf32, #tpu.memory_space<vmem>>) target(%dma_start3A_126 : memref<10240x128xf32, #tpu.memory_space<vmem_shared>>) offsets(%dma_start3A_123 : memref<128xi32, #tpu.memory_space<vmem>>) semaphore(%run_scoped3A : memref<!tpu.dma_semaphore, #tpu.memory_space<semaphore_mem>>) {add = true}
        %dma_wait3A_127 = arith.constant 0 : i32
        %dma_wait3A_128 = tpu.memref_slice %arg7[%mul3A_93, %dma_wait3A_127] : memref<40x128xi32, #tpu.memory_space<vmem>> -> memref<1x128xi32, #tpu.memory_space<vmem>>
        %dma_wait3A_129 = tpu.memref_squeeze %dma_wait3A_128 : memref<1x128xi32, #tpu.memory_space<vmem>> -> memref<128xi32, #tpu.memory_space<vmem>>
        %dma_wait3A_130 = arith.constant 0 : i32
        %dma_wait3A_131 = arith.constant 0 : i32
        %dma_wait3A_132 = tpu.memref_slice %arg10[%dma_wait3A_130, %dma_wait3A_131] : memref<10240x128xf32, #tpu.memory_space<vmem_shared>> -> memref<10240x128xf32, #tpu.memory_space<vmem_shared>>
        tpu.wait_indirect_dma semaphore(%run_scoped3A : memref<!tpu.dma_semaphore, #tpu.memory_space<semaphore_mem>>) src(%arg8 : memref<128x128xf32, #tpu.memory_space<vmem>>) dst(%dma_wait3A_132 : memref<10240x128xf32, #tpu.memory_space<vmem_shared>>)
        tpu.yield
      }) : () -> ()
      %lt3A = arith.constant 19 : i32
      %lt3A_108 = arith.cmpi slt, %scan3A_90, %lt3A : i32
      %convert_element_type3A = arith.extui %lt3A_108 : i1 to i32
      %cond3A = arith.constant 0 : i32
      %cond3A_109 = arith.cmpi ne, %convert_element_type3A, %cond3A : i32
      scf.if %cond3A_109 {
        %add3A_121 = arith.constant 2 : i32
        %add3A_122 = arith.addi %mul3A_93, %add3A_121 : i32
        %dma_start3A_123 = arith.constant 0 : i32
        %dma_start3A_124 = tpu.memref_slice %arg6[%add3A_122, %dma_start3A_123] : memref<40x128xi32, #tpu.memory_space<vmem>> -> memref<1x128xi32, #tpu.memory_space<vmem>>
        %dma_start3A_125 = tpu.memref_squeeze %dma_start3A_124 : memref<1x128xi32, #tpu.memory_space<vmem>> -> memref<128xi32, #tpu.memory_space<vmem>>
        %dma_start3A_126 = arith.constant 0 : i32
        %dma_start3A_127 = arith.constant 0 : i32
        %dma_start3A_128 = tpu.memref_slice %arg2[%dma_start3A_126, %dma_start3A_127] : memref<10000x128xf32, #tpu.memory_space<hbm>> -> memref<10000x128xf32, #tpu.memory_space<hbm>>
        tpu.enqueue_indirect_dma source(%dma_start3A_128 : memref<10000x128xf32, #tpu.memory_space<hbm>>) target(%arg8 : memref<128x128xf32, #tpu.memory_space<vmem>>) offsets(%dma_start3A_125 : memref<128xi32, #tpu.memory_space<vmem>>) semaphore(%arg11 : memref<!tpu.dma_semaphore, #tpu.memory_space<semaphore_mem>>)
      } else {
      }
      %add3A_110 = arith.constant 1 : i32
      %add3A_111 = arith.addi %mul3A_93, %add3A_110 : i32
      %dma_wait3A_112 = arith.constant 0 : i32
      %dma_wait3A_113 = tpu.memref_slice %arg6[%add3A_111, %dma_wait3A_112] : memref<40x128xi32, #tpu.memory_space<vmem>> -> memref<1x128xi32, #tpu.memory_space<vmem>>
      %dma_wait3A_114 = tpu.memref_squeeze %dma_wait3A_113 : memref<1x128xi32, #tpu.memory_space<vmem>> -> memref<128xi32, #tpu.memory_space<vmem>>
      %dma_wait3A_115 = arith.constant 0 : i32
      %dma_wait3A_116 = arith.constant 0 : i32
      %dma_wait3A_117 = tpu.memref_slice %arg2[%dma_wait3A_115, %dma_wait3A_116] : memref<10000x128xf32, #tpu.memory_space<hbm>> -> memref<10000x128xf32, #tpu.memory_space<hbm>>
      tpu.wait_indirect_dma semaphore(%arg12 : memref<!tpu.dma_semaphore, #tpu.memory_space<semaphore_mem>>) src(%dma_wait3A_117 : memref<10000x128xf32, #tpu.memory_space<hbm>>) dst(%arg9 : memref<128x128xf32, #tpu.memory_space<vmem>>)
      %add3A_118 = arith.constant 1 : i32
      %add3A_119 = arith.addi %mul3A_93, %add3A_118 : i32
      "tpu.region"() ({
        %run_scoped3A = tpu.sem_alloc : memref<!tpu.dma_semaphore, #tpu.memory_space<semaphore_mem>>
        %dma_start3A_121 = arith.constant 0 : i32
        %dma_start3A_122 = tpu.memref_slice %arg7[%add3A_119, %dma_start3A_121] : memref<40x128xi32, #tpu.memory_space<vmem>> -> memref<1x128xi32, #tpu.memory_space<vmem>>
        %dma_start3A_123 = tpu.memref_squeeze %dma_start3A_122 : memref<1x128xi32, #tpu.memory_space<vmem>> -> memref<128xi32, #tpu.memory_space<vmem>>
        %dma_start3A_124 = arith.constant 0 : i32
        %dma_start3A_125 = arith.constant 0 : i32
        %dma_start3A_126 = tpu.memref_slice %arg10[%dma_start3A_124, %dma_start3A_125] : memref<10240x128xf32, #tpu.memory_space<vmem_shared>> -> memref<10240x128xf32, #tpu.memory_space<vmem_shared>>
        tpu.enqueue_indirect_dma source(%arg9 : memref<128x128xf32, #tpu.memory_space<vmem>>) target(%dma_start3A_126 : memref<10240x128xf32, #tpu.memory_space<vmem_shared>>) offsets(%dma_start3A_123 : memref<128xi32, #tpu.memory_space<vmem>>) semaphore(%run_scoped3A : memref<!tpu.dma_semaphore, #tpu.memory_space<semaphore_mem>>) {add = true}
        %dma_wait3A_127 = arith.constant 0 : i32
        %dma_wait3A_128 = tpu.memref_slice %arg7[%add3A_119, %dma_wait3A_127] : memref<40x128xi32, #tpu.memory_space<vmem>> -> memref<1x128xi32, #tpu.memory_space<vmem>>
        %dma_wait3A_129 = tpu.memref_squeeze %dma_wait3A_128 : memref<1x128xi32, #tpu.memory_space<vmem>> -> memref<128xi32, #tpu.memory_space<vmem>>
        %dma_wait3A_130 = arith.constant 0 : i32
        %dma_wait3A_131 = arith.constant 0 : i32
        %dma_wait3A_132 = tpu.memref_slice %arg10[%dma_wait3A_130, %dma_wait3A_131] : memref<10240x128xf32, #tpu.memory_space<vmem_shared>> -> memref<10240x128xf32, #tpu.memory_space<vmem_shared>>
        tpu.wait_indirect_dma semaphore(%run_scoped3A : memref<!tpu.dma_semaphore, #tpu.memory_space<semaphore_mem>>) src(%arg9 : memref<128x128xf32, #tpu.memory_space<vmem>>) dst(%dma_wait3A_132 : memref<10240x128xf32, #tpu.memory_space<vmem_shared>>)
        tpu.yield
      }) : () -> ()
      %scan3A_120 = arith.constant 0 : i32
      scf.yield %scan3A_120 : i32
    }
    %scan3A_63 = arith.constant 20 : i32
    %mul3A_64 = arith.constant 80 : i32
    %mul3A_65 = arith.muli %add3A, %mul3A_64 : i32
    %add3A_66 = arith.constant 40 : i32
    %add3A_67 = arith.addi %mul3A_65, %add3A_66 : i32
    "tpu.region"() ({
      %run_scoped3A = tpu.sem_alloc : memref<!tpu.dma_semaphore, #tpu.memory_space<semaphore_mem>>
      %dma_start3A_90 = arith.constant 0 : i32
      %dma_start3A_91 = tpu.memref_slice %arg3[%add3A_67, %dma_start3A_90] : memref<2560x128xi32, #tpu.memory_space<hbm>> -> memref<40x128xi32, #tpu.memory_space<hbm>>
      %dma_start3A_92 = arith.constant 0 : i32
      %dma_start3A_93 = tpu.memref_slice %arg3[%add3A_67, %dma_start3A_92] : memref<2560x128xi32, #tpu.memory_space<hbm>> -> memref<40x128xi32, #tpu.memory_space<hbm>>
      tpu.enqueue_dma source(%dma_start3A_93 : memref<40x128xi32, #tpu.memory_space<hbm>>) target(%arg6 : memref<40x128xi32, #tpu.memory_space<vmem>>) target_semaphore(%run_scoped3A : memref<!tpu.dma_semaphore, #tpu.memory_space<semaphore_mem>>)
      %dma_wait3A_94 = arith.constant 0 : i32
      %dma_wait3A_95 = tpu.memref_slice %arg3[%add3A_67, %dma_wait3A_94] : memref<2560x128xi32, #tpu.memory_space<hbm>> -> memref<40x128xi32, #tpu.memory_space<hbm>>
      %dma_wait3A_96 = arith.constant 0 : i32
      %dma_wait3A_97 = tpu.memref_slice %arg3[%add3A_67, %dma_wait3A_96] : memref<2560x128xi32, #tpu.memory_space<hbm>> -> memref<40x128xi32, #tpu.memory_space<hbm>>
      tpu.wait_dma2 semaphore(%run_scoped3A : memref<!tpu.dma_semaphore, #tpu.memory_space<semaphore_mem>>) src(%dma_wait3A_97 : memref<40x128xi32, #tpu.memory_space<hbm>>) dst(%arg6 : memref<40x128xi32, #tpu.memory_space<vmem>>)
      tpu.yield
    }) : () -> ()
    "tpu.region"() ({
      %run_scoped3A = tpu.sem_alloc : memref<!tpu.dma_semaphore, #tpu.memory_space<semaphore_mem>>
      %dma_start3A_90 = arith.constant 0 : i32
      %dma_start3A_91 = tpu.memref_slice %arg4[%add3A_67, %dma_start3A_90] : memref<2560x128xi32, #tpu.memory_space<hbm>> -> memref<40x128xi32, #tpu.memory_space<hbm>>
      %dma_start3A_92 = arith.constant 0 : i32
      %dma_start3A_93 = tpu.memref_slice %arg4[%add3A_67, %dma_start3A_92] : memref<2560x128xi32, #tpu.memory_space<hbm>> -> memref<40x128xi32, #tpu.memory_space<hbm>>
      tpu.enqueue_dma source(%dma_start3A_93 : memref<40x128xi32, #tpu.memory_space<hbm>>) target(%arg7 : memref<40x128xi32, #tpu.memory_space<vmem>>) target_semaphore(%run_scoped3A : memref<!tpu.dma_semaphore, #tpu.memory_space<semaphore_mem>>)
      %dma_wait3A_94 = arith.constant 0 : i32
      %dma_wait3A_95 = tpu.memref_slice %arg4[%add3A_67, %dma_wait3A_94] : memref<2560x128xi32, #tpu.memory_space<hbm>> -> memref<40x128xi32, #tpu.memory_space<hbm>>
      %dma_wait3A_96 = arith.constant 0 : i32
      %dma_wait3A_97 = tpu.memref_slice %arg4[%add3A_67, %dma_wait3A_96] : memref<2560x128xi32, #tpu.memory_space<hbm>> -> memref<40x128xi32, #tpu.memory_space<hbm>>
      tpu.wait_dma2 semaphore(%run_scoped3A : memref<!tpu.dma_semaphore, #tpu.memory_space<semaphore_mem>>) src(%dma_wait3A_97 : memref<40x128xi32, #tpu.memory_space<hbm>>) dst(%arg7 : memref<40x128xi32, #tpu.memory_space<vmem>>)
      tpu.yield
    }) : () -> ()
    %dma_start3A_68 = arith.constant 0 : i32
    %dma_start3A_69 = arith.constant 0 : i32
    %dma_start3A_70 = tpu.memref_slice %arg6[%dma_start3A_68, %dma_start3A_69] : memref<40x128xi32, #tpu.memory_space<vmem>> -> memref<1x128xi32, #tpu.memory_space<vmem>>
    %dma_start3A_71 = tpu.memref_squeeze %dma_start3A_70 : memref<1x128xi32, #tpu.memory_space<vmem>> -> memref<128xi32, #tpu.memory_space<vmem>>
    %dma_start3A_72 = arith.constant 0 : i32
    %dma_start3A_73 = arith.constant 0 : i32
    %dma_start3A_74 = tpu.memref_slice %arg2[%dma_start3A_72, %dma_start3A_73] : memref<10000x128xf32, #tpu.memory_space<hbm>> -> memref<10000x128xf32, #tpu.memory_space<hbm>>
    tpu.enqueue_indirect_dma source(%dma_start3A_74 : memref<10000x128xf32, #tpu.memory_space<hbm>>) target(%arg8 : memref<128x128xf32, #tpu.memory_space<vmem>>) offsets(%dma_start3A_71 : memref<128xi32, #tpu.memory_space<vmem>>) semaphore(%arg11 : memref<!tpu.dma_semaphore, #tpu.memory_space<semaphore_mem>>)
    %scan3A_75 = arith.constant 0 : i32
    %scan3A_76 = arith.constant 0 : i32
    %scan3A_77 = arith.constant 20 : i32
    %scan3A_78 = arith.addi %scan3A_76, %scan3A_77 : i32
    %scan3A_79 = arith.constant 1 : i32
    %scan3A_80 = scf.for %scan3A_90 = %scan3A_76 to %scan3A_78 step %scan3A_79 iter_args(%scan3A_91 = %scan3A_75) -> (i32)  : i32 {
      %mul3A_92 = arith.constant 2 : i32
      %mul3A_93 = arith.muli %mul3A_92, %scan3A_90 : i32
      %add3A_94 = arith.constant 1 : i32
      %add3A_95 = arith.addi %mul3A_93, %add3A_94 : i32
      %dma_start3A_96 = arith.constant 0 : i32
      %dma_start3A_97 = tpu.memref_slice %arg6[%add3A_95, %dma_start3A_96] : memref<40x128xi32, #tpu.memory_space<vmem>> -> memref<1x128xi32, #tpu.memory_space<vmem>>
      %dma_start3A_98 = tpu.memref_squeeze %dma_start3A_97 : memref<1x128xi32, #tpu.memory_space<vmem>> -> memref<128xi32, #tpu.memory_space<vmem>>
      %dma_start3A_99 = arith.constant 0 : i32
      %dma_start3A_100 = arith.constant 0 : i32
      %dma_start3A_101 = tpu.memref_slice %arg2[%dma_start3A_99, %dma_start3A_100] : memref<10000x128xf32, #tpu.memory_space<hbm>> -> memref<10000x128xf32, #tpu.memory_space<hbm>>
      tpu.enqueue_indirect_dma source(%dma_start3A_101 : memref<10000x128xf32, #tpu.memory_space<hbm>>) target(%arg9 : memref<128x128xf32, #tpu.memory_space<vmem>>) offsets(%dma_start3A_98 : memref<128xi32, #tpu.memory_space<vmem>>) semaphore(%arg12 : memref<!tpu.dma_semaphore, #tpu.memory_space<semaphore_mem>>)
      %dma_wait3A_102 = arith.constant 0 : i32
      %dma_wait3A_103 = tpu.memref_slice %arg6[%mul3A_93, %dma_wait3A_102] : memref<40x128xi32, #tpu.memory_space<vmem>> -> memref<1x128xi32, #tpu.memory_space<vmem>>
      %dma_wait3A_104 = tpu.memref_squeeze %dma_wait3A_103 : memref<1x128xi32, #tpu.memory_space<vmem>> -> memref<128xi32, #tpu.memory_space<vmem>>
      %dma_wait3A_105 = arith.constant 0 : i32
      %dma_wait3A_106 = arith.constant 0 : i32
      %dma_wait3A_107 = tpu.memref_slice %arg2[%dma_wait3A_105, %dma_wait3A_106] : memref<10000x128xf32, #tpu.memory_space<hbm>> -> memref<10000x128xf32, #tpu.memory_space<hbm>>
      tpu.wait_indirect_dma semaphore(%arg11 : memref<!tpu.dma_semaphore, #tpu.memory_space<semaphore_mem>>) src(%dma_wait3A_107 : memref<10000x128xf32, #tpu.memory_space<hbm>>) dst(%arg8 : memref<128x128xf32, #tpu.memory_space<vmem>>)
      "tpu.region"() ({
        %run_scoped3A = tpu.sem_alloc : memref<!tpu.dma_semaphore, #tpu.memory_space<semaphore_mem>>
        %dma_start3A_121 = arith.constant 0 : i32
        %dma_start3A_122 = tpu.memref_slice %arg7[%mul3A_93, %dma_start3A_121] : memref<40x128xi32, #tpu.memory_space<vmem>> -> memref<1x128xi32, #tpu.memory_space<vmem>>
        %dma_start3A_123 = tpu.memref_squeeze %dma_start3A_122 : memref<1x128xi32, #tpu.memory_space<vmem>> -> memref<128xi32, #tpu.memory_space<vmem>>
        %dma_start3A_124 = arith.constant 0 : i32
        %dma_start3A_125 = arith.constant 0 : i32
        %dma_start3A_126 = tpu.memref_slice %arg10[%dma_start3A_124, %dma_start3A_125] : memref<10240x128xf32, #tpu.memory_space<vmem_shared>> -> memref<10240x128xf32, #tpu.memory_space<vmem_shared>>
        tpu.enqueue_indirect_dma source(%arg8 : memref<128x128xf32, #tpu.memory_space<vmem>>) target(%dma_start3A_126 : memref<10240x128xf32, #tpu.memory_space<vmem_shared>>) offsets(%dma_start3A_123 : memref<128xi32, #tpu.memory_space<vmem>>) semaphore(%run_scoped3A : memref<!tpu.dma_semaphore, #tpu.memory_space<semaphore_mem>>) {add = true}
        %dma_wait3A_127 = arith.constant 0 : i32
        %dma_wait3A_128 = tpu.memref_slice %arg7[%mul3A_93, %dma_wait3A_127] : memref<40x128xi32, #tpu.memory_space<vmem>> -> memref<1x128xi32, #tpu.memory_space<vmem>>
        %dma_wait3A_129 = tpu.memref_squeeze %dma_wait3A_128 : memref<1x128xi32, #tpu.memory_space<vmem>> -> memref<128xi32, #tpu.memory_space<vmem>>
        %dma_wait3A_130 = arith.constant 0 : i32
        %dma_wait3A_131 = arith.constant 0 : i32
        %dma_wait3A_132 = tpu.memref_slice %arg10[%dma_wait3A_130, %dma_wait3A_131] : memref<10240x128xf32, #tpu.memory_space<vmem_shared>> -> memref<10240x128xf32, #tpu.memory_space<vmem_shared>>
        tpu.wait_indirect_dma semaphore(%run_scoped3A : memref<!tpu.dma_semaphore, #tpu.memory_space<semaphore_mem>>) src(%arg8 : memref<128x128xf32, #tpu.memory_space<vmem>>) dst(%dma_wait3A_132 : memref<10240x128xf32, #tpu.memory_space<vmem_shared>>)
        tpu.yield
      }) : () -> ()
      %lt3A = arith.constant 19 : i32
      %lt3A_108 = arith.cmpi slt, %scan3A_90, %lt3A : i32
      %convert_element_type3A = arith.extui %lt3A_108 : i1 to i32
      %cond3A = arith.constant 0 : i32
      %cond3A_109 = arith.cmpi ne, %convert_element_type3A, %cond3A : i32
      scf.if %cond3A_109 {
        %add3A_121 = arith.constant 2 : i32
        %add3A_122 = arith.addi %mul3A_93, %add3A_121 : i32
        %dma_start3A_123 = arith.constant 0 : i32
        %dma_start3A_124 = tpu.memref_slice %arg6[%add3A_122, %dma_start3A_123] : memref<40x128xi32, #tpu.memory_space<vmem>> -> memref<1x128xi32, #tpu.memory_space<vmem>>
        %dma_start3A_125 = tpu.memref_squeeze %dma_start3A_124 : memref<1x128xi32, #tpu.memory_space<vmem>> -> memref<128xi32, #tpu.memory_space<vmem>>
        %dma_start3A_126 = arith.constant 0 : i32
        %dma_start3A_127 = arith.constant 0 : i32
        %dma_start3A_128 = tpu.memref_slice %arg2[%dma_start3A_126, %dma_start3A_127] : memref<10000x128xf32, #tpu.memory_space<hbm>> -> memref<10000x128xf32, #tpu.memory_space<hbm>>
        tpu.enqueue_indirect_dma source(%dma_start3A_128 : memref<10000x128xf32, #tpu.memory_space<hbm>>) target(%arg8 : memref<128x128xf32, #tpu.memory_space<vmem>>) offsets(%dma_start3A_125 : memref<128xi32, #tpu.memory_space<vmem>>) semaphore(%arg11 : memref<!tpu.dma_semaphore, #tpu.memory_space<semaphore_mem>>)
      } else {
      }
      %add3A_110 = arith.constant 1 : i32
      %add3A_111 = arith.addi %mul3A_93, %add3A_110 : i32
      %dma_wait3A_112 = arith.constant 0 : i32
      %dma_wait3A_113 = tpu.memref_slice %arg6[%add3A_111, %dma_wait3A_112] : memref<40x128xi32, #tpu.memory_space<vmem>> -> memref<1x128xi32, #tpu.memory_space<vmem>>
      %dma_wait3A_114 = tpu.memref_squeeze %dma_wait3A_113 : memref<1x128xi32, #tpu.memory_space<vmem>> -> memref<128xi32, #tpu.memory_space<vmem>>
      %dma_wait3A_115 = arith.constant 0 : i32
      %dma_wait3A_116 = arith.constant 0 : i32
      %dma_wait3A_117 = tpu.memref_slice %arg2[%dma_wait3A_115, %dma_wait3A_116] : memref<10000x128xf32, #tpu.memory_space<hbm>> -> memref<10000x128xf32, #tpu.memory_space<hbm>>
      tpu.wait_indirect_dma semaphore(%arg12 : memref<!tpu.dma_semaphore, #tpu.memory_space<semaphore_mem>>) src(%dma_wait3A_117 : memref<10000x128xf32, #tpu.memory_space<hbm>>) dst(%arg9 : memref<128x128xf32, #tpu.memory_space<vmem>>)
      %add3A_118 = arith.constant 1 : i32
      %add3A_119 = arith.addi %mul3A_93, %add3A_118 : i32
      "tpu.region"() ({
        %run_scoped3A = tpu.sem_alloc : memref<!tpu.dma_semaphore, #tpu.memory_space<semaphore_mem>>
        %dma_start3A_121 = arith.constant 0 : i32
        %dma_start3A_122 = tpu.memref_slice %arg7[%add3A_119, %dma_start3A_121] : memref<40x128xi32, #tpu.memory_space<vmem>> -> memref<1x128xi32, #tpu.memory_space<vmem>>
        %dma_start3A_123 = tpu.memref_squeeze %dma_start3A_122 : memref<1x128xi32, #tpu.memory_space<vmem>> -> memref<128xi32, #tpu.memory_space<vmem>>
        %dma_start3A_124 = arith.constant 0 : i32
        %dma_start3A_125 = arith.constant 0 : i32
        %dma_start3A_126 = tpu.memref_slice %arg10[%dma_start3A_124, %dma_start3A_125] : memref<10240x128xf32, #tpu.memory_space<vmem_shared>> -> memref<10240x128xf32, #tpu.memory_space<vmem_shared>>
        tpu.enqueue_indirect_dma source(%arg9 : memref<128x128xf32, #tpu.memory_space<vmem>>) target(%dma_start3A_126 : memref<10240x128xf32, #tpu.memory_space<vmem_shared>>) offsets(%dma_start3A_123 : memref<128xi32, #tpu.memory_space<vmem>>) semaphore(%run_scoped3A : memref<!tpu.dma_semaphore, #tpu.memory_space<semaphore_mem>>) {add = true}
        %dma_wait3A_127 = arith.constant 0 : i32
        %dma_wait3A_128 = tpu.memref_slice %arg7[%add3A_119, %dma_wait3A_127] : memref<40x128xi32, #tpu.memory_space<vmem>> -> memref<1x128xi32, #tpu.memory_space<vmem>>
        %dma_wait3A_129 = tpu.memref_squeeze %dma_wait3A_128 : memref<1x128xi32, #tpu.memory_space<vmem>> -> memref<128xi32, #tpu.memory_space<vmem>>
        %dma_wait3A_130 = arith.constant 0 : i32
        %dma_wait3A_131 = arith.constant 0 : i32
        %dma_wait3A_132 = tpu.memref_slice %arg10[%dma_wait3A_130, %dma_wait3A_131] : memref<10240x128xf32, #tpu.memory_space<vmem_shared>> -> memref<10240x128xf32, #tpu.memory_space<vmem_shared>>
        tpu.wait_indirect_dma semaphore(%run_scoped3A : memref<!tpu.dma_semaphore, #tpu.memory_space<semaphore_mem>>) src(%arg9 : memref<128x128xf32, #tpu.memory_space<vmem>>) dst(%dma_wait3A_132 : memref<10240x128xf32, #tpu.memory_space<vmem_shared>>)
        tpu.yield
      }) : () -> ()
      %scan3A_120 = arith.constant 0 : i32
      scf.yield %scan3A_120 : i32
    }
    %scan3A_81 = arith.constant 20 : i32
    %barrier3A_82 = arith.constant 0 : index
    tpu.barrier barrier_id(%barrier3A_82)
    %mul3A_83 = arith.constant 640 : i32
    %mul3A_84 = arith.muli %arg1, %mul3A_83 : i32
    %mul3A_85 = arith.constant 10240 : i32
    %mul3A_86 = arith.muli %arg0, %mul3A_85 : i32
    %mul3A_87 = arith.constant 640 : i32
    %mul3A_88 = arith.muli %arg1, %mul3A_87 : i32
    %add3A_89 = arith.addi %mul3A_86, %mul3A_88 : i32
    "tpu.region"() ({
      %run_scoped3A = tpu.sem_alloc : memref<!tpu.dma_semaphore, #tpu.memory_space<semaphore_mem>>
      %dma_start3A_90 = arith.constant 0 : i32
      %dma_start3A_91 = tpu.memref_slice %arg5[%add3A_89, %dma_start3A_90] : memref<20480x128xf32, #tpu.memory_space<hbm>> -> memref<640x128xf32, #tpu.memory_space<hbm>>
      %dma_start3A_92 = arith.constant 0 : i32
      %dma_start3A_93 = tpu.memref_slice %arg10[%mul3A_84, %dma_start3A_92] : memref<10240x128xf32, #tpu.memory_space<vmem_shared>> -> memref<640x128xf32, #tpu.memory_space<vmem_shared>>
      tpu.enqueue_dma source(%dma_start3A_93 : memref<640x128xf32, #tpu.memory_space<vmem_shared>>) target(%dma_start3A_91 : memref<640x128xf32, #tpu.memory_space<hbm>>) target_semaphore(%run_scoped3A : memref<!tpu.dma_semaphore, #tpu.memory_space<semaphore_mem>>)
      %dma_wait3A_94 = arith.constant 0 : i32
      %dma_wait3A_95 = tpu.memref_slice %arg5[%add3A_89, %dma_wait3A_94] : memref<20480x128xf32, #tpu.memory_space<hbm>> -> memref<640x128xf32, #tpu.memory_space<hbm>>
      %dma_wait3A_96 = arith.constant 0 : i32
      %dma_wait3A_97 = tpu.memref_slice %arg10[%mul3A_84, %dma_wait3A_96] : memref<10240x128xf32, #tpu.memory_space<vmem_shared>> -> memref<640x128xf32, #tpu.memory_space<vmem_shared>>
      tpu.wait_dma2 semaphore(%run_scoped3A : memref<!tpu.dma_semaphore, #tpu.memory_space<semaphore_mem>>) src(%dma_wait3A_97 : memref<640x128xf32, #tpu.memory_space<vmem_shared>>) dst(%dma_wait3A_95 : memref<640x128xf32, #tpu.memory_space<hbm>>)
      tpu.yield
    }) : () -> ()
    return
  }
}

#map = affine_map<(d0, d1) -> (0, 0)>
module attributes {stable_mosaic.version = 14 : i64} {
  func.func @_scatter_kernel(%arg0: i32, %arg1: i32, %arg2: memref<10000x128xf32, #tpu.memory_space<hbm>>, %arg3: memref<2560x128xi32, #tpu.memory_space<hbm>>, %arg4: memref<2560x128xi32, #tpu.memory_space<hbm>>, %arg5: memref<20480x128xf32, #tpu.memory_space<hbm>>, %arg6: memref<40x128xi32, #tpu.memory_space<vmem>>, %arg7: memref<40x128xi32, #tpu.memory_space<vmem>>, %arg8: memref<128x128xf32, #tpu.memory_space<vmem>>, %arg9: memref<128x128xf32, #tpu.memory_space<vmem>>, %arg10: memref<10240x128xf32, #tpu.memory_space<vmem_shared>>, %arg11: memref<!tpu.dma_semaphore, #tpu.memory_space<semaphore_mem>>, %arg12: memref<!tpu.dma_semaphore, #tpu.memory_space<semaphore_mem>>) attributes {dimension_semantics = [#tpu.dimension_semantics<core_parallel>, #tpu.dimension_semantics<subcore_parallel>], iteration_bounds = array<i64: 2, 16>, scalar_prefetch = 0 : i64, scratch_operands = 7 : i64, tpu.core_type = #tpu.core_type<sc_vector_subcore>, window_params = [{transform_indices = #map}, {transform_indices = #map}, {transform_indices = #map}, {transform_indices = #map}]} {
    %mul3A = arith.constant 16 : i32
    %mul3A_0 = arith.muli %arg0, %mul3A : i32
    %add3A = arith.addi %mul3A_0, %arg1 : i32
    %mul3A_1 = arith.constant 80 : i32
    %mul3A_2 = arith.muli %add3A, %mul3A_1 : i32
    %dma_start3A = arith.constant 0 : i32
    %dma_start3A_3 = tpu.memref_slice %arg3[%mul3A_2, %dma_start3A] : memref<2560x128xi32, #tpu.memory_space<hbm>> -> memref<40x128xi32, #tpu.memory_space<hbm>>
    %dma_start3A_4 = arith.constant 0 : i32
    %dma_start3A_5 = tpu.memref_slice %arg3[%mul3A_2, %dma_start3A_4] : memref<2560x128xi32, #tpu.memory_space<hbm>> -> memref<40x128xi32, #tpu.memory_space<hbm>>
    tpu.enqueue_dma source(%dma_start3A_5 : memref<40x128xi32, #tpu.memory_space<hbm>>) target(%arg6 : memref<40x128xi32, #tpu.memory_space<vmem>>) target_semaphore(%arg11 : memref<!tpu.dma_semaphore, #tpu.memory_space<semaphore_mem>>)
    %mul3A_6 = arith.constant 80 : i32
    %mul3A_7 = arith.muli %add3A, %mul3A_6 : i32
    %dma_start3A_8 = arith.constant 0 : i32
    %dma_start3A_9 = tpu.memref_slice %arg4[%mul3A_7, %dma_start3A_8] : memref<2560x128xi32, #tpu.memory_space<hbm>> -> memref<40x128xi32, #tpu.memory_space<hbm>>
    %dma_start3A_10 = arith.constant 0 : i32
    %dma_start3A_11 = tpu.memref_slice %arg4[%mul3A_7, %dma_start3A_10] : memref<2560x128xi32, #tpu.memory_space<hbm>> -> memref<40x128xi32, #tpu.memory_space<hbm>>
    tpu.enqueue_dma source(%dma_start3A_11 : memref<40x128xi32, #tpu.memory_space<hbm>>) target(%arg7 : memref<40x128xi32, #tpu.memory_space<vmem>>) target_semaphore(%arg12 : memref<!tpu.dma_semaphore, #tpu.memory_space<semaphore_mem>>)
    %broadcast_in_dim3A = arith.constant 0.000000e+00 : f32
    %broadcast_in_dim3A_12 = vector.broadcast %broadcast_in_dim3A : f32 to vector<16xf32>
    %scan3A = arith.constant 0 : i32
    %scan3A_13 = arith.constant 0 : i32
    %scan3A_14 = arith.constant 128 : i32
    %scan3A_15 = arith.addi %scan3A_13, %scan3A_14 : i32
    %scan3A_16 = arith.constant 1 : i32
    %scan3A_17 = scf.for %scan3A_90 = %scan3A_13 to %scan3A_15 step %scan3A_16 iter_args(%scan3A_91 = %scan3A) -> (i32)  : i32 {
      %swap3A = arith.index_cast %scan3A_90 : i32 to index
      %swap3A_92 = arith.constant 0 : index
      %swap3A_93 = tpu.vector_load %arg9[%swap3A, %swap3A_92] {strides = array<i32>} : memref<128x128xf32, #tpu.memory_space<vmem>>, vector<1x16xf32>,
      %swap3A_94 = vector.shape_cast %swap3A_93 : vector<1x16xf32> to vector<16xf32>
      %swap3A_95 = vector.shape_cast %broadcast_in_dim3A_12 : vector<16xf32> to vector<1x16xf32>
      tpu.vector_store %arg9[%swap3A, %swap3A_92], %swap3A_95 {strides = array<i32>} : memref<128x128xf32, #tpu.memory_space<vmem>>, vector<1x16xf32>,
      %swap3A_96 = arith.index_cast %scan3A_90 : i32 to index
      %swap3A_97 = arith.constant 16 : index
      %swap3A_98 = tpu.vector_load %arg9[%swap3A_96, %swap3A_97] {strides = array<i32>} : memref<128x128xf32, #tpu.memory_space<vmem>>, vector<1x16xf32>,
      %swap3A_99 = vector.shape_cast %swap3A_98 : vector<1x16xf32> to vector<16xf32>
      %swap3A_100 = vector.shape_cast %broadcast_in_dim3A_12 : vector<16xf32> to vector<1x16xf32>
      tpu.vector_store %arg9[%swap3A_96, %swap3A_97], %swap3A_100 {strides = array<i32>} : memref<128x128xf32, #tpu.memory_space<vmem>>, vector<1x16xf32>,
      %swap3A_101 = arith.index_cast %scan3A_90 : i32 to index
      %swap3A_102 = arith.constant 32 : index
      %swap3A_103 = tpu.vector_load %arg9[%swap3A_101, %swap3A_102] {strides = array<i32>} : memref<128x128xf32, #tpu.memory_space<vmem>>, vector<1x16xf32>,
      %swap3A_104 = vector.shape_cast %swap3A_103 : vector<1x16xf32> to vector<16xf32>
      %swap3A_105 = vector.shape_cast %broadcast_in_dim3A_12 : vector<16xf32> to vector<1x16xf32>
      tpu.vector_store %arg9[%swap3A_101, %swap3A_102], %swap3A_105 {strides = array<i32>} : memref<128x128xf32, #tpu.memory_space<vmem>>, vector<1x16xf32>,
      %swap3A_106 = arith.index_cast %scan3A_90 : i32 to index
      %swap3A_107 = arith.constant 48 : index
      %swap3A_108 = tpu.vector_load %arg9[%swap3A_106, %swap3A_107] {strides = array<i32>} : memref<128x128xf32, #tpu.memory_space<vmem>>, vector<1x16xf32>,
      %swap3A_109 = vector.shape_cast %swap3A_108 : vector<1x16xf32> to vector<16xf32>
      %swap3A_110 = vector.shape_cast %broadcast_in_dim3A_12 : vector<16xf32> to vector<1x16xf32>
      tpu.vector_store %arg9[%swap3A_106, %swap3A_107], %swap3A_110 {strides = array<i32>} : memref<128x128xf32, #tpu.memory_space<vmem>>, vector<1x16xf32>,
      %swap3A_111 = arith.index_cast %scan3A_90 : i32 to index
      %swap3A_112 = arith.constant 64 : index
      %swap3A_113 = tpu.vector_load %arg9[%swap3A_111, %swap3A_112] {strides = array<i32>} : memref<128x128xf32, #tpu.memory_space<vmem>>, vector<1x16xf32>,
      %swap3A_114 = vector.shape_cast %swap3A_113 : vector<1x16xf32> to vector<16xf32>
      %swap3A_115 = vector.shape_cast %broadcast_in_dim3A_12 : vector<16xf32> to vector<1x16xf32>
      tpu.vector_store %arg9[%swap3A_111, %swap3A_112], %swap3A_115 {strides = array<i32>} : memref<128x128xf32, #tpu.memory_space<vmem>>, vector<1x16xf32>,
      %swap3A_116 = arith.index_cast %scan3A_90 : i32 to index
      %swap3A_117 = arith.constant 80 : index
      %swap3A_118 = tpu.vector_load %arg9[%swap3A_116, %swap3A_117] {strides = array<i32>} : memref<128x128xf32, #tpu.memory_space<vmem>>, vector<1x16xf32>,
      %swap3A_119 = vector.shape_cast %swap3A_118 : vector<1x16xf32> to vector<16xf32>
      %swap3A_120 = vector.shape_cast %broadcast_in_dim3A_12 : vector<16xf32> to vector<1x16xf32>
      tpu.vector_store %arg9[%swap3A_116, %swap3A_117], %swap3A_120 {strides = array<i32>} : memref<128x128xf32, #tpu.memory_space<vmem>>, vector<1x16xf32>,
      %swap3A_121 = arith.index_cast %scan3A_90 : i32 to index
      %swap3A_122 = arith.constant 96 : index
      %swap3A_123 = tpu.vector_load %arg9[%swap3A_121, %swap3A_122] {strides = array<i32>} : memref<128x128xf32, #tpu.memory_space<vmem>>, vector<1x16xf32>,
      %swap3A_124 = vector.shape_cast %swap3A_123 : vector<1x16xf32> to vector<16xf32>
      %swap3A_125 = vector.shape_cast %broadcast_in_dim3A_12 : vector<16xf32> to vector<1x16xf32>
      tpu.vector_store %arg9[%swap3A_121, %swap3A_122], %swap3A_125 {strides = array<i32>} : memref<128x128xf32, #tpu.memory_space<vmem>>, vector<1x16xf32>,
      %swap3A_126 = arith.index_cast %scan3A_90 : i32 to index
      %swap3A_127 = arith.constant 112 : index
      %swap3A_128 = tpu.vector_load %arg9[%swap3A_126, %swap3A_127] {strides = array<i32>} : memref<128x128xf32, #tpu.memory_space<vmem>>, vector<1x16xf32>,
      %swap3A_129 = vector.shape_cast %swap3A_128 : vector<1x16xf32> to vector<16xf32>
      %swap3A_130 = vector.shape_cast %broadcast_in_dim3A_12 : vector<16xf32> to vector<1x16xf32>
      tpu.vector_store %arg9[%swap3A_126, %swap3A_127], %swap3A_130 {strides = array<i32>} : memref<128x128xf32, #tpu.memory_space<vmem>>, vector<1x16xf32>,
      %scan3A_131 = arith.constant 0 : i32
      scf.yield %scan3A_131 : i32
    }
    %scan3A_18 = arith.constant 128 : i32
    %mul3A_19 = arith.constant 640 : i32
    %mul3A_20 = arith.muli %arg1, %mul3A_19 : i32
    %add3A_21 = arith.constant 0 : i32
    %add3A_22 = arith.addi %mul3A_20, %add3A_21 : i32
    "tpu.region"() ({
      %run_scoped3A = tpu.sem_alloc : memref<!tpu.dma_semaphore, #tpu.memory_space<semaphore_mem>>
      %dma_start3A_90 = arith.constant 0 : i32
      %dma_start3A_91 = tpu.memref_slice %arg10[%add3A_22, %dma_start3A_90] : memref<10240x128xf32, #tpu.memory_space<vmem_shared>> -> memref<128x128xf32, #tpu.memory_space<vmem_shared>>
      %dma_start3A_92 = arith.constant 0 : i32
      %dma_start3A_93 = tpu.memref_slice %arg10[%add3A_22, %dma_start3A_92] : memref<10240x128xf32, #tpu.memory_space<vmem_shared>> -> memref<128x128xf32, #tpu.memory_space<vmem_shared>>
      tpu.enqueue_dma source(%arg9 : memref<128x128xf32, #tpu.memory_space<vmem>>) target(%dma_start3A_93 : memref<128x128xf32, #tpu.memory_space<vmem_shared>>) target_semaphore(%run_scoped3A : memref<!tpu.dma_semaphore, #tpu.memory_space<semaphore_mem>>)
      %dma_wait3A_94 = arith.constant 0 : i32
      %dma_wait3A_95 = tpu.memref_slice %arg10[%add3A_22, %dma_wait3A_94] : memref<10240x128xf32, #tpu.memory_space<vmem_shared>> -> memref<128x128xf32, #tpu.memory_space<vmem_shared>>
      %dma_wait3A_96 = arith.constant 0 : i32
      %dma_wait3A_97 = tpu.memref_slice %arg10[%add3A_22, %dma_wait3A_96] : memref<10240x128xf32, #tpu.memory_space<vmem_shared>> -> memref<128x128xf32, #tpu.memory_space<vmem_shared>>
      tpu.wait_dma2 semaphore(%run_scoped3A : memref<!tpu.dma_semaphore, #tpu.memory_space<semaphore_mem>>) src(%arg9 : memref<128x128xf32, #tpu.memory_space<vmem>>) dst(%dma_wait3A_97 : memref<128x128xf32, #tpu.memory_space<vmem_shared>>)
      tpu.yield
    }) : () -> ()
    %mul3A_23 = arith.constant 640 : i32
    %mul3A_24 = arith.muli %arg1, %mul3A_23 : i32
    %add3A_25 = arith.constant 128 : i32
    %add3A_26 = arith.addi %mul3A_24, %add3A_25 : i32
    "tpu.region"() ({
      %run_scoped3A = tpu.sem_alloc : memref<!tpu.dma_semaphore, #tpu.memory_space<semaphore_mem>>
      %dma_start3A_90 = arith.constant 0 : i32
      %dma_start3A_91 = tpu.memref_slice %arg10[%add3A_26, %dma_start3A_90] : memref<10240x128xf32, #tpu.memory_space<vmem_shared>> -> memref<128x128xf32, #tpu.memory_space<vmem_shared>>
      %dma_start3A_92 = arith.constant 0 : i32
      %dma_start3A_93 = tpu.memref_slice %arg10[%add3A_26, %dma_start3A_92] : memref<10240x128xf32, #tpu.memory_space<vmem_shared>> -> memref<128x128xf32, #tpu.memory_space<vmem_shared>>
      tpu.enqueue_dma source(%arg9 : memref<128x128xf32, #tpu.memory_space<vmem>>) target(%dma_start3A_93 : memref<128x128xf32, #tpu.memory_space<vmem_shared>>) target_semaphore(%run_scoped3A : memref<!tpu.dma_semaphore, #tpu.memory_space<semaphore_mem>>)
      %dma_wait3A_94 = arith.constant 0 : i32
      %dma_wait3A_95 = tpu.memref_slice %arg10[%add3A_26, %dma_wait3A_94] : memref<10240x128xf32, #tpu.memory_space<vmem_shared>> -> memref<128x128xf32, #tpu.memory_space<vmem_shared>>
      %dma_wait3A_96 = arith.constant 0 : i32
      %dma_wait3A_97 = tpu.memref_slice %arg10[%add3A_26, %dma_wait3A_96] : memref<10240x128xf32, #tpu.memory_space<vmem_shared>> -> memref<128x128xf32, #tpu.memory_space<vmem_shared>>
      tpu.wait_dma2 semaphore(%run_scoped3A : memref<!tpu.dma_semaphore, #tpu.memory_space<semaphore_mem>>) src(%arg9 : memref<128x128xf32, #tpu.memory_space<vmem>>) dst(%dma_wait3A_97 : memref<128x128xf32, #tpu.memory_space<vmem_shared>>)
      tpu.yield
    }) : () -> ()
    %mul3A_27 = arith.constant 640 : i32
    %mul3A_28 = arith.muli %arg1, %mul3A_27 : i32
    %add3A_29 = arith.constant 256 : i32
    %add3A_30 = arith.addi %mul3A_28, %add3A_29 : i32
    "tpu.region"() ({
      %run_scoped3A = tpu.sem_alloc : memref<!tpu.dma_semaphore, #tpu.memory_space<semaphore_mem>>
      %dma_start3A_90 = arith.constant 0 : i32
      %dma_start3A_91 = tpu.memref_slice %arg10[%add3A_30, %dma_start3A_90] : memref<10240x128xf32, #tpu.memory_space<vmem_shared>> -> memref<128x128xf32, #tpu.memory_space<vmem_shared>>
      %dma_start3A_92 = arith.constant 0 : i32
      %dma_start3A_93 = tpu.memref_slice %arg10[%add3A_30, %dma_start3A_92] : memref<10240x128xf32, #tpu.memory_space<vmem_shared>> -> memref<128x128xf32, #tpu.memory_space<vmem_shared>>
      tpu.enqueue_dma source(%arg9 : memref<128x128xf32, #tpu.memory_space<vmem>>) target(%dma_start3A_93 : memref<128x128xf32, #tpu.memory_space<vmem_shared>>) target_semaphore(%run_scoped3A : memref<!tpu.dma_semaphore, #tpu.memory_space<semaphore_mem>>)
      %dma_wait3A_94 = arith.constant 0 : i32
      %dma_wait3A_95 = tpu.memref_slice %arg10[%add3A_30, %dma_wait3A_94] : memref<10240x128xf32, #tpu.memory_space<vmem_shared>> -> memref<128x128xf32, #tpu.memory_space<vmem_shared>>
      %dma_wait3A_96 = arith.constant 0 : i32
      %dma_wait3A_97 = tpu.memref_slice %arg10[%add3A_30, %dma_wait3A_96] : memref<10240x128xf32, #tpu.memory_space<vmem_shared>> -> memref<128x128xf32, #tpu.memory_space<vmem_shared>>
      tpu.wait_dma2 semaphore(%run_scoped3A : memref<!tpu.dma_semaphore, #tpu.memory_space<semaphore_mem>>) src(%arg9 : memref<128x128xf32, #tpu.memory_space<vmem>>) dst(%dma_wait3A_97 : memref<128x128xf32, #tpu.memory_space<vmem_shared>>)
      tpu.yield
    }) : () -> ()
    %mul3A_31 = arith.constant 640 : i32
    %mul3A_32 = arith.muli %arg1, %mul3A_31 : i32
    %add3A_33 = arith.constant 384 : i32
    %add3A_34 = arith.addi %mul3A_32, %add3A_33 : i32
    "tpu.region"() ({
      %run_scoped3A = tpu.sem_alloc : memref<!tpu.dma_semaphore, #tpu.memory_space<semaphore_mem>>
      %dma_start3A_90 = arith.constant 0 : i32
      %dma_start3A_91 = tpu.memref_slice %arg10[%add3A_34, %dma_start3A_90] : memref<10240x128xf32, #tpu.memory_space<vmem_shared>> -> memref<128x128xf32, #tpu.memory_space<vmem_shared>>
      %dma_start3A_92 = arith.constant 0 : i32
      %dma_start3A_93 = tpu.memref_slice %arg10[%add3A_34, %dma_start3A_92] : memref<10240x128xf32, #tpu.memory_space<vmem_shared>> -> memref<128x128xf32, #tpu.memory_space<vmem_shared>>
      tpu.enqueue_dma source(%arg9 : memref<128x128xf32, #tpu.memory_space<vmem>>) target(%dma_start3A_93 : memref<128x128xf32, #tpu.memory_space<vmem_shared>>) target_semaphore(%run_scoped3A : memref<!tpu.dma_semaphore, #tpu.memory_space<semaphore_mem>>)
      %dma_wait3A_94 = arith.constant 0 : i32
      %dma_wait3A_95 = tpu.memref_slice %arg10[%add3A_34, %dma_wait3A_94] : memref<10240x128xf32, #tpu.memory_space<vmem_shared>> -> memref<128x128xf32, #tpu.memory_space<vmem_shared>>
      %dma_wait3A_96 = arith.constant 0 : i32
      %dma_wait3A_97 = tpu.memref_slice %arg10[%add3A_34, %dma_wait3A_96] : memref<10240x128xf32, #tpu.memory_space<vmem_shared>> -> memref<128x128xf32, #tpu.memory_space<vmem_shared>>
      tpu.wait_dma2 semaphore(%run_scoped3A : memref<!tpu.dma_semaphore, #tpu.memory_space<semaphore_mem>>) src(%arg9 : memref<128x128xf32, #tpu.memory_space<vmem>>) dst(%dma_wait3A_97 : memref<128x128xf32, #tpu.memory_space<vmem_shared>>)
      tpu.yield
    }) : () -> ()
    %mul3A_35 = arith.constant 640 : i32
    %mul3A_36 = arith.muli %arg1, %mul3A_35 : i32
    %add3A_37 = arith.constant 512 : i32
    %add3A_38 = arith.addi %mul3A_36, %add3A_37 : i32
    "tpu.region"() ({
      %run_scoped3A = tpu.sem_alloc : memref<!tpu.dma_semaphore, #tpu.memory_space<semaphore_mem>>
      %dma_start3A_90 = arith.constant 0 : i32
      %dma_start3A_91 = tpu.memref_slice %arg10[%add3A_38, %dma_start3A_90] : memref<10240x128xf32, #tpu.memory_space<vmem_shared>> -> memref<128x128xf32, #tpu.memory_space<vmem_shared>>
      %dma_start3A_92 = arith.constant 0 : i32
      %dma_start3A_93 = tpu.memref_slice %arg10[%add3A_38, %dma_start3A_92] : memref<10240x128xf32, #tpu.memory_space<vmem_shared>> -> memref<128x128xf32, #tpu.memory_space<vmem_shared>>
      tpu.enqueue_dma source(%arg9 : memref<128x128xf32, #tpu.memory_space<vmem>>) target(%dma_start3A_93 : memref<128x128xf32, #tpu.memory_space<vmem_shared>>) target_semaphore(%run_scoped3A : memref<!tpu.dma_semaphore, #tpu.memory_space<semaphore_mem>>)
      %dma_wait3A_94 = arith.constant 0 : i32
      %dma_wait3A_95 = tpu.memref_slice %arg10[%add3A_38, %dma_wait3A_94] : memref<10240x128xf32, #tpu.memory_space<vmem_shared>> -> memref<128x128xf32, #tpu.memory_space<vmem_shared>>
      %dma_wait3A_96 = arith.constant 0 : i32
      %dma_wait3A_97 = tpu.memref_slice %arg10[%add3A_38, %dma_wait3A_96] : memref<10240x128xf32, #tpu.memory_space<vmem_shared>> -> memref<128x128xf32, #tpu.memory_space<vmem_shared>>
      tpu.wait_dma2 semaphore(%run_scoped3A : memref<!tpu.dma_semaphore, #tpu.memory_space<semaphore_mem>>) src(%arg9 : memref<128x128xf32, #tpu.memory_space<vmem>>) dst(%dma_wait3A_97 : memref<128x128xf32, #tpu.memory_space<vmem_shared>>)
      tpu.yield
    }) : () -> ()
    %mul3A_39 = arith.constant 80 : i32
    %mul3A_40 = arith.muli %add3A, %mul3A_39 : i32
    %dma_wait3A = arith.constant 0 : i32
    %dma_wait3A_41 = tpu.memref_slice %arg3[%mul3A_40, %dma_wait3A] : memref<2560x128xi32, #tpu.memory_space<hbm>> -> memref<40x128xi32, #tpu.memory_space<hbm>>
    %dma_wait3A_42 = arith.constant 0 : i32
    %dma_wait3A_43 = tpu.memref_slice %arg3[%mul3A_40, %dma_wait3A_42] : memref<2560x128xi32, #tpu.memory_space<hbm>> -> memref<40x128xi32, #tpu.memory_space<hbm>>
    tpu.wait_dma2 semaphore(%arg11 : memref<!tpu.dma_semaphore, #tpu.memory_space<semaphore_mem>>) src(%dma_wait3A_43 : memref<40x128xi32, #tpu.memory_space<hbm>>) dst(%arg6 : memref<40x128xi32, #tpu.memory_space<vmem>>)
    %mul3A_44 = arith.constant 80 : i32
    %mul3A_45 = arith.muli %add3A, %mul3A_44 : i32
    %dma_wait3A_46 = arith.constant 0 : i32
    %dma_wait3A_47 = tpu.memref_slice %arg4[%mul3A_45, %dma_wait3A_46] : memref<2560x128xi32, #tpu.memory_space<hbm>> -> memref<40x128xi32, #tpu.memory_space<hbm>>
    %dma_wait3A_48 = arith.constant 0 : i32
    %dma_wait3A_49 = tpu.memref_slice %arg4[%mul3A_45, %dma_wait3A_48] : memref<2560x128xi32, #tpu.memory_space<hbm>> -> memref<40x128xi32, #tpu.memory_space<hbm>>
    tpu.wait_dma2 semaphore(%arg12 : memref<!tpu.dma_semaphore, #tpu.memory_space<semaphore_mem>>) src(%dma_wait3A_49 : memref<40x128xi32, #tpu.memory_space<hbm>>) dst(%arg7 : memref<40x128xi32, #tpu.memory_space<vmem>>)
    %barrier3A = arith.constant 0 : index
    tpu.barrier barrier_id(%barrier3A)
    %dma_start3A_50 = arith.constant 0 : i32
    %dma_start3A_51 = arith.constant 0 : i32
    %dma_start3A_52 = tpu.memref_slice %arg6[%dma_start3A_50, %dma_start3A_51] : memref<40x128xi32, #tpu.memory_space<vmem>> -> memref<1x128xi32, #tpu.memory_space<vmem>>
    %dma_start3A_53 = tpu.memref_squeeze %dma_start3A_52 : memref<1x128xi32, #tpu.memory_space<vmem>> -> memref<128xi32, #tpu.memory_space<vmem>>
    %dma_start3A_54 = arith.constant 0 : i32
    %dma_start3A_55 = arith.constant 0 : i32
    %dma_start3A_56 = tpu.memref_slice %arg2[%dma_start3A_54, %dma_start3A_55] : memref<10000x128xf32, #tpu.memory_space<hbm>> -> memref<10000x128xf32, #tpu.memory_space<hbm>>
    tpu.enqueue_indirect_dma source(%dma_start3A_56 : memref<10000x128xf32, #tpu.memory_space<hbm>>) target(%arg8 : memref<128x128xf32, #tpu.memory_space<vmem>>) offsets(%dma_start3A_53 : memref<128xi32, #tpu.memory_space<vmem>>) semaphore(%arg11 : memref<!tpu.dma_semaphore, #tpu.memory_space<semaphore_mem>>)
    %scan3A_57 = arith.constant 0 : i32
    %scan3A_58 = arith.constant 0 : i32
    %scan3A_59 = arith.constant 20 : i32
    %scan3A_60 = arith.addi %scan3A_58, %scan3A_59 : i32
    %scan3A_61 = arith.constant 1 : i32
    %scan3A_62 = scf.for %scan3A_90 = %scan3A_58 to %scan3A_60 step %scan3A_61 iter_args(%scan3A_91 = %scan3A_57) -> (i32)  : i32 {
      %mul3A_92 = arith.constant 2 : i32
      %mul3A_93 = arith.muli %mul3A_92, %scan3A_90 : i32
      %add3A_94 = arith.constant 1 : i32
      %add3A_95 = arith.addi %mul3A_93, %add3A_94 : i32
      %dma_start3A_96 = arith.constant 0 : i32
      %dma_start3A_97 = tpu.memref_slice %arg6[%add3A_95, %dma_start3A_96] : memref<40x128xi32, #tpu.memory_space<vmem>> -> memref<1x128xi32, #tpu.memory_space<vmem>>
      %dma_start3A_98 = tpu.memref_squeeze %dma_start3A_97 : memref<1x128xi32, #tpu.memory_space<vmem>> -> memref<128xi32, #tpu.memory_space<vmem>>
      %dma_start3A_99 = arith.constant 0 : i32
      %dma_start3A_100 = arith.constant 0 : i32
      %dma_start3A_101 = tpu.memref_slice %arg2[%dma_start3A_99, %dma_start3A_100] : memref<10000x128xf32, #tpu.memory_space<hbm>> -> memref<10000x128xf32, #tpu.memory_space<hbm>>
      tpu.enqueue_indirect_dma source(%dma_start3A_101 : memref<10000x128xf32, #tpu.memory_space<hbm>>) target(%arg9 : memref<128x128xf32, #tpu.memory_space<vmem>>) offsets(%dma_start3A_98 : memref<128xi32, #tpu.memory_space<vmem>>) semaphore(%arg12 : memref<!tpu.dma_semaphore, #tpu.memory_space<semaphore_mem>>)
      %dma_wait3A_102 = arith.constant 0 : i32
      %dma_wait3A_103 = tpu.memref_slice %arg6[%mul3A_93, %dma_wait3A_102] : memref<40x128xi32, #tpu.memory_space<vmem>> -> memref<1x128xi32, #tpu.memory_space<vmem>>
      %dma_wait3A_104 = tpu.memref_squeeze %dma_wait3A_103 : memref<1x128xi32, #tpu.memory_space<vmem>> -> memref<128xi32, #tpu.memory_space<vmem>>
      %dma_wait3A_105 = arith.constant 0 : i32
      %dma_wait3A_106 = arith.constant 0 : i32
      %dma_wait3A_107 = tpu.memref_slice %arg2[%dma_wait3A_105, %dma_wait3A_106] : memref<10000x128xf32, #tpu.memory_space<hbm>> -> memref<10000x128xf32, #tpu.memory_space<hbm>>
      tpu.wait_indirect_dma semaphore(%arg11 : memref<!tpu.dma_semaphore, #tpu.memory_space<semaphore_mem>>) src(%dma_wait3A_107 : memref<10000x128xf32, #tpu.memory_space<hbm>>) dst(%arg8 : memref<128x128xf32, #tpu.memory_space<vmem>>)
      "tpu.region"() ({
        %run_scoped3A = tpu.sem_alloc : memref<!tpu.dma_semaphore, #tpu.memory_space<semaphore_mem>>
        %dma_start3A_121 = arith.constant 0 : i32
        %dma_start3A_122 = tpu.memref_slice %arg7[%mul3A_93, %dma_start3A_121] : memref<40x128xi32, #tpu.memory_space<vmem>> -> memref<1x128xi32, #tpu.memory_space<vmem>>
        %dma_start3A_123 = tpu.memref_squeeze %dma_start3A_122 : memref<1x128xi32, #tpu.memory_space<vmem>> -> memref<128xi32, #tpu.memory_space<vmem>>
        %dma_start3A_124 = arith.constant 0 : i32
        %dma_start3A_125 = arith.constant 0 : i32
        %dma_start3A_126 = tpu.memref_slice %arg10[%dma_start3A_124, %dma_start3A_125] : memref<10240x128xf32, #tpu.memory_space<vmem_shared>> -> memref<10240x128xf32, #tpu.memory_space<vmem_shared>>
        tpu.enqueue_indirect_dma source(%arg8 : memref<128x128xf32, #tpu.memory_space<vmem>>) target(%dma_start3A_126 : memref<10240x128xf32, #tpu.memory_space<vmem_shared>>) offsets(%dma_start3A_123 : memref<128xi32, #tpu.memory_space<vmem>>) semaphore(%run_scoped3A : memref<!tpu.dma_semaphore, #tpu.memory_space<semaphore_mem>>) {add = true}
        %dma_wait3A_127 = arith.constant 0 : i32
        %dma_wait3A_128 = tpu.memref_slice %arg7[%mul3A_93, %dma_wait3A_127] : memref<40x128xi32, #tpu.memory_space<vmem>> -> memref<1x128xi32, #tpu.memory_space<vmem>>
        %dma_wait3A_129 = tpu.memref_squeeze %dma_wait3A_128 : memref<1x128xi32, #tpu.memory_space<vmem>> -> memref<128xi32, #tpu.memory_space<vmem>>
        %dma_wait3A_130 = arith.constant 0 : i32
        %dma_wait3A_131 = arith.constant 0 : i32
        %dma_wait3A_132 = tpu.memref_slice %arg10[%dma_wait3A_130, %dma_wait3A_131] : memref<10240x128xf32, #tpu.memory_space<vmem_shared>> -> memref<10240x128xf32, #tpu.memory_space<vmem_shared>>
        tpu.wait_indirect_dma semaphore(%run_scoped3A : memref<!tpu.dma_semaphore, #tpu.memory_space<semaphore_mem>>) src(%arg8 : memref<128x128xf32, #tpu.memory_space<vmem>>) dst(%dma_wait3A_132 : memref<10240x128xf32, #tpu.memory_space<vmem_shared>>)
        tpu.yield
      }) : () -> ()
      %lt3A = arith.constant 19 : i32
      %lt3A_108 = arith.cmpi slt, %scan3A_90, %lt3A : i32
      %convert_element_type3A = arith.extui %lt3A_108 : i1 to i32
      %cond3A = arith.constant 0 : i32
      %cond3A_109 = arith.cmpi ne, %convert_element_type3A, %cond3A : i32
      scf.if %cond3A_109 {
        %add3A_121 = arith.constant 2 : i32
        %add3A_122 = arith.addi %mul3A_93, %add3A_121 : i32
        %dma_start3A_123 = arith.constant 0 : i32
        %dma_start3A_124 = tpu.memref_slice %arg6[%add3A_122, %dma_start3A_123] : memref<40x128xi32, #tpu.memory_space<vmem>> -> memref<1x128xi32, #tpu.memory_space<vmem>>
        %dma_start3A_125 = tpu.memref_squeeze %dma_start3A_124 : memref<1x128xi32, #tpu.memory_space<vmem>> -> memref<128xi32, #tpu.memory_space<vmem>>
        %dma_start3A_126 = arith.constant 0 : i32
        %dma_start3A_127 = arith.constant 0 : i32
        %dma_start3A_128 = tpu.memref_slice %arg2[%dma_start3A_126, %dma_start3A_127] : memref<10000x128xf32, #tpu.memory_space<hbm>> -> memref<10000x128xf32, #tpu.memory_space<hbm>>
        tpu.enqueue_indirect_dma source(%dma_start3A_128 : memref<10000x128xf32, #tpu.memory_space<hbm>>) target(%arg8 : memref<128x128xf32, #tpu.memory_space<vmem>>) offsets(%dma_start3A_125 : memref<128xi32, #tpu.memory_space<vmem>>) semaphore(%arg11 : memref<!tpu.dma_semaphore, #tpu.memory_space<semaphore_mem>>)
      } else {
      }
      %add3A_110 = arith.constant 1 : i32
      %add3A_111 = arith.addi %mul3A_93, %add3A_110 : i32
      %dma_wait3A_112 = arith.constant 0 : i32
      %dma_wait3A_113 = tpu.memref_slice %arg6[%add3A_111, %dma_wait3A_112] : memref<40x128xi32, #tpu.memory_space<vmem>> -> memref<1x128xi32, #tpu.memory_space<vmem>>
      %dma_wait3A_114 = tpu.memref_squeeze %dma_wait3A_113 : memref<1x128xi32, #tpu.memory_space<vmem>> -> memref<128xi32, #tpu.memory_space<vmem>>
      %dma_wait3A_115 = arith.constant 0 : i32
      %dma_wait3A_116 = arith.constant 0 : i32
      %dma_wait3A_117 = tpu.memref_slice %arg2[%dma_wait3A_115, %dma_wait3A_116] : memref<10000x128xf32, #tpu.memory_space<hbm>> -> memref<10000x128xf32, #tpu.memory_space<hbm>>
      tpu.wait_indirect_dma semaphore(%arg12 : memref<!tpu.dma_semaphore, #tpu.memory_space<semaphore_mem>>) src(%dma_wait3A_117 : memref<10000x128xf32, #tpu.memory_space<hbm>>) dst(%arg9 : memref<128x128xf32, #tpu.memory_space<vmem>>)
      %add3A_118 = arith.constant 1 : i32
      %add3A_119 = arith.addi %mul3A_93, %add3A_118 : i32
      "tpu.region"() ({
        %run_scoped3A = tpu.sem_alloc : memref<!tpu.dma_semaphore, #tpu.memory_space<semaphore_mem>>
        %dma_start3A_121 = arith.constant 0 : i32
        %dma_start3A_122 = tpu.memref_slice %arg7[%add3A_119, %dma_start3A_121] : memref<40x128xi32, #tpu.memory_space<vmem>> -> memref<1x128xi32, #tpu.memory_space<vmem>>
        %dma_start3A_123 = tpu.memref_squeeze %dma_start3A_122 : memref<1x128xi32, #tpu.memory_space<vmem>> -> memref<128xi32, #tpu.memory_space<vmem>>
        %dma_start3A_124 = arith.constant 0 : i32
        %dma_start3A_125 = arith.constant 0 : i32
        %dma_start3A_126 = tpu.memref_slice %arg10[%dma_start3A_124, %dma_start3A_125] : memref<10240x128xf32, #tpu.memory_space<vmem_shared>> -> memref<10240x128xf32, #tpu.memory_space<vmem_shared>>
        tpu.enqueue_indirect_dma source(%arg9 : memref<128x128xf32, #tpu.memory_space<vmem>>) target(%dma_start3A_126 : memref<10240x128xf32, #tpu.memory_space<vmem_shared>>) offsets(%dma_start3A_123 : memref<128xi32, #tpu.memory_space<vmem>>) semaphore(%run_scoped3A : memref<!tpu.dma_semaphore, #tpu.memory_space<semaphore_mem>>) {add = true}
        %dma_wait3A_127 = arith.constant 0 : i32
        %dma_wait3A_128 = tpu.memref_slice %arg7[%add3A_119, %dma_wait3A_127] : memref<40x128xi32, #tpu.memory_space<vmem>> -> memref<1x128xi32, #tpu.memory_space<vmem>>
        %dma_wait3A_129 = tpu.memref_squeeze %dma_wait3A_128 : memref<1x128xi32, #tpu.memory_space<vmem>> -> memref<128xi32, #tpu.memory_space<vmem>>
        %dma_wait3A_130 = arith.constant 0 : i32
        %dma_wait3A_131 = arith.constant 0 : i32
        %dma_wait3A_132 = tpu.memref_slice %arg10[%dma_wait3A_130, %dma_wait3A_131] : memref<10240x128xf32, #tpu.memory_space<vmem_shared>> -> memref<10240x128xf32, #tpu.memory_space<vmem_shared>>
        tpu.wait_indirect_dma semaphore(%run_scoped3A : memref<!tpu.dma_semaphore, #tpu.memory_space<semaphore_mem>>) src(%arg9 : memref<128x128xf32, #tpu.memory_space<vmem>>) dst(%dma_wait3A_132 : memref<10240x128xf32, #tpu.memory_space<vmem_shared>>)
        tpu.yield
      }) : () -> ()
      %scan3A_120 = arith.constant 0 : i32
      scf.yield %scan3A_120 : i32
    }
    %scan3A_63 = arith.constant 20 : i32
    %mul3A_64 = arith.constant 80 : i32
    %mul3A_65 = arith.muli %add3A, %mul3A_64 : i32
    %add3A_66 = arith.constant 40 : i32
    %add3A_67 = arith.addi %mul3A_65, %add3A_66 : i32
    "tpu.region"() ({
      %run_scoped3A = tpu.sem_alloc : memref<!tpu.dma_semaphore, #tpu.memory_space<semaphore_mem>>
      %dma_start3A_90 = arith.constant 0 : i32
      %dma_start3A_91 = tpu.memref_slice %arg3[%add3A_67, %dma_start3A_90] : memref<2560x128xi32, #tpu.memory_space<hbm>> -> memref<40x128xi32, #tpu.memory_space<hbm>>
      %dma_start3A_92 = arith.constant 0 : i32
      %dma_start3A_93 = tpu.memref_slice %arg3[%add3A_67, %dma_start3A_92] : memref<2560x128xi32, #tpu.memory_space<hbm>> -> memref<40x128xi32, #tpu.memory_space<hbm>>
      tpu.enqueue_dma source(%dma_start3A_93 : memref<40x128xi32, #tpu.memory_space<hbm>>) target(%arg6 : memref<40x128xi32, #tpu.memory_space<vmem>>) target_semaphore(%run_scoped3A : memref<!tpu.dma_semaphore, #tpu.memory_space<semaphore_mem>>)
      %dma_wait3A_94 = arith.constant 0 : i32
      %dma_wait3A_95 = tpu.memref_slice %arg3[%add3A_67, %dma_wait3A_94] : memref<2560x128xi32, #tpu.memory_space<hbm>> -> memref<40x128xi32, #tpu.memory_space<hbm>>
      %dma_wait3A_96 = arith.constant 0 : i32
      %dma_wait3A_97 = tpu.memref_slice %arg3[%add3A_67, %dma_wait3A_96] : memref<2560x128xi32, #tpu.memory_space<hbm>> -> memref<40x128xi32, #tpu.memory_space<hbm>>
      tpu.wait_dma2 semaphore(%run_scoped3A : memref<!tpu.dma_semaphore, #tpu.memory_space<semaphore_mem>>) src(%dma_wait3A_97 : memref<40x128xi32, #tpu.memory_space<hbm>>) dst(%arg6 : memref<40x128xi32, #tpu.memory_space<vmem>>)
      tpu.yield
    }) : () -> ()
    "tpu.region"() ({
      %run_scoped3A = tpu.sem_alloc : memref<!tpu.dma_semaphore, #tpu.memory_space<semaphore_mem>>
      %dma_start3A_90 = arith.constant 0 : i32
      %dma_start3A_91 = tpu.memref_slice %arg4[%add3A_67, %dma_start3A_90] : memref<2560x128xi32, #tpu.memory_space<hbm>> -> memref<40x128xi32, #tpu.memory_space<hbm>>
      %dma_start3A_92 = arith.constant 0 : i32
      %dma_start3A_93 = tpu.memref_slice %arg4[%add3A_67, %dma_start3A_92] : memref<2560x128xi32, #tpu.memory_space<hbm>> -> memref<40x128xi32, #tpu.memory_space<hbm>>
      tpu.enqueue_dma source(%dma_start3A_93 : memref<40x128xi32, #tpu.memory_space<hbm>>) target(%arg7 : memref<40x128xi32, #tpu.memory_space<vmem>>) target_semaphore(%run_scoped3A : memref<!tpu.dma_semaphore, #tpu.memory_space<semaphore_mem>>)
      %dma_wait3A_94 = arith.constant 0 : i32
      %dma_wait3A_95 = tpu.memref_slice %arg4[%add3A_67, %dma_wait3A_94] : memref<2560x128xi32, #tpu.memory_space<hbm>> -> memref<40x128xi32, #tpu.memory_space<hbm>>
      %dma_wait3A_96 = arith.constant 0 : i32
      %dma_wait3A_97 = tpu.memref_slice %arg4[%add3A_67, %dma_wait3A_96] : memref<2560x128xi32, #tpu.memory_space<hbm>> -> memref<40x128xi32, #tpu.memory_space<hbm>>
      tpu.wait_dma2 semaphore(%run_scoped3A : memref<!tpu.dma_semaphore, #tpu.memory_space<semaphore_mem>>) src(%dma_wait3A_97 : memref<40x128xi32, #tpu.memory_space<hbm>>) dst(%arg7 : memref<40x128xi32, #tpu.memory_space<vmem>>)
      tpu.yield
    }) : () -> ()
    %dma_start3A_68 = arith.constant 0 : i32
    %dma_start3A_69 = arith.constant 0 : i32
    %dma_start3A_70 = tpu.memref_slice %arg6[%dma_start3A_68, %dma_start3A_69] : memref<40x128xi32, #tpu.memory_space<vmem>> -> memref<1x128xi32, #tpu.memory_space<vmem>>
    %dma_start3A_71 = tpu.memref_squeeze %dma_start3A_70 : memref<1x128xi32, #tpu.memory_space<vmem>> -> memref<128xi32, #tpu.memory_space<vmem>>
    %dma_start3A_72 = arith.constant 0 : i32
    %dma_start3A_73 = arith.constant 0 : i32
    %dma_start3A_74 = tpu.memref_slice %arg2[%dma_start3A_72, %dma_start3A_73] : memref<10000x128xf32, #tpu.memory_space<hbm>> -> memref<10000x128xf32, #tpu.memory_space<hbm>>
    tpu.enqueue_indirect_dma source(%dma_start3A_74 : memref<10000x128xf32, #tpu.memory_space<hbm>>) target(%arg8 : memref<128x128xf32, #tpu.memory_space<vmem>>) offsets(%dma_start3A_71 : memref<128xi32, #tpu.memory_space<vmem>>) semaphore(%arg11 : memref<!tpu.dma_semaphore, #tpu.memory_space<semaphore_mem>>)
    %scan3A_75 = arith.constant 0 : i32
    %scan3A_76 = arith.constant 0 : i32
    %scan3A_77 = arith.constant 20 : i32
    %scan3A_78 = arith.addi %scan3A_76, %scan3A_77 : i32
    %scan3A_79 = arith.constant 1 : i32
    %scan3A_80 = scf.for %scan3A_90 = %scan3A_76 to %scan3A_78 step %scan3A_79 iter_args(%scan3A_91 = %scan3A_75) -> (i32)  : i32 {
      %mul3A_92 = arith.constant 2 : i32
      %mul3A_93 = arith.muli %mul3A_92, %scan3A_90 : i32
      %add3A_94 = arith.constant 1 : i32
      %add3A_95 = arith.addi %mul3A_93, %add3A_94 : i32
      %dma_start3A_96 = arith.constant 0 : i32
      %dma_start3A_97 = tpu.memref_slice %arg6[%add3A_95, %dma_start3A_96] : memref<40x128xi32, #tpu.memory_space<vmem>> -> memref<1x128xi32, #tpu.memory_space<vmem>>
      %dma_start3A_98 = tpu.memref_squeeze %dma_start3A_97 : memref<1x128xi32, #tpu.memory_space<vmem>> -> memref<128xi32, #tpu.memory_space<vmem>>
      %dma_start3A_99 = arith.constant 0 : i32
      %dma_start3A_100 = arith.constant 0 : i32
      %dma_start3A_101 = tpu.memref_slice %arg2[%dma_start3A_99, %dma_start3A_100] : memref<10000x128xf32, #tpu.memory_space<hbm>> -> memref<10000x128xf32, #tpu.memory_space<hbm>>
      tpu.enqueue_indirect_dma source(%dma_start3A_101 : memref<10000x128xf32, #tpu.memory_space<hbm>>) target(%arg9 : memref<128x128xf32, #tpu.memory_space<vmem>>) offsets(%dma_start3A_98 : memref<128xi32, #tpu.memory_space<vmem>>) semaphore(%arg12 : memref<!tpu.dma_semaphore, #tpu.memory_space<semaphore_mem>>)
      %dma_wait3A_102 = arith.constant 0 : i32
      %dma_wait3A_103 = tpu.memref_slice %arg6[%mul3A_93, %dma_wait3A_102] : memref<40x128xi32, #tpu.memory_space<vmem>> -> memref<1x128xi32, #tpu.memory_space<vmem>>
      %dma_wait3A_104 = tpu.memref_squeeze %dma_wait3A_103 : memref<1x128xi32, #tpu.memory_space<vmem>> -> memref<128xi32, #tpu.memory_space<vmem>>
      %dma_wait3A_105 = arith.constant 0 : i32
      %dma_wait3A_106 = arith.constant 0 : i32
      %dma_wait3A_107 = tpu.memref_slice %arg2[%dma_wait3A_105, %dma_wait3A_106] : memref<10000x128xf32, #tpu.memory_space<hbm>> -> memref<10000x128xf32, #tpu.memory_space<hbm>>
      tpu.wait_indirect_dma semaphore(%arg11 : memref<!tpu.dma_semaphore, #tpu.memory_space<semaphore_mem>>) src(%dma_wait3A_107 : memref<10000x128xf32, #tpu.memory_space<hbm>>) dst(%arg8 : memref<128x128xf32, #tpu.memory_space<vmem>>)
      "tpu.region"() ({
        %run_scoped3A = tpu.sem_alloc : memref<!tpu.dma_semaphore, #tpu.memory_space<semaphore_mem>>
        %dma_start3A_121 = arith.constant 0 : i32
        %dma_start3A_122 = tpu.memref_slice %arg7[%mul3A_93, %dma_start3A_121] : memref<40x128xi32, #tpu.memory_space<vmem>> -> memref<1x128xi32, #tpu.memory_space<vmem>>
        %dma_start3A_123 = tpu.memref_squeeze %dma_start3A_122 : memref<1x128xi32, #tpu.memory_space<vmem>> -> memref<128xi32, #tpu.memory_space<vmem>>
        %dma_start3A_124 = arith.constant 0 : i32
        %dma_start3A_125 = arith.constant 0 : i32
        %dma_start3A_126 = tpu.memref_slice %arg10[%dma_start3A_124, %dma_start3A_125] : memref<10240x128xf32, #tpu.memory_space<vmem_shared>> -> memref<10240x128xf32, #tpu.memory_space<vmem_shared>>
        tpu.enqueue_indirect_dma source(%arg8 : memref<128x128xf32, #tpu.memory_space<vmem>>) target(%dma_start3A_126 : memref<10240x128xf32, #tpu.memory_space<vmem_shared>>) offsets(%dma_start3A_123 : memref<128xi32, #tpu.memory_space<vmem>>) semaphore(%run_scoped3A : memref<!tpu.dma_semaphore, #tpu.memory_space<semaphore_mem>>) {add = true}
        %dma_wait3A_127 = arith.constant 0 : i32
        %dma_wait3A_128 = tpu.memref_slice %arg7[%mul3A_93, %dma_wait3A_127] : memref<40x128xi32, #tpu.memory_space<vmem>> -> memref<1x128xi32, #tpu.memory_space<vmem>>
        %dma_wait3A_129 = tpu.memref_squeeze %dma_wait3A_128 : memref<1x128xi32, #tpu.memory_space<vmem>> -> memref<128xi32, #tpu.memory_space<vmem>>
        %dma_wait3A_130 = arith.constant 0 : i32
        %dma_wait3A_131 = arith.constant 0 : i32
        %dma_wait3A_132 = tpu.memref_slice %arg10[%dma_wait3A_130, %dma_wait3A_131] : memref<10240x128xf32, #tpu.memory_space<vmem_shared>> -> memref<10240x128xf32, #tpu.memory_space<vmem_shared>>
        tpu.wait_indirect_dma semaphore(%run_scoped3A : memref<!tpu.dma_semaphore, #tpu.memory_space<semaphore_mem>>) src(%arg8 : memref<128x128xf32, #tpu.memory_space<vmem>>) dst(%dma_wait3A_132 : memref<10240x128xf32, #tpu.memory_space<vmem_shared>>)
        tpu.yield
      }) : () -> ()
      %lt3A = arith.constant 19 : i32
      %lt3A_108 = arith.cmpi slt, %scan3A_90, %lt3A : i32
      %convert_element_type3A = arith.extui %lt3A_108 : i1 to i32
      %cond3A = arith.constant 0 : i32
      %cond3A_109 = arith.cmpi ne, %convert_element_type3A, %cond3A : i32
      scf.if %cond3A_109 {
        %add3A_121 = arith.constant 2 : i32
        %add3A_122 = arith.addi %mul3A_93, %add3A_121 : i32
        %dma_start3A_123 = arith.constant 0 : i32
        %dma_start3A_124 = tpu.memref_slice %arg6[%add3A_122, %dma_start3A_123] : memref<40x128xi32, #tpu.memory_space<vmem>> -> memref<1x128xi32, #tpu.memory_space<vmem>>
        %dma_start3A_125 = tpu.memref_squeeze %dma_start3A_124 : memref<1x128xi32, #tpu.memory_space<vmem>> -> memref<128xi32, #tpu.memory_space<vmem>>
        %dma_start3A_126 = arith.constant 0 : i32
        %dma_start3A_127 = arith.constant 0 : i32
        %dma_start3A_128 = tpu.memref_slice %arg2[%dma_start3A_126, %dma_start3A_127] : memref<10000x128xf32, #tpu.memory_space<hbm>> -> memref<10000x128xf32, #tpu.memory_space<hbm>>
        tpu.enqueue_indirect_dma source(%dma_start3A_128 : memref<10000x128xf32, #tpu.memory_space<hbm>>) target(%arg8 : memref<128x128xf32, #tpu.memory_space<vmem>>) offsets(%dma_start3A_125 : memref<128xi32, #tpu.memory_space<vmem>>) semaphore(%arg11 : memref<!tpu.dma_semaphore, #tpu.memory_space<semaphore_mem>>)
      } else {
      }
      %add3A_110 = arith.constant 1 : i32
      %add3A_111 = arith.addi %mul3A_93, %add3A_110 : i32
      %dma_wait3A_112 = arith.constant 0 : i32
      %dma_wait3A_113 = tpu.memref_slice %arg6[%add3A_111, %dma_wait3A_112] : memref<40x128xi32, #tpu.memory_space<vmem>> -> memref<1x128xi32, #tpu.memory_space<vmem>>
      %dma_wait3A_114 = tpu.memref_squeeze %dma_wait3A_113 : memref<1x128xi32, #tpu.memory_space<vmem>> -> memref<128xi32, #tpu.memory_space<vmem>>
      %dma_wait3A_115 = arith.constant 0 : i32
      %dma_wait3A_116 = arith.constant 0 : i32
      %dma_wait3A_117 = tpu.memref_slice %arg2[%dma_wait3A_115, %dma_wait3A_116] : memref<10000x128xf32, #tpu.memory_space<hbm>> -> memref<10000x128xf32, #tpu.memory_space<hbm>>
      tpu.wait_indirect_dma semaphore(%arg12 : memref<!tpu.dma_semaphore, #tpu.memory_space<semaphore_mem>>) src(%dma_wait3A_117 : memref<10000x128xf32, #tpu.memory_space<hbm>>) dst(%arg9 : memref<128x128xf32, #tpu.memory_space<vmem>>)
      %add3A_118 = arith.constant 1 : i32
      %add3A_119 = arith.addi %mul3A_93, %add3A_118 : i32
      "tpu.region"() ({
        %run_scoped3A = tpu.sem_alloc : memref<!tpu.dma_semaphore, #tpu.memory_space<semaphore_mem>>
        %dma_start3A_121 = arith.constant 0 : i32
        %dma_start3A_122 = tpu.memref_slice %arg7[%add3A_119, %dma_start3A_121] : memref<40x128xi32, #tpu.memory_space<vmem>> -> memref<1x128xi32, #tpu.memory_space<vmem>>
        %dma_start3A_123 = tpu.memref_squeeze %dma_start3A_122 : memref<1x128xi32, #tpu.memory_space<vmem>> -> memref<128xi32, #tpu.memory_space<vmem>>
        %dma_start3A_124 = arith.constant 0 : i32
        %dma_start3A_125 = arith.constant 0 : i32
        %dma_start3A_126 = tpu.memref_slice %arg10[%dma_start3A_124, %dma_start3A_125] : memref<10240x128xf32, #tpu.memory_space<vmem_shared>> -> memref<10240x128xf32, #tpu.memory_space<vmem_shared>>
        tpu.enqueue_indirect_dma source(%arg9 : memref<128x128xf32, #tpu.memory_space<vmem>>) target(%dma_start3A_126 : memref<10240x128xf32, #tpu.memory_space<vmem_shared>>) offsets(%dma_start3A_123 : memref<128xi32, #tpu.memory_space<vmem>>) semaphore(%run_scoped3A : memref<!tpu.dma_semaphore, #tpu.memory_space<semaphore_mem>>) {add = true}
        %dma_wait3A_127 = arith.constant 0 : i32
        %dma_wait3A_128 = tpu.memref_slice %arg7[%add3A_119, %dma_wait3A_127] : memref<40x128xi32, #tpu.memory_space<vmem>> -> memref<1x128xi32, #tpu.memory_space<vmem>>
        %dma_wait3A_129 = tpu.memref_squeeze %dma_wait3A_128 : memref<1x128xi32, #tpu.memory_space<vmem>> -> memref<128xi32, #tpu.memory_space<vmem>>
        %dma_wait3A_130 = arith.constant 0 : i32
        %dma_wait3A_131 = arith.constant 0 : i32
        %dma_wait3A_132 = tpu.memref_slice %arg10[%dma_wait3A_130, %dma_wait3A_131] : memref<10240x128xf32, #tpu.memory_space<vmem_shared>> -> memref<10240x128xf32, #tpu.memory_space<vmem_shared>>
        tpu.wait_indirect_dma semaphore(%run_scoped3A : memref<!tpu.dma_semaphore, #tpu.memory_space<semaphore_mem>>) src(%arg9 : memref<128x128xf32, #tpu.memory_space<vmem>>) dst(%dma_wait3A_132 : memref<10240x128xf32, #tpu.memory_space<vmem_shared>>)
        tpu.yield
      }) : () -> ()
      %scan3A_120 = arith.constant 0 : i32
      scf.yield %scan3A_120 : i32
    }
    %scan3A_81 = arith.constant 20 : i32
    %barrier3A_82 = arith.constant 0 : index
    tpu.barrier barrier_id(%barrier3A_82)
    %mul3A_83 = arith.constant 640 : i32
    %mul3A_84 = arith.muli %arg1, %mul3A_83 : i32
    %mul3A_85 = arith.constant 10240 : i32
    %mul3A_86 = arith.muli %arg0, %mul3A_85 : i32
    %mul3A_87 = arith.constant 640 : i32
    %mul3A_88 = arith.muli %arg1, %mul3A_87 : i32
    %add3A_89 = arith.addi %mul3A_86, %mul3A_88 : i32
    "tpu.region"() ({
      %run_scoped3A = tpu.sem_alloc : memref<!tpu.dma_semaphore, #tpu.memory_space<semaphore_mem>>
      %dma_start3A_90 = arith.constant 0 : i32
      %dma_start3A_91 = tpu.memref_slice %arg5[%add3A_89, %dma_start3A_90] : memref<20480x128xf32, #tpu.memory_space<hbm>> -> memref<640x128xf32, #tpu.memory_space<hbm>>
      %dma_start3A_92 = arith.constant 0 : i32
      %dma_start3A_93 = tpu.memref_slice %arg10[%mul3A_84, %dma_start3A_92] : memref<10240x128xf32, #tpu.memory_space<vmem_shared>> -> memref<640x128xf32, #tpu.memory_space<vmem_shared>>
      tpu.enqueue_dma source(%dma_start3A_93 : memref<640x128xf32, #tpu.memory_space<vmem_shared>>) target(%dma_start3A_91 : memref<640x128xf32, #tpu.memory_space<hbm>>) target_semaphore(%run_scoped3A : memref<!tpu.dma_semaphore, #tpu.memory_space<semaphore_mem>>)
      %dma_wait3A_94 = arith.constant 0 : i32
      %dma_wait3A_95 = tpu.memref_slice %arg5[%add3A_89, %dma_wait3A_94] : memref<20480x128xf32, #tpu.memory_space<hbm>> -> memref<640x128xf32, #tpu.memory_space<hbm>>
      %dma_wait3A_96 = arith.constant 0 : i32
      %dma_wait3A_97 = tpu.memref_slice %arg10[%mul3A_84, %dma_wait3A_96] : memref<10240x128xf32, #tpu.memory_space<vmem_shared>> -> memref<640x128xf32, #tpu.memory_space<vmem_shared>>
      tpu.wait_dma2 semaphore(%run_scoped3A : memref<!tpu.dma_semaphore, #tpu.memory_space<semaphore_mem>>) src(%dma_wait3A_97 : memref<640x128xf32, #tpu.memory_space<vmem_shared>>) dst(%dma_wait3A_95 : memref<640x128xf32, #tpu.memory_space<hbm>>)
      tpu.yield
    }) : () -> ()
    return
  }
}

module attributes {stable_mosaic.version = 14 : i64} {
  func.func @_mm_body(%arg0: memref<10000x128xf32, #tpu.memory_space<vmem>>, %arg1: memref<128x128xf32, #tpu.memory_space<vmem>>, %arg2: memref<10000x128xf32, #tpu.memory_space<vmem>>) attributes {dimension_semantics = [], scalar_prefetch = 0 : i64, scratch_operands = 0 : i64, tpu.core_type = #tpu.core_type<tc>} {
    %get3A = arith.constant 0 : index
    %get3A_0 = arith.constant 0 : index
    %get3A_1 = vector.load %arg0[%get3A, %get3A_0] : memref<10000x128xf32, #tpu.memory_space<vmem>>, vector<10000x128xf32>
    %get3A_2 = arith.constant 0 : index
    %get3A_3 = arith.constant 0 : index
    %get3A_4 = vector.load %arg1[%get3A_2, %get3A_3] : memref<128x128xf32, #tpu.memory_space<vmem>>, vector<128x128xf32>
    %dot_general3A = arith.constant dense<0.000000e+00> : vector<10000x128xf32>
    %dot_general3A_5 = tpu.matmul %get3A_1, %get3A_4, %dot_general3A {dimension_numbers = #tpu.dot_dimension_numbers<[1], [0], [0], [1], [0, 0, 1, 1], [], []>, transpose_lhs_hint = false} : vector<10000x128xf32>, vector<128x128xf32>, vector<10000x128xf32> -> vector<10000x128xf32>
    %swap3A = arith.constant 0 : index
    %swap3A_6 = arith.constant 0 : index
    %swap3A_7 = vector.load %arg2[%swap3A, %swap3A_6] : memref<10000x128xf32, #tpu.memory_space<vmem>>, vector<10000x128xf32>
    tpu.vector_store %arg2[%swap3A, %swap3A_6], %dot_general3A_5 {strides = array<i32>} : memref<10000x128xf32, #tpu.memory_space<vmem>>, vector<10000x128xf32>,
    return
  }
}

module attributes {stable_mosaic.version = 14 : i64} {
  func.func @_scale_body(%arg0: memref<10000x128xf32, #tpu.memory_space<vmem>>, %arg1: memref<2x10240xf32, #tpu.memory_space<vmem>>, %arg2: memref<10000x128xf32, #tpu.memory_space<vmem>>, %arg3: memref<10000x1xf32, #tpu.memory_space<vmem>>) attributes {dimension_semantics = [], scalar_prefetch = 0 : i64, scratch_operands = 0 : i64, tpu.core_type = #tpu.core_type<tc>} {
    %get3A = arith.constant 0 : index
    %get3A_0 = arith.constant 0 : index
    %get3A_1 = vector.load %arg1[%get3A, %get3A_0] : memref<2x10240xf32, #tpu.memory_space<vmem>>, vector<1x10000xf32>
    %get3A_2 = vector.shape_cast %get3A_1 : vector<1x10000xf32> to vector<10000xf32>
    %get3A_3 = arith.constant 1 : index
    %get3A_4 = arith.constant 0 : index
    %get3A_5 = vector.load %arg1[%get3A_3, %get3A_4] : memref<2x10240xf32, #tpu.memory_space<vmem>>, vector<1x10000xf32>
    %get3A_6 = vector.shape_cast %get3A_5 : vector<1x10000xf32> to vector<10000xf32>
    %add3A = arith.addf %get3A_2, %get3A_6 : vector<10000xf32>
    %add3A_7 = arith.constant 1.000000e+00 : f32
    %add3A_8 = vector.broadcast %add3A_7 : f32 to vector<10000xf32>
    %add3A_9 = arith.addf %add3A, %add3A_8 : vector<10000xf32>
    %rsqrt3A = math.rsqrt %add3A_9 : vector<10000xf32>
    %broadcast_in_dim3A = vector.shape_cast %rsqrt3A : vector<10000xf32> to vector<10000x1xf32>
    %get3A_10 = arith.constant 0 : index
    %get3A_11 = arith.constant 0 : index
    %get3A_12 = vector.load %arg0[%get3A_10, %get3A_11] : memref<10000x128xf32, #tpu.memory_space<vmem>>, vector<10000x128xf32>
    %mul3A = vector.broadcast %broadcast_in_dim3A : vector<10000x1xf32> to vector<10000x128xf32>
    %mul3A_13 = arith.mulf %get3A_12, %mul3A : vector<10000x128xf32>
    %swap3A = arith.constant 0 : index
    %swap3A_14 = arith.constant 0 : index
    %swap3A_15 = vector.load %arg2[%swap3A, %swap3A_14] : memref<10000x128xf32, #tpu.memory_space<vmem>>, vector<10000x128xf32>
    tpu.vector_store %arg2[%swap3A, %swap3A_14], %mul3A_13 {strides = array<i32>} : memref<10000x128xf32, #tpu.memory_space<vmem>>, vector<10000x128xf32>,
    %swap3A_16 = arith.constant 0 : index
    %swap3A_17 = arith.constant 0 : index
    %swap3A_18 = vector.load %arg3[%swap3A_16, %swap3A_17] : memref<10000x1xf32, #tpu.memory_space<vmem>>, vector<10000x1xf32>
    tpu.vector_store %arg3[%swap3A_16, %swap3A_17], %broadcast_in_dim3A {strides = array<i32>} : memref<10000x1xf32, #tpu.memory_space<vmem>>, vector<10000x1xf32>,
    return
  }
}

module attributes {stable_mosaic.version = 14 : i64} {
  func.func @_tc2_body(%arg0: memref<20480x128xf32, #tpu.memory_space<vmem>>, %arg1: memref<10000x128xf32, #tpu.memory_space<vmem>>, %arg2: memref<10000x1xf32, #tpu.memory_space<vmem>>, %arg3: memref<1x128xf32, #tpu.memory_space<vmem>>, %arg4: memref<1x128xf32, #tpu.memory_space<vmem>>, %arg5: memref<1x128xf32, #tpu.memory_space<vmem>>, %arg6: memref<128x128xf32, #tpu.memory_space<vmem>>, %arg7: memref<10000x128xf32, #tpu.memory_space<vmem>>) attributes {dimension_semantics = [], scalar_prefetch = 0 : i64, scratch_operands = 0 : i64, tpu.core_type = #tpu.core_type<tc>} {
    %get3A = arith.constant 0 : index
    %get3A_0 = arith.constant 0 : index
    %get3A_1 = vector.load %arg0[%get3A, %get3A_0] : memref<20480x128xf32, #tpu.memory_space<vmem>>, vector<10000x128xf32>
    %get3A_2 = arith.constant 10240 : index
    %get3A_3 = arith.constant 0 : index
    %get3A_4 = vector.load %arg0[%get3A_2, %get3A_3] : memref<20480x128xf32, #tpu.memory_space<vmem>>, vector<10000x128xf32>
    %add3A = arith.addf %get3A_1, %get3A_4 : vector<10000x128xf32>
    %get3A_5 = arith.constant 0 : index
    %get3A_6 = arith.constant 0 : index
    %get3A_7 = vector.load %arg1[%get3A_5, %get3A_6] : memref<10000x128xf32, #tpu.memory_space<vmem>>, vector<10000x128xf32>
    %add3A_8 = arith.addf %add3A, %get3A_7 : vector<10000x128xf32>
    %get3A_9 = arith.constant 0 : index
    %get3A_10 = arith.constant 0 : index
    %get3A_11 = vector.load %arg2[%get3A_9, %get3A_10] : memref<10000x1xf32, #tpu.memory_space<vmem>>, vector<10000x1xf32>
    %mul3A = vector.broadcast %get3A_11 : vector<10000x1xf32> to vector<10000x128xf32>
    %mul3A_12 = arith.mulf %add3A_8, %mul3A : vector<10000x128xf32>
    %get3A_13 = arith.constant 0 : index
    %get3A_14 = arith.constant 0 : index
    %get3A_15 = vector.load %arg3[%get3A_13, %get3A_14] : memref<1x128xf32, #tpu.memory_space<vmem>>, vector<1x128xf32>
    %add3A_16 = vector.broadcast %get3A_15 : vector<1x128xf32> to vector<10000x128xf32>
    %add3A_17 = arith.addf %mul3A_12, %add3A_16 : vector<10000x128xf32>
    %reduce_sum3A = arith.constant dense<0.000000e+00> : vector<128xf32>
    %reduce_sum3A_18 = vector.multi_reduction <add>, %add3A_17, %reduce_sum3A [0] : vector<10000x128xf32> to vector<128xf32>
    %broadcast_in_dim3A = vector.shape_cast %reduce_sum3A_18 : vector<128xf32> to vector<1x128xf32>
    %div3A = arith.constant 1.000000e+04 : f32
    %div3A_19 = vector.broadcast %div3A : f32 to vector<1x128xf32>
    %div3A_20 = arith.divf %broadcast_in_dim3A, %div3A_19 : vector<1x128xf32>
    %mul3A_21 = arith.mulf %add3A_17, %add3A_17 : vector<10000x128xf32>
    %reduce_sum3A_22 = arith.constant dense<0.000000e+00> : vector<128xf32>
    %reduce_sum3A_23 = vector.multi_reduction <add>, %mul3A_21, %reduce_sum3A_22 [0] : vector<10000x128xf32> to vector<128xf32>
    %broadcast_in_dim3A_24 = vector.shape_cast %reduce_sum3A_23 : vector<128xf32> to vector<1x128xf32>
    %div3A_25 = arith.constant 1.000000e+04 : f32
    %div3A_26 = vector.broadcast %div3A_25 : f32 to vector<1x128xf32>
    %div3A_27 = arith.divf %broadcast_in_dim3A_24, %div3A_26 : vector<1x128xf32>
    %mul3A_28 = arith.mulf %div3A_20, %div3A_20 : vector<1x128xf32>
    %sub3A = arith.subf %div3A_27, %mul3A_28 : vector<1x128xf32>
    %get3A_29 = arith.constant 0 : index
    %get3A_30 = arith.constant 0 : index
    %get3A_31 = vector.load %arg4[%get3A_29, %get3A_30] : memref<1x128xf32, #tpu.memory_space<vmem>>, vector<1x128xf32>
    %sub3A_32 = vector.broadcast %div3A_20 : vector<1x128xf32> to vector<10000x128xf32>
    %sub3A_33 = arith.subf %add3A_17, %sub3A_32 : vector<10000x128xf32>
    %mul3A_34 = vector.broadcast %get3A_31 : vector<1x128xf32> to vector<10000x128xf32>
    %mul3A_35 = arith.mulf %mul3A_34, %sub3A_33 : vector<10000x128xf32>
    %add3A_36 = arith.constant 9.99999974E-6 : f32
    %add3A_37 = vector.broadcast %add3A_36 : f32 to vector<1x128xf32>
    %add3A_38 = arith.addf %sub3A, %add3A_37 : vector<1x128xf32>
    %rsqrt3A = math.rsqrt %add3A_38 : vector<1x128xf32>
    %mul3A_39 = vector.broadcast %rsqrt3A : vector<1x128xf32> to vector<10000x128xf32>
    %mul3A_40 = arith.mulf %mul3A_35, %mul3A_39 : vector<10000x128xf32>
    %get3A_41 = arith.constant 0 : index
    %get3A_42 = arith.constant 0 : index
    %get3A_43 = vector.load %arg5[%get3A_41, %get3A_42] : memref<1x128xf32, #tpu.memory_space<vmem>>, vector<1x128xf32>
    %add3A_44 = vector.broadcast %get3A_43 : vector<1x128xf32> to vector<10000x128xf32>
    %add3A_45 = arith.addf %mul3A_40, %add3A_44 : vector<10000x128xf32>
    %max3A = arith.constant 0.000000e+00 : f32
    %max3A_46 = vector.broadcast %max3A : f32 to vector<10000x128xf32>
    %max3A_47 = arith.maximumf %add3A_45, %max3A_46 : vector<10000x128xf32>
    %get3A_48 = arith.constant 0 : index
    %get3A_49 = arith.constant 0 : index
    %get3A_50 = vector.load %arg6[%get3A_48, %get3A_49] : memref<128x128xf32, #tpu.memory_space<vmem>>, vector<128x128xf32>
    %dot_general3A = arith.constant dense<0.000000e+00> : vector<10000x128xf32>
    %dot_general3A_51 = tpu.matmul %max3A_47, %get3A_50, %dot_general3A {dimension_numbers = #tpu.dot_dimension_numbers<[1], [0], [0], [1], [0, 0, 1, 1], [], []>, transpose_lhs_hint = false} : vector<10000x128xf32>, vector<128x128xf32>, vector<10000x128xf32> -> vector<10000x128xf32>
    %get3A_52 = arith.constant 0 : index
    %get3A_53 = arith.constant 0 : index
    %get3A_54 = vector.load %arg2[%get3A_52, %get3A_53] : memref<10000x1xf32, #tpu.memory_space<vmem>>, vector<10000x1xf32>
    %mul3A_55 = vector.broadcast %get3A_54 : vector<10000x1xf32> to vector<10000x128xf32>
    %mul3A_56 = arith.mulf %dot_general3A_51, %mul3A_55 : vector<10000x128xf32>
    %swap3A = arith.constant 0 : index
    %swap3A_57 = arith.constant 0 : index
    %swap3A_58 = vector.load %arg7[%swap3A, %swap3A_57] : memref<10000x128xf32, #tpu.memory_space<vmem>>, vector<10000x128xf32>
    tpu.vector_store %arg7[%swap3A, %swap3A_57], %mul3A_56 {strides = array<i32>} : memref<10000x128xf32, #tpu.memory_space<vmem>>, vector<10000x128xf32>,
    return
  }
}

module attributes {stable_mosaic.version = 14 : i64} {
  func.func @_tc3_body(%arg0: memref<20480x128xf32, #tpu.memory_space<vmem>>, %arg1: memref<10000x128xf32, #tpu.memory_space<vmem>>, %arg2: memref<10000x1xf32, #tpu.memory_space<vmem>>, %arg3: memref<1x128xf32, #tpu.memory_space<vmem>>, %arg4: memref<1x128xf32, #tpu.memory_space<vmem>>, %arg5: memref<1x128xf32, #tpu.memory_space<vmem>>, %arg6: memref<10000x1xi32, #tpu.memory_space<vmem>>, %arg7: memref<128x64xf32, #tpu.memory_space<vmem>>, %arg8: memref<1x64xf32, #tpu.memory_space<vmem>>, %arg9: memref<64x64xf32, #tpu.memory_space<vmem>>) attributes {dimension_semantics = [], scalar_prefetch = 0 : i64, scratch_operands = 0 : i64, tpu.core_type = #tpu.core_type<tc>} {
    %get3A = arith.constant 0 : index
    %get3A_0 = arith.constant 0 : index
    %get3A_1 = vector.load %arg0[%get3A, %get3A_0] : memref<20480x128xf32, #tpu.memory_space<vmem>>, vector<10000x128xf32>
    %get3A_2 = arith.constant 10240 : index
    %get3A_3 = arith.constant 0 : index
    %get3A_4 = vector.load %arg0[%get3A_2, %get3A_3] : memref<20480x128xf32, #tpu.memory_space<vmem>>, vector<10000x128xf32>
    %add3A = arith.addf %get3A_1, %get3A_4 : vector<10000x128xf32>
    %get3A_5 = arith.constant 0 : index
    %get3A_6 = arith.constant 0 : index
    %get3A_7 = vector.load %arg1[%get3A_5, %get3A_6] : memref<10000x128xf32, #tpu.memory_space<vmem>>, vector<10000x128xf32>
    %add3A_8 = arith.addf %add3A, %get3A_7 : vector<10000x128xf32>
    %get3A_9 = arith.constant 0 : index
    %get3A_10 = arith.constant 0 : index
    %get3A_11 = vector.load %arg2[%get3A_9, %get3A_10] : memref<10000x1xf32, #tpu.memory_space<vmem>>, vector<10000x1xf32>
    %mul3A = vector.broadcast %get3A_11 : vector<10000x1xf32> to vector<10000x128xf32>
    %mul3A_12 = arith.mulf %add3A_8, %mul3A : vector<10000x128xf32>
    %get3A_13 = arith.constant 0 : index
    %get3A_14 = arith.constant 0 : index
    %get3A_15 = vector.load %arg3[%get3A_13, %get3A_14] : memref<1x128xf32, #tpu.memory_space<vmem>>, vector<1x128xf32>
    %add3A_16 = vector.broadcast %get3A_15 : vector<1x128xf32> to vector<10000x128xf32>
    %add3A_17 = arith.addf %mul3A_12, %add3A_16 : vector<10000x128xf32>
    %reduce_sum3A = arith.constant dense<0.000000e+00> : vector<128xf32>
    %reduce_sum3A_18 = vector.multi_reduction <add>, %add3A_17, %reduce_sum3A [0] : vector<10000x128xf32> to vector<128xf32>
    %broadcast_in_dim3A = vector.shape_cast %reduce_sum3A_18 : vector<128xf32> to vector<1x128xf32>
    %div3A = arith.constant 1.000000e+04 : f32
    %div3A_19 = vector.broadcast %div3A : f32 to vector<1x128xf32>
    %div3A_20 = arith.divf %broadcast_in_dim3A, %div3A_19 : vector<1x128xf32>
    %mul3A_21 = arith.mulf %add3A_17, %add3A_17 : vector<10000x128xf32>
    %reduce_sum3A_22 = arith.constant dense<0.000000e+00> : vector<128xf32>
    %reduce_sum3A_23 = vector.multi_reduction <add>, %mul3A_21, %reduce_sum3A_22 [0] : vector<10000x128xf32> to vector<128xf32>
    %broadcast_in_dim3A_24 = vector.shape_cast %reduce_sum3A_23 : vector<128xf32> to vector<1x128xf32>
    %div3A_25 = arith.constant 1.000000e+04 : f32
    %div3A_26 = vector.broadcast %div3A_25 : f32 to vector<1x128xf32>
    %div3A_27 = arith.divf %broadcast_in_dim3A_24, %div3A_26 : vector<1x128xf32>
    %mul3A_28 = arith.mulf %div3A_20, %div3A_20 : vector<1x128xf32>
    %sub3A = arith.subf %div3A_27, %mul3A_28 : vector<1x128xf32>
    %get3A_29 = arith.constant 0 : index
    %get3A_30 = arith.constant 0 : index
    %get3A_31 = vector.load %arg4[%get3A_29, %get3A_30] : memref<1x128xf32, #tpu.memory_space<vmem>>, vector<1x128xf32>
    %sub3A_32 = vector.broadcast %div3A_20 : vector<1x128xf32> to vector<10000x128xf32>
    %sub3A_33 = arith.subf %add3A_17, %sub3A_32 : vector<10000x128xf32>
    %mul3A_34 = vector.broadcast %get3A_31 : vector<1x128xf32> to vector<10000x128xf32>
    %mul3A_35 = arith.mulf %mul3A_34, %sub3A_33 : vector<10000x128xf32>
    %add3A_36 = arith.constant 9.99999974E-6 : f32
    %add3A_37 = vector.broadcast %add3A_36 : f32 to vector<1x128xf32>
    %add3A_38 = arith.addf %sub3A, %add3A_37 : vector<1x128xf32>
    %rsqrt3A = math.rsqrt %add3A_38 : vector<1x128xf32>
    %mul3A_39 = vector.broadcast %rsqrt3A : vector<1x128xf32> to vector<10000x128xf32>
    %mul3A_40 = arith.mulf %mul3A_35, %mul3A_39 : vector<10000x128xf32>
    %get3A_41 = arith.constant 0 : index
    %get3A_42 = arith.constant 0 : index
    %get3A_43 = vector.load %arg5[%get3A_41, %get3A_42] : memref<1x128xf32, #tpu.memory_space<vmem>>, vector<1x128xf32>
    %add3A_44 = vector.broadcast %get3A_43 : vector<1x128xf32> to vector<10000x128xf32>
    %add3A_45 = arith.addf %mul3A_40, %add3A_44 : vector<10000x128xf32>
    %max3A = arith.constant 0.000000e+00 : f32
    %max3A_46 = vector.broadcast %max3A : f32 to vector<10000x128xf32>
    %max3A_47 = arith.maximumf %add3A_45, %max3A_46 : vector<10000x128xf32>
    %get3A_48 = arith.constant 0 : index
    %get3A_49 = arith.constant 0 : index
    %get3A_50 = vector.load %arg6[%get3A_48, %get3A_49] : memref<10000x1xi32, #tpu.memory_space<vmem>>, vector<10000x1xi32>
    %iota3A = tpu.iota {dimensions = array<i32: 1>} : vector<10000x64xi32>
    %eq3A = vector.broadcast %get3A_50 : vector<10000x1xi32> to vector<10000x64xi32>
    %eq3A_51 = arith.cmpi eq, %eq3A, %iota3A : vector<10000x64xi32>
    %convert_element_type3A = arith.extui %eq3A_51 : vector<10000x64xi1> to vector<10000x64xi32>
    %convert_element_type3A_52 = arith.sitofp %convert_element_type3A : vector<10000x64xi32> to vector<10000x64xf32>
    %dot_general3A = arith.constant dense<0.000000e+00> : vector<64x128xf32>
    %dot_general3A_53 = tpu.matmul %convert_element_type3A_52, %max3A_47, %dot_general3A {dimension_numbers = #tpu.dot_dimension_numbers<[0], [0], [1], [1], [0, 1, 1, 1], [], []>, transpose_lhs_hint = false} : vector<10000x64xf32>, vector<10000x128xf32>, vector<64x128xf32> -> vector<64x128xf32>
    %reduce_sum3A_54 = arith.constant dense<0.000000e+00> : vector<64xf32>
    %reduce_sum3A_55 = vector.multi_reduction <add>, %convert_element_type3A_52, %reduce_sum3A_54 [0] : vector<10000x64xf32> to vector<64xf32>
    %broadcast_in_dim3A_56 = vector.shape_cast %reduce_sum3A_55 : vector<64xf32> to vector<64x1xf32>
    %max3A_57 = arith.constant 1.000000e+00 : f32
    %max3A_58 = vector.broadcast %max3A_57 : f32 to vector<64x1xf32>
    %max3A_59 = arith.maximumf %broadcast_in_dim3A_56, %max3A_58 : vector<64x1xf32>
    %div3A_60 = vector.broadcast %max3A_59 : vector<64x1xf32> to vector<64x128xf32>
    %div3A_61 = arith.divf %dot_general3A_53, %div3A_60 : vector<64x128xf32>
    %get3A_62 = arith.constant 0 : index
    %get3A_63 = arith.constant 0 : index
    %get3A_64 = vector.load %arg7[%get3A_62, %get3A_63] : memref<128x64xf32, #tpu.memory_space<vmem>>, vector<128x64xf32>
    %dot_general3A_65 = arith.constant dense<0.000000e+00> : vector<64x64xf32>
    %dot_general3A_66 = tpu.matmul %div3A_61, %get3A_64, %dot_general3A_65 {dimension_numbers = #tpu.dot_dimension_numbers<[1], [0], [0], [1], [0, 0, 1, 1], [], []>, transpose_lhs_hint = false} : vector<64x128xf32>, vector<128x64xf32>, vector<64x64xf32> -> vector<64x64xf32>
    %get3A_67 = arith.constant 0 : index
    %get3A_68 = arith.constant 0 : index
    %get3A_69 = vector.load %arg8[%get3A_67, %get3A_68] : memref<1x64xf32, #tpu.memory_space<vmem>>, vector<1x64xf32>
    %add3A_70 = vector.broadcast %get3A_69 : vector<1x64xf32> to vector<64x64xf32>
    %add3A_71 = arith.addf %dot_general3A_66, %add3A_70 : vector<64x64xf32>
    %swap3A = arith.constant 0 : index
    %swap3A_72 = arith.constant 0 : index
    %swap3A_73 = vector.load %arg9[%swap3A, %swap3A_72] : memref<64x64xf32, #tpu.memory_space<vmem>>, vector<64x64xf32>
    tpu.vector_store %arg9[%swap3A, %swap3A_72], %add3A_71 {strides = array<i32>} : memref<64x64xf32, #tpu.memory_space<vmem>>, vector<64x64xf32>,
    return
  }
}

</mosaic_0001>

<sc_bundles>
// kernel: kernel.12.cloned.1.call-start
scs
__scs_entry_jumppad:
0x0: {  	(pc) =	sbr.rel $0x88, $3  }
0x1: {  	(tag) =	ssettag $0x0;
	lr =	simm.s32 $0x1  }
0x2: {  	[smem:$0x3F94] =	sst lr;
	_ =	strace $0xD0000000  }
0x3: {  	_ = 	snop  }
0x4: {  	_ = 	snop  }
0x5: {  	_ = 	snop  }
0x6: {  	_ = 	snop  }
0x7: {  	_ = 	snop  }
__scs_overlays_trampoline_lowered:
0x8: {  	[smem:$0x3FA3] =	sst s0  }
0x9: {  	[smem:$0x3FA4] =	sst s1  }
0xa: {  	[smem:$0x3FA5] =	sst s2  }
0xb: {  	[smem:$0x3FA6] =	sst s3  }
0xc: {  	[smem:$0x3FA7] =	sst s4  }
0xd: {  	[smem:$0x3FA8] =	sst s5  }
0xe: {  	[smem:$0x3FA9] =	sst s6  }
0xf: {  	[smem:$0x3FAA] =	sst s7  }
0x10: {  	[smem:$0x3FAB] =	sst s8  }
0x11: {  	[smem:$0x3FAC] =	sst s9;
	s0 =	simm.s32 @!p0 $0x0  }
0x12: {  	s1 =	sld [smem:$0x3F92];
	s0 =	simm.s32 @p0 $0x1  }
0x13: {  	[smem:$0x3FAD] =	sst s0;
	s0 =	simm.s32 @!p1 $0x0  }
0x14: {  	s2 =	sld [smem:$0x3F91];
	s0 =	simm.s32 @p1 $0x1  }
0x15: {  	[smem:$0x3FAE] =	sst s0;
	s0 =	simm.s32 @!p2 $0x0  }
0x16: {  	s3 =	sld [smem:$0x3FDB];
	s0 =	simm.s32 @p2 $0x1  }
0x17: {  	s4 =	simm.s32 $0x1BF5;
	[smem:$0x3FB0] =	sst s0  }
0x18: {  	s0 =	sld [smem:$0x3F93];
	_ =	swait.ge [sflag:s4], $0x0  }
0x19: {  	s7 =	sld [smem:$0x3F94]  }
0x1a: {  	s8 =	sadd.s32 $0xFFFFE003, lr  }
0x1b: {  	s9 =	sadd.s32 $0xFFFFFEF7, lr;
	s5 =	simm.s32 $0xFFFFFFFF;
	p2 =	slt.u32 s8, $0xFFFFF086  }
0x1c: {  	p1 =	slt.u32 s9, $0xF7A;
	s5 =	simm.s32 @!p2 $0x0  }
0x1d: {  	s5 =	simm.s32 @p1 $0x1;
	p0 =	seq.s32 s7, s2  }
0x1e: {  	s7 =	smul.u32 @!p0 $0xF7A, s2;
	p2 =	seq.s32 @!p0 s5, $0x0  }
0x1f: {  	s9 =	smul.u32 $0xF7A, s1;
	s8 =	simm.s32 @!p0 $0x1BF5;
	p2 =	por !p2, p0  }
0x20: {  	[sflag:s8] =	ssyncset.s32 @!p0 $0xFFFFF086;
	s6 =	sadd.s32 @!p0 s3, s7;
	s7 =	simm.s32 @!p0 $0x108  }
0x21: {  	s3 =	sadd.s32 s3, s9;
	s6 =	sadd.s32 @!p0 $0x88, s6;
	s7 =	simm.s32 @p2 $0x1082  }
0x22: {  	[simem:s7], [sflag:s8] =	dma.local @!p0 [hbm:s6], $0xF7A  }
0x23: {  	s9 =	sor.u32 $0xD0000000, s2;
	s6 =	simm.s32 $0x108;
	_ =	swait.ge @!p0 [sflag:s8], $0x0  }
0x24: {  	s3 =	sadd.s32 $0x88, s3;
	s6 =	simm.s32 @!p1 $0x1082;
	[sflag:s4] =	ssyncset.s32 $0xFFFFF086  }
0x25: {  	[simem:s6], [sflag:s4] =	dma.local [hbm:s3], $0xF7A  }
0x26: {  	[smem:$0x3F94] =	sst s1;
	(tag) =	ssettag s2;
	_ =	strace s9  }
0x27: {  	s1 =	sld [smem:$0x3FA4]  }
0x28: {  	s2 =	sld [smem:$0x3FA5]  }
0x29: {  	s4 =	sld [smem:$0x3FA7]  }
0x2a: {  	p0 =	seq.s32 s5, $0x0;
	s5 =	sld [smem:$0x3FA8]  }
0x2b: {  	s6 =	sld [smem:$0x3FA9]  }
0x2c: {  	s7 =	sld [smem:$0x3FAA]  }
0x2d: {  	s3 =	simm.s32 $0x108;
	s8 =	sld [smem:$0x3FAB]  }
0x2e: {  	s3 =	simm.s32 @!p0 $0x1082;
	s9 =	sld [smem:$0x3FAC]  }
0x2f: {  	lr =	sadd.s32 s0, s3;
	s0 =	sld [smem:$0x3FA3]  }
0x30: {  	s3 =	sld [smem:$0x3FA6]  }
0x31: {  	[smem:$0x3FAF] =	sst s10  }
0x32: {  	s10 =	sld [smem:$0x3FAD];
	_ =	sdelay $0x3  }
0x33: {  	p0 =	seq.s32 s10, $0x1;
	s10 =	sld [smem:$0x3FAF];
	_ =	sdelay $0x3  }
0x34: {  	[smem:$0x3FAF] =	sst s10  }
0x35: {  	s10 =	sld [smem:$0x3FAE];
	_ =	sdelay $0x3  }
0x36: {  	p1 =	seq.s32 s10, $0x1;
	s10 =	sld [smem:$0x3FAF];
	_ =	sdelay $0x3  }
0x37: {  	[smem:$0x3FAF] =	sst s10  }
0x38: {  	s10 =	sld [smem:$0x3FB0]  }
0x39: {  	_ = 	snop;
	(pc) =	sbr.ind lr, $3  }
0x3a: {  	_ = 	snop  }
0x3b: {  	_ = 	snop  }
0x3c: {  	p2 =	seq.s32 s10, $0x1;
	s10 =	sld [smem:$0x3FAF]  }
0x3d: {  	_ =	shalt  }
0x3e: {  	_ =	shalt  }
0x3f: {  	_ =	shalt  }
0x40: {  	_ =	shalt  }
0x41: {  	_ =	shalt  }
0x42: {  	_ =	shalt  }
0x43: {  	_ =	shalt  }
0x44: {  	_ =	shalt  }
0x45: {  	_ =	shalt  }
0x46: {  	_ =	shalt  }
0x47: {  	_ =	shalt  }
0x48: {  	_ =	shalt  }
0x49: {  	_ =	shalt  }
0x4a: {  	_ =	shalt  }
0x4b: {  	_ =	shalt  }
0x4c: {  	_ =	shalt  }
0x4d: {  	_ =	shalt  }
0x4e: {  	_ =	shalt  }
0x4f: {  	_ =	shalt  }
0x50: {  	_ =	shalt  }
0x51: {  	_ =	shalt  }
0x52: {  	_ =	shalt  }
0x53: {  	_ =	shalt  }
0x54: {  	_ =	shalt  }
0x55: {  	_ =	shalt  }
0x56: {  	_ =	shalt  }
0x57: {  	_ =	shalt  }
0x58: {  	_ =	shalt  }
0x59: {  	_ =	shalt  }
0x5a: {  	_ =	shalt  }
0x5b: {  	_ =	shalt  }
0x5c: {  	_ =	shalt  }
0x5d: {  	_ =	shalt  }
0x5e: {  	_ =	shalt  }
0x5f: {  	_ =	shalt  }
0x60: {  	_ =	shalt  }
0x61: {  	_ =	shalt  }
0x62: {  	_ =	shalt  }
0x63: {  	_ =	shalt  }
0x64: {  	_ =	shalt  }
0x65: {  	_ =	shalt  }
0x66: {  	_ =	shalt  }
0x67: {  	_ =	shalt  }
0x68: {  	_ =	shalt  }
0x69: {  	_ =	shalt  }
0x6a: {  	_ =	shalt  }
0x6b: {  	_ =	shalt  }
0x6c: {  	_ =	shalt  }
0x6d: {  	_ =	shalt  }
0x6e: {  	_ =	shalt  }
0x6f: {  	_ =	shalt  }
0x70: {  	_ =	shalt  }
0x71: {  	_ =	shalt  }
0x72: {  	_ =	shalt  }
0x73: {  	_ =	shalt  }
0x74: {  	_ =	shalt  }
0x75: {  	_ =	shalt  }
0x76: {  	_ =	shalt  }
0x77: {  	_ =	shalt  }
0x78: {  	_ =	shalt  }
0x79: {  	_ =	shalt  }
0x7a: {  	_ =	shalt  }
0x7b: {  	_ =	shalt  }
0x7c: {  	_ =	shalt  }
0x7d: {  	_ =	shalt  }
0x7e: {  	_ =	shalt  }
0x7f: {  	_ =	shalt  }
0x80: {  	_ =	shalt  }
0x81: {  	_ =	shalt  }
0x82: {  	_ =	shalt  }
0x83: {  	_ =	shalt  }
0x84: {  	_ =	shalt  }
0x85: {  	_ =	shalt  }
0x86: {  	_ =	shalt  }
0x87: {  	_ =	shalt  }
.Lfunc_end0:
.L_simem_size_0:
called_computation.1_lowered:
.L_overlay_start_0:
0x88: {  	s2 =	sld [smem:$0x3FD9]  }
0x89: {  	s3 =	sld [smem:$0x3FFE];
	_ =	sdelay $0x1  }
0x8a: {  	s1 =	srdreg.scid  }
0x8b: {  	s0 =	sand.u32 $0x1, s1  }
0x8c: {  	s16 =	sshll.u32 s0, $0xA;
	s2 =	sadd.s32 s3, s2  }
0x8d: {  	s2 =	sadd.s32 s2, s16  }
0x8e: {  	[smem:$0x3FBB] =	sst s2  }
0x8f: {  	_ = 	snop  }
0x90: {  	(tm) =	ssettm $0x1  }
0x91: {  	s17 =	sld [smem:$0x3FFB];
	_ =	sdelay $0x3  }
0x92: {  	_ =	strace s17  }
0x93: {  	s2 =	sld [smem:$0x3FFC];
	_ =	sdelay $0x3  }
0x94: {  	_ =	strace s2  }
0x95: {  	s2 =	sld [smem:$0x3FFD];
	_ =	sdelay $0x3  }
0x96: {  	_ =	strace s2  }
0x97: {  	_ =	strace $0x8FFFFFFF  }
0x98: {  	s18 =	sld [smem:$0x3FDB];
	_ =	sdelay $0x1  }
0x99: {  	s19 =	simm.s32 $_scs_section_size  }
0x9a: {  	s4 =	simm.s32 $_size__tile_overlayer_lowered;
	s5 =	simm.s32 $_tile_overlayer_lowered  }
0x9b: {  	s22 =	simm.s32 $0x1BFF;
	s21 =	sshll.u32 s5, $0x1;
	s2 =	sadd.s32 s19, s18  }
0x9c: {  	s6 =	simm.s32 $0x0;
	s20 =	sshll.u32 s4, $0x1;
	s4 =	sadd.s32 s21, s2  }
0x9d: {  	[timem:s6], [sflag:s22] =	dma.local [hbm:s4], s20  }
0x9e: {  	_ =	swait.ge [sflag:s22], s20  }
0x9f: {  	s3 =	ssub.s32 $0x0, s20;
	[sflag:s22] =	ssyncset.done $0x0  }
0xa0: {  	[sflag:s22] =	ssyncadd.s32 s3;
	_ =	sdelay $0x1  }
0xa1: {  	s23 =	simm.s32 $0x1B8B  }
0xa2: {  	_ =	swait.ge [sflag:s23], $0x1  }
0xa3: {  	[sflag:s23] =	ssyncset.done $0x0  }
0xa4: {  	s25 =	simm.s32 $0x1B8E;
	s24 =	sld [smem:$0x3FFE];
	[sflag:s23] =	ssyncadd.s32 $0xFFFFFFFF  }
0xa5: {  	s26 =	simm.s32 $execute0_lowered;
	[smem:$0x3FD2] =	sst s25  }
0xa6: {  	s4 =	sshll.u32 s26, $0x1;
	_ =	strace $0x80000049;
	[dreg:$0x1] =	wrdreg $0xFFFFFFFF  }
0xa7: {  	s28 =	simm.s32 $_size_execute0_lowered;
	s2 =	sadd.s32 s2, s4;
	[dreg:$0x0] =	wrdreg $0x0  }
0xa8: {  	s4 =	sshll.u32 s28, $0x1;
	[dreg:$0x2] =	wrdreg s2  }
0xa9: {  	[dreg:$0x3] =	wrdreg s4  }
0xaa: {  	[dreg:$0x4] =	wrdreg $0xC0  }
0xab: {  	_ =	task [dreg:s6], $0x5FFFF  }
0xac: {  	[dreg:$0x1] =	wrdreg $0xFFFFFFFF  }
0xad: {  	[dreg:$0x0] =	wrdreg $0x60  }
0xae: {  	[dreg:$0x2] =	wrdreg s24  }
0xaf: {  	[dreg:$0x3] =	wrdreg $0xA8000  }
0xb0: {  	[dreg:$0x4] =	wrdreg $0x9  }
0xb1: {  	_ =	task.clear_ibuf [dreg:s6], $0x5FFFF;
	_ =	strace $0x90000049  }
0xb2: {  	s29 =	simm.s32 $0x9;
	_ =	strace $0x8000004B  }
0xb3: {  	_ =	swait.ge [sflag:s29], $0x1  }
0xb4: {  	[sflag:s29] =	ssyncadd.s32 $0xFFFFFFFF  }
0xb5: {  	_ =	strace $0x9000004B  }
0xb6: {  	_ =	sfence  }
0xb7: {  	s30 =	sld [smem:$0x0];
	_ =	sdelay $0x2  }
0xb8: {  	s31 =	sshll.u32 s1, $0xD;
	s1 =	sshrl.u32 s1, $0x2  }
0xb9: {  	s3 =	sand.u32 $0x4000, s31;
	s1 =	sadd.s32 s1, s30  }
0xba: {  	s0 =	sor.u32 s3, s0;
	s1 =	sshll.u32 s1, $0x11  }
0xbb: {  	s0 =	sor.u32 s1, s0  }
0xbc: {  	s0 =	sadd.s32 $0x8F2B, s0  }
0xbd: {  	[sflag:s0] =	ssyncadd.remote.s32 $0x1  }
0xbe: {  	_ =	sfence.sel $0xFFFF  }
0xbf: {  	[dreg:$0x0] =	wrdreg $0xFFFFFFFF;
	(pc) =	sbr.abs _section_cstart, $3  }
0xc0: {  	[dreg:$0x1] =	wrdreg $0xFFFFFFFF  }
0xc1: {  	_ =	task.clear_ibuf [dreg:s6], $0x2FFFF;
	_ =	strace $0x9FFFFFFF  }
0xc2: {  	(tm) =	ssettm $0x7FFFFFFF  }
0xc3: {  	_ =	shalt  }
tec
execute0_lowered:
.L_overlay_start_1:
0x0: {  	(tag) =	ssettag $0x1  }
0x1: {  	s5 =	rddreg [dreg:$0x0]  }
0x2: {  	s2 =	rddreg [dreg:$0x1];
	s4 =	srdreg.scid  }
0x3: {  	s1 =	stileid.u32;
	s3 =	simm.s32 $0x0;
	s17 =	simm.s32 $0x6800  }
0x4: {  	s18 =	simm.s32 $0x3;
	s19 =	simm.s32 $0x1;
	s20 =	simm.s32 $0x2  }
0x5: {  	s21 =	simm.s32 $0x80;
	s22 =	simm.s32 $0x2800;
	s23 =	simm.s32 $0x1380  }
0x6: {  	s24 =	simm.s32 $0x2700;
	s25 =	simm.s32 $0x2780;
	s26 =	simm.s32 $0x0  }
0x7: {  	s6 =	sand.u32 $0x1, s4;
	s7 =	smul.u32 $0x2800, s1;
	[smem:$0x7FF] =	sst s3  }
0x8: {  	s4 =	sadd.s32 $0x17600, s5;
	s12 =	sadd.s32 $0xD600, s5;
	s9 =	smul.u32 $0x50000, s1  }
0x9: {  	s8 =	smul.u32 $0x28000, s6;
	s29 =	sshll.u32 s6, $0x4;
	s6 =	ssub.s32 $0x2, s6  }
0xa: {  	s13 =	sadd.s32 $0x3600, s5;
	_ =	strace $0x8000004A;
	s30 =	sshrl.u32 s6, $0x1  }
0xb: {  	s9 =	sshrl.u32 s9, $0x2;
	s7 =	sadd.s32 s7, s8;
	s8 =	sor.u32 s1, s29  }
0xc: {  	s15 =	ssub.s32 s6, s30;
	s14 =	sadd.s32 s7, s5;
	s31 =	smul.u32 $0x500, s8  }
0xd: {  	s10 =	smul.u32 $0x2800, s8;
	s7 =	sadd.s32 s9, s2;
	s15 =	smax.u32 s15, $0x1  }
0xe: {  	s8 =	sadd.s32 $0x4000, s7;
	s9 =	sadd.s32 $0x8000, s7;
	s11 =	sadd.s32 $0x10000, s7  }
0xf: {  	s14 =	sadd.s32 $0x3E800, s14;
	s5 =	sadd.s32 s12, s31;
	s16 =	sshrl.u32 s10, $0x3  }
0x10: {  	s6 =	sadd.s32 s13, s31;
	s10 =	sadd.s32 $0xC000, s7;
	s16 =	sadd.s32 $0x280, s16  }
0x11: {  	v0 =	vimm.f32 $0.0e+00;
	s12 =	sadd.s32 s12, s16;
	s13 =	sadd.s32 s13, s16;
	s16 =	simm.s32 $0x1400  }
.LBB2_1:
0x12: {  	[tilespmem:s3], [sflag:$0x1] =	stream.linear.gather [hbm4b:s5+s3], $0x1400, $0x38;
	[tilespmem:$0x1E800] =	vst v63  }
0x13: {  	s28 =	simm.s32 $0x0;
	s29 =	simm.s32 $0x200  }
0x14: {  	[tilespmem:s16], [sflag:$0x2] =	stream.linear.gather [hbm4b:s6+s3], $0x1400, $0x38;
	[tilespmem:$0x1E800] =	vst v63  }
.LBB2_2:
0x15: {  	p0 =	sne.s32 s29, $0xFE00;
	[tilespmem:s28+$0x6870] =	vst v0  }
0x16: {  	[tilespmem:s28+$0x6800] =	vst v0  }
0x17: {  	[tilespmem:s28+$0x6810] =	vst v0  }
.Ltmp0:
0x18: {  	[tilespmem:s28+$0x6820] =	vst v0;
	(pc) =	sbr.rel @p0 .LBB2_2-.Ltmp0, $4  }
0x19: {  	[tilespmem:s28+$0x6830] =	vst v0  }
0x1a: {  	[tilespmem:s28+$0x6840] =	vst v0  }
0x1b: {  	[tilespmem:s28+$0x6850] =	vst v0  }
0x1c: {  	[tilespmem:s28+$0x6860] =	vst v0;
	s28 =	sshra.s32 s29, $0x2;
	s29 =	sadd.s32 $0x200, s29  }
0x1d: {  	[tilespmem:s28+$0x6870] =	vst v0  }
0x1e: {  	[tilespmem:s28+$0x6800] =	vst v0  }
0x1f: {  	[tilespmem:s28+$0x6810] =	vst v0  }
0x20: {  	[tilespmem:s28+$0x6820] =	vst v0  }
0x21: {  	[tilespmem:s28+$0x6830] =	vst v0  }
0x22: {  	[tilespmem:s28+$0x6840] =	vst v0  }
0x23: {  	[tilespmem:s28+$0x6850] =	vst v0  }
0x24: {  	[tilespmem:s28+$0x6860] =	vst v0  }
0x25: {  	[spmem:s7] =	stream.linear.scatter [tilespmem:s17], [sflag:$0x3], $0x4000, $0x38;
	[tilespmem:$0x1E800] =	vst v63  }
0x26: {  	_ =	swait.ge [sflag:s18], $0x4000  }
0x27: {  	[sflag:s18] =	ssyncset.done $0x0  }
0x28: {  	[sflag:s18] =	ssyncadd.s32 $0xFFFFC000  }
0x29: {  	[spmem:s8] =	stream.linear.scatter [tilespmem:s17], [sflag:$0x3], $0x4000, $0x38;
	[tilespmem:$0x1E800] =	vst v63  }
0x2a: {  	_ =	swait.ge [sflag:s18], $0x4000  }
0x2b: {  	[sflag:s18] =	ssyncset.done $0x0  }
0x2c: {  	[sflag:s18] =	ssyncadd.s32 $0xFFFFC000  }
0x2d: {  	[spmem:s9] =	stream.linear.scatter [tilespmem:s17], [sflag:$0x3], $0x4000, $0x38;
	[tilespmem:$0x1E800] =	vst v63  }
0x2e: {  	_ =	swait.ge [sflag:s18], $0x4000  }
0x2f: {  	[sflag:s18] =	ssyncset.done $0x0  }
0x30: {  	[sflag:s18] =	ssyncadd.s32 $0xFFFFC000  }
0x31: {  	[spmem:s10] =	stream.linear.scatter [tilespmem:s17], [sflag:$0x3], $0x4000, $0x38;
	[tilespmem:$0x1E800] =	vst v63  }
0x32: {  	_ =	swait.ge [sflag:s18], $0x4000  }
0x33: {  	[sflag:s18] =	ssyncset.done $0x0  }
0x34: {  	[sflag:s18] =	ssyncadd.s32 $0xFFFFC000  }
0x35: {  	[spmem:s11] =	stream.linear.scatter [tilespmem:s17], [sflag:$0x3], $0x4000, $0x38;
	[tilespmem:$0x1E800] =	vst v63  }
0x36: {  	_ =	swait.ge [sflag:s18], $0x4000  }
0x37: {  	[sflag:s18] =	ssyncset.done $0x0  }
0x38: {  	[sflag:s18] =	ssyncadd.s32 $0xFFFFC000  }
0x39: {  	_ =	swait.ge [sflag:s19], $0x1400  }
0x3a: {  	[sflag:s19] =	ssyncset.done $0x0  }
0x3b: {  	[sflag:s19] =	ssyncadd.s32 $0xFFFFEC00  }
0x3c: {  	_ =	swait.ge [sflag:s20], $0x1400  }
0x3d: {  	[sflag:s20] =	ssyncset.done $0x0  }
0x3e: {  	[sflag:s20] =	ssyncadd.s32 $0xFFFFEC00  }
0x3f: {  	s28 =	simm.s32 $0x0;
	[bflag:$0x0] =	sbarrier.arrive $0xFFFF  }
0x40: {  	[tilespmem:s22], [sflag:$0x1] =	stream.indirect.gather [hbm4b:s4+s21], $0x80, s28, s21, $0xb8;
	[tilespmem:$0x1E800] =	vst v63  }
0x41: {  	s28 =	simm.s32 $0x80  }
0x42: {  	[tilespmem:s17], [sflag:$0x2] =	stream.indirect.gather [hbm4b:s4+s21], $0x80, s28, s21, $0xb8;
	[tilespmem:$0x1E800] =	vst v63  }
0x43: {  	_ =	swait.ge [sflag:s19], $0x4000  }
0x44: {  	[sflag:s19] =	ssyncset.done $0x0  }
0x45: {  	s28 =	simm.s32 $0x1400;
	[sflag:s19] =	ssyncadd.s32 $0xFFFFC000  }
0x46: {  	[spmem:s2] =	stream.indirect.scatter.add.f32 [tilespmem:s22], [sflag:$0x3], $0x80, s28, s21, $0xb8;
	[tilespmem:$0x1E800] =	vst v63  }
0x47: {  	_ =	swait.ge [sflag:s18], $0x4000  }
0x48: {  	[sflag:s18] =	ssyncset.done $0x0  }
0x49: {  	s28 =	simm.s32 $0x100;
	[sflag:s18] =	ssyncadd.s32 $0xFFFFC000  }
0x4a: {  	[tilespmem:s22], [sflag:$0x1] =	stream.indirect.gather [hbm4b:s4+s21], $0x80, s28, s21, $0xb8;
	[tilespmem:$0x1E800] =	vst v63  }
0x4b: {  	_ =	swait.ge [sflag:s20], $0x4000  }
0x4c: {  	[sflag:s20] =	ssyncset.done $0x0  }
0x4d: {  	s28 =	simm.s32 $0x1480;
	[sflag:s20] =	ssyncadd.s32 $0xFFFFC000  }
0x4e: {  	[spmem:s2] =	stream.indirect.scatter.add.f32 [tilespmem:s17], [sflag:$0x3], $0x80, s28, s21, $0xb8;
	[tilespmem:$0x1E800] =	vst v63  }
0x4f: {  	_ =	swait.ge [sflag:s18], $0x4000  }
0x50: {  	s29 =	simm.s32 $0x800;
	s28 =	simm.s32 $0x100;
	[sflag:s18] =	ssyncset.done $0x0  }
.LBB2_4:
0x51: {  	s30 =	sadd.s32 $0x80, s28  }
0x52: {  	[sflag:s18] =	ssyncadd.s32 $0xFFFFC000;
	s31 =	smov.u32 s29;
	s0 =	sadd.s32 $0x400, s29  }
0x53: {  	[tilespmem:s17], [sflag:$0x2] =	stream.indirect.gather [hbm4b:s4+s21], $0x80, s30, s21, $0xb8;
	[tilespmem:$0x1E800] =	vst v63  }
0x54: {  	p0 =	sne.s32 s29, $0x4800;
	_ =	swait.ge [sflag:s19], $0x4000  }
0x55: {  	[sflag:s19] =	ssyncset.done $0x0  }
0x56: {  	s29 =	sadd.s32 $0x1400, s28;
	[sflag:s19] =	ssyncadd.s32 $0xFFFFC000  }
0x57: {  	[spmem:s2] =	stream.indirect.scatter.add.f32 [tilespmem:s22], [sflag:$0x3], $0x80, s29, s21, $0xb8;
	[tilespmem:$0x1E800] =	vst v63  }
0x58: {  	_ =	swait.ge [sflag:s18], $0x4000  }
0x59: {  	[sflag:s18] =	ssyncset.done $0x0  }
0x5a: {  	s29 =	sadd.s32 $0x100, s28;
	[sflag:s18] =	ssyncadd.s32 $0xFFFFC000  }
0x5b: {  	[tilespmem:s22], [sflag:$0x1] =	stream.indirect.gather [hbm4b:s4+s21], $0x80, s29, s21, $0xb8;
	[tilespmem:$0x1E800] =	vst v63  }
0x5c: {  	_ =	swait.ge [sflag:s20], $0x4000  }
.Ltmp1:
0x5d: {  	[sflag:s20] =	ssyncset.done $0x0;
	(pc) =	sbr.rel @p0 .LBB2_4-.Ltmp1, $4  }
0x5e: {  	s28 =	sadd.s32 $0x1480, s28;
	[sflag:s20] =	ssyncadd.s32 $0xFFFFC000  }
0x5f: {  	[spmem:s2] =	stream.indirect.scatter.add.f32 [tilespmem:s17], [sflag:$0x3], $0x80, s28, s21, $0xb8;
	[tilespmem:$0x1E800] =	vst v63  }
0x60: {  	_ =	swait.ge [sflag:s18], $0x4000  }
0x61: {  	s29 =	smov.u32 s0;
	s28 =	sshra.s32 s31, $0x2;
	[sflag:s18] =	ssyncset.done $0x0  }
0x62: {  	s0 =	sadd.s32 $0x80, s28;
	[sflag:s18] =	ssyncadd.s32 $0xFFFFC000  }
0x63: {  	[tilespmem:s17], [sflag:$0x2] =	stream.indirect.gather [hbm4b:s4+s21], $0x80, s0, s21, $0xb8;
	[tilespmem:$0x1E800] =	vst v63  }
0x64: {  	_ =	swait.ge [sflag:s19], $0x4000  }
0x65: {  	[sflag:s19] =	ssyncset.done $0x0  }
0x66: {  	s30 =	sadd.s32 $0x1400, s28;
	[sflag:s19] =	ssyncadd.s32 $0xFFFFC000  }
0x67: {  	[spmem:s2] =	stream.indirect.scatter.add.f32 [tilespmem:s22], [sflag:$0x3], $0x80, s30, s21, $0xb8;
	[tilespmem:$0x1E800] =	vst v63  }
0x68: {  	_ =	swait.ge [sflag:s18], $0x4000  }
0x69: {  	[sflag:s18] =	ssyncset.done $0x0  }
0x6a: {  	s31 =	sadd.s32 $0x100, s28;
	[sflag:s18] =	ssyncadd.s32 $0xFFFFC000  }
0x6b: {  	[tilespmem:s22], [sflag:$0x1] =	stream.indirect.gather [hbm4b:s4+s21], $0x80, s31, s21, $0xb8;
	[tilespmem:$0x1E800] =	vst v63  }
0x6c: {  	_ =	swait.ge [sflag:s20], $0x4000  }
0x6d: {  	[sflag:s20] =	ssyncset.done $0x0  }
0x6e: {  	s30 =	sadd.s32 $0x1480, s28;
	[sflag:s20] =	ssyncadd.s32 $0xFFFFC000  }
0x6f: {  	[spmem:s2] =	stream.indirect.scatter.add.f32 [tilespmem:s17], [sflag:$0x3], $0x80, s30, s21, $0xb8;
	[tilespmem:$0x1E800] =	vst v63  }
0x70: {  	_ =	swait.ge [sflag:s18], $0x4000  }
0x71: {  	[sflag:s18] =	ssyncset.done $0x0  }
0x72: {  	[sflag:s18] =	ssyncadd.s32 $0xFFFFC000  }
0x73: {  	[tilespmem:s17], [sflag:$0x2] =	stream.indirect.gather [hbm4b:s4+s21], $0x80, s23, s21, $0xb8;
	[tilespmem:$0x1E800] =	vst v63  }
0x74: {  	_ =	swait.ge [sflag:s19], $0x4000  }
0x75: {  	[sflag:s19] =	ssyncset.done $0x0  }
0x76: {  	[sflag:s19] =	ssyncadd.s32 $0xFFFFC000  }
0x77: {  	[spmem:s2] =	stream.indirect.scatter.add.f32 [tilespmem:s22], [sflag:$0x3], $0x80, s24, s21, $0xb8;
	[tilespmem:$0x1E800] =	vst v63  }
0x78: {  	_ =	swait.ge [sflag:s18], $0x4000  }
0x79: {  	[sflag:s18] =	ssyncset.done $0x0  }
0x7a: {  	[sflag:s18] =	ssyncadd.s32 $0xFFFFC000  }
0x7b: {  	_ =	swait.ge [sflag:s20], $0x4000  }
0x7c: {  	[sflag:s20] =	ssyncset.done $0x0  }
0x7d: {  	[sflag:s20] =	ssyncadd.s32 $0xFFFFC000  }
0x7e: {  	[spmem:s2] =	stream.indirect.scatter.add.f32 [tilespmem:s17], [sflag:$0x3], $0x80, s25, s21, $0xb8;
	[tilespmem:$0x1E800] =	vst v63  }
0x7f: {  	_ =	swait.ge [sflag:s18], $0x4000  }
0x80: {  	[sflag:s18] =	ssyncset.done $0x0  }
0x81: {  	s31 =	simm.s32 $0x0;
	[sflag:s18] =	ssyncadd.s32 $0xFFFFC000  }
0x82: {  	[tilespmem:s31], [sflag:$0x3] =	stream.linear.gather [hbm4b:s12+s31], $0x1400, $0x38;
	[tilespmem:$0x1E800] =	vst v63  }
0x83: {  	_ =	swait.ge [sflag:s18], $0x1400  }
0x84: {  	[sflag:s18] =	ssyncset.done $0x0  }
0x85: {  	[sflag:s18] =	ssyncadd.s32 $0xFFFFEC00  }
0x86: {  	[tilespmem:s16], [sflag:$0x3] =	stream.linear.gather [hbm4b:s13+s31], $0x1400, $0x38;
	[tilespmem:$0x1E800] =	vst v63  }
0x87: {  	_ =	swait.ge [sflag:s18], $0x1400  }
0x88: {  	[sflag:s18] =	ssyncset.done $0x0  }
0x89: {  	[sflag:s18] =	ssyncadd.s32 $0xFFFFEC00  }
0x8a: {  	[tilespmem:s22], [sflag:$0x1] =	stream.indirect.gather [hbm4b:s4+s21], $0x80, s31, s21, $0xb8;
	[tilespmem:$0x1E800] =	vst v63  }
0x8b: {  	s30 =	simm.s32 $0x80  }
0x8c: {  	[tilespmem:s17], [sflag:$0x2] =	stream.indirect.gather [hbm4b:s4+s21], $0x80, s30, s21, $0xb8;
	[tilespmem:$0x1E800] =	vst v63  }
0x8d: {  	_ =	swait.ge [sflag:s19], $0x4000  }
0x8e: {  	[sflag:s19] =	ssyncset.done $0x0  }
0x8f: {  	s31 =	simm.s32 $0x1400;
	[sflag:s19] =	ssyncadd.s32 $0xFFFFC000  }
0x90: {  	[spmem:s2] =	stream.indirect.scatter.add.f32 [tilespmem:s22], [sflag:$0x3], $0x80, s31, s21, $0xb8;
	[tilespmem:$0x1E800] =	vst v63  }
0x91: {  	_ =	swait.ge [sflag:s18], $0x4000  }
0x92: {  	[sflag:s18] =	ssyncset.done $0x0  }
0x93: {  	s30 =	simm.s32 $0x100;
	[sflag:s18] =	ssyncadd.s32 $0xFFFFC000  }
0x94: {  	[tilespmem:s22], [sflag:$0x1] =	stream.indirect.gather [hbm4b:s4+s21], $0x80, s30, s21, $0xb8;
	[tilespmem:$0x1E800] =	vst v63  }
0x95: {  	_ =	swait.ge [sflag:s20], $0x4000  }
0x96: {  	[sflag:s20] =	ssyncset.done $0x0  }
0x97: {  	s31 =	simm.s32 $0x1480;
	[sflag:s20] =	ssyncadd.s32 $0xFFFFC000  }
0x98: {  	[spmem:s2] =	stream.indirect.scatter.add.f32 [tilespmem:s17], [sflag:$0x3], $0x80, s31, s21, $0xb8;
	[tilespmem:$0x1E800] =	vst v63  }
0x99: {  	_ =	swait.ge [sflag:s18], $0x4000  }
0x9a: {  	s29 =	simm.s32 $0x800;
	s28 =	simm.s32 $0x100;
	[sflag:s18] =	ssyncset.done $0x0  }
.LBB2_6:
0x9b: {  	s0 =	sadd.s32 $0x80, s28  }
0x9c: {  	[sflag:s18] =	ssyncadd.s32 $0xFFFFC000;
	s30 =	smov.u32 s29;
	s31 =	sadd.s32 $0x400, s29  }
0x9d: {  	[tilespmem:s17], [sflag:$0x2] =	stream.indirect.gather [hbm4b:s4+s21], $0x80, s0, s21, $0xb8;
	[tilespmem:$0x1E800] =	vst v63  }
0x9e: {  	p0 =	sne.s32 s29, $0x4800;
	_ =	swait.ge [sflag:s19], $0x4000  }
0x9f: {  	[sflag:s19] =	ssyncset.done $0x0  }
0xa0: {  	s0 =	sadd.s32 $0x1400, s28;
	[sflag:s19] =	ssyncadd.s32 $0xFFFFC000  }
0xa1: {  	[spmem:s2] =	stream.indirect.scatter.add.f32 [tilespmem:s22], [sflag:$0x3], $0x80, s0, s21, $0xb8;
	[tilespmem:$0x1E800] =	vst v63  }
0xa2: {  	_ =	swait.ge [sflag:s18], $0x4000  }
0xa3: {  	[sflag:s18] =	ssyncset.done $0x0  }
0xa4: {  	s0 =	sadd.s32 $0x100, s28;
	[sflag:s18] =	ssyncadd.s32 $0xFFFFC000  }
0xa5: {  	[tilespmem:s22], [sflag:$0x1] =	stream.indirect.gather [hbm4b:s4+s21], $0x80, s0, s21, $0xb8;
	[tilespmem:$0x1E800] =	vst v63  }
0xa6: {  	_ =	swait.ge [sflag:s20], $0x4000  }
.Ltmp2:
0xa7: {  	[sflag:s20] =	ssyncset.done $0x0;
	(pc) =	sbr.rel @p0 .LBB2_6-.Ltmp2, $4  }
0xa8: {  	s0 =	sadd.s32 $0x1480, s28;
	[sflag:s20] =	ssyncadd.s32 $0xFFFFC000  }
0xa9: {  	[spmem:s2] =	stream.indirect.scatter.add.f32 [tilespmem:s17], [sflag:$0x3], $0x80, s0, s21, $0xb8;
	[tilespmem:$0x1E800] =	vst v63  }
0xaa: {  	_ =	swait.ge [sflag:s18], $0x4000  }
0xab: {  	s29 =	smov.u32 s31;
	s28 =	sshra.s32 s30, $0x2;
	[sflag:s18] =	ssyncset.done $0x0  }
0xac: {  	s0 =	sadd.s32 $0x80, s28;
	[sflag:s18] =	ssyncadd.s32 $0xFFFFC000  }
0xad: {  	[tilespmem:s17], [sflag:$0x2] =	stream.indirect.gather [hbm4b:s4+s21], $0x80, s0, s21, $0xb8;
	[tilespmem:$0x1E800] =	vst v63  }
0xae: {  	_ =	swait.ge [sflag:s19], $0x4000  }
0xaf: {  	[sflag:s19] =	ssyncset.done $0x0  }
0xb0: {  	s30 =	sadd.s32 $0x1400, s28;
	[sflag:s19] =	ssyncadd.s32 $0xFFFFC000  }
0xb1: {  	[spmem:s2] =	stream.indirect.scatter.add.f32 [tilespmem:s22], [sflag:$0x3], $0x80, s30, s21, $0xb8;
	[tilespmem:$0x1E800] =	vst v63  }
0xb2: {  	_ =	swait.ge [sflag:s18], $0x4000  }
0xb3: {  	[sflag:s18] =	ssyncset.done $0x0  }
0xb4: {  	s31 =	sadd.s32 $0x100, s28;
	[sflag:s18] =	ssyncadd.s32 $0xFFFFC000  }
0xb5: {  	[tilespmem:s22], [sflag:$0x1] =	stream.indirect.gather [hbm4b:s4+s21], $0x80, s31, s21, $0xb8;
	[tilespmem:$0x1E800] =	vst v63  }
0xb6: {  	_ =	swait.ge [sflag:s20], $0x4000  }
0xb7: {  	[sflag:s20] =	ssyncset.done $0x0  }
0xb8: {  	s29 =	sadd.s32 $0x1480, s28;
	[sflag:s20] =	ssyncadd.s32 $0xFFFFC000  }
0xb9: {  	[spmem:s2] =	stream.indirect.scatter.add.f32 [tilespmem:s17], [sflag:$0x3], $0x80, s29, s21, $0xb8;
	[tilespmem:$0x1E800] =	vst v63  }
0xba: {  	_ =	swait.ge [sflag:s18], $0x4000  }
0xbb: {  	[sflag:s18] =	ssyncset.done $0x0  }
0xbc: {  	[sflag:s18] =	ssyncadd.s32 $0xFFFFC000  }
0xbd: {  	[tilespmem:s17], [sflag:$0x2] =	stream.indirect.gather [hbm4b:s4+s21], $0x80, s23, s21, $0xb8;
	[tilespmem:$0x1E800] =	vst v63  }
0xbe: {  	_ =	swait.ge [sflag:s19], $0x4000  }
0xbf: {  	[sflag:s19] =	ssyncset.done $0x0  }
0xc0: {  	[sflag:s19] =	ssyncadd.s32 $0xFFFFC000  }
0xc1: {  	[spmem:s2] =	stream.indirect.scatter.add.f32 [tilespmem:s22], [sflag:$0x3], $0x80, s24, s21, $0xb8;
	[tilespmem:$0x1E800] =	vst v63  }
0xc2: {  	_ =	swait.ge [sflag:s18], $0x4000  }
0xc3: {  	[sflag:s18] =	ssyncset.done $0x0  }
0xc4: {  	[sflag:s18] =	ssyncadd.s32 $0xFFFFC000  }
0xc5: {  	_ =	swait.ge [sflag:s20], $0x4000  }
0xc6: {  	[sflag:s20] =	ssyncset.done $0x0  }
0xc7: {  	[sflag:s20] =	ssyncadd.s32 $0xFFFFC000  }
0xc8: {  	[spmem:s2] =	stream.indirect.scatter.add.f32 [tilespmem:s17], [sflag:$0x3], $0x80, s25, s21, $0xb8;
	[tilespmem:$0x1E800] =	vst v63  }
0xc9: {  	_ =	swait.ge [sflag:s18], $0x4000  }
0xca: {  	s26 =	sadd.s32 $0x1, s26;
	s30 =	sshll.u32 s1, $0x6;
	[sflag:s18] =	ssyncset.done $0x0  }
0xcb: {  	p0 =	sne.s32 s26, s15;
	s0 =	sor.u32 $0x1C03, s30;
	[sflag:s18] =	ssyncadd.s32 $0xFFFFC000  }
.Ltmp3:
0xcc: {  	s31 =	sshrl.u32 s7, $0x3;
	[bflag:$0x0] =	sbarrier.arrive $0xFFFF;
	(pc) =	sbr.rel @p0 .LBB2_1-.Ltmp3, $4  }
0xcd: {  	[hbm:s14], [sflag:s0] =	dma.local [spmem:s31], $0x2800  }
0xce: {  	_ =	swait.ge [sflag:s18], $0x2800  }
0xcf: {  	[sflag:s18] =	ssyncset.done $0x0  }
0xd0: {  	[sflag:s18] =	ssyncadd.s32 $0xFFFFD800  }
0xd1: {  	_ =	sfence.sel $0x180000  }
0xd2: {  	[bflag:$0x0] =	sbarrier.arrive $0xFFFF  }
0xd3: {  	_ =	strace $0x9000004A  }
0xd4: {  	[bflag:$0x2] =	sbarrier.arrive $0xFFFF  }
0xd5: {  	p0 =	sne.s32 s1, $0x0;
	s0 =	rddreg [dreg:$0x2]  }
0xd6: {  	s0 =	sadd.s32 @!p0 $0x100000, s0  }
0xd7: {  	[sflag:s0] =	ssyncadd.tile.s32 @!p0 $0x1;
	_ =	shalt  }
.Lfunc_end2:
_tile_overlayer_lowered:
.L_overlay_start_2:
0xd8: {  	(tag) =	ssettag $0x2  }
0xd9: {  	s0 =	rddreg [dreg:$0x0];
	s2 =	stileid.u32  }
0xda: {  	s1 =	rddreg [dreg:$0x1];
	p0 =	sne.s32 s2, $0x0  }
0xdb: {  	s3 =	rddreg [dreg:$0x2];
	[bflag:$0x3] =	sbarrier.arrive $0xFFFF;
	s2 =	simm.s32 @!p0 $0x1C03  }
0xdc: {  	[timem:s3], [sflag:s2] =	dma.local @!p0 [hbm:s0], s1  }
0xdd: {  	s0 =	simm.s32 @!p0 $0x3  }
0xde: {  	_ =	swait.ge @!p0 [sflag:s0], s1  }
0xdf: {  	s1 =	ssub.s32 @!p0 $0x0, s1;
	[sflag:s0] =	ssyncset.done @!p0 $0x0  }
0xe0: {  	[sflag:s0] =	ssyncadd.s32 @!p0 s1  }
0xe1: {  	[bflag:$0x3] =	sbarrier.arrive $0xFFFF  }
0xe2: {  	_ =	shalt  }

// kernel: kernel.15.cloned.1.call-start
scs
__scs_entry_jumppad:
0x0: {  	(pc) =	sbr.rel $0x88, $3  }
0x1: {  	(tag) =	ssettag $0x0;
	lr =	simm.s32 $0x1  }
0x2: {  	[smem:$0x3F94] =	sst lr;
	_ =	strace $0xD0000000  }
0x3: {  	_ = 	snop  }
0x4: {  	_ = 	snop  }
0x5: {  	_ = 	snop  }
0x6: {  	_ = 	snop  }
0x7: {  	_ = 	snop  }
__scs_overlays_trampoline_lowered:
0x8: {  	[smem:$0x3FA3] =	sst s0  }
0x9: {  	[smem:$0x3FA4] =	sst s1  }
0xa: {  	[smem:$0x3FA5] =	sst s2  }
0xb: {  	[smem:$0x3FA6] =	sst s3  }
0xc: {  	[smem:$0x3FA7] =	sst s4  }
0xd: {  	[smem:$0x3FA8] =	sst s5  }
0xe: {  	[smem:$0x3FA9] =	sst s6  }
0xf: {  	[smem:$0x3FAA] =	sst s7  }
0x10: {  	[smem:$0x3FAB] =	sst s8  }
0x11: {  	[smem:$0x3FAC] =	sst s9;
	s0 =	simm.s32 @!p0 $0x0  }
0x12: {  	s1 =	sld [smem:$0x3F92];
	s0 =	simm.s32 @p0 $0x1  }
0x13: {  	[smem:$0x3FAD] =	sst s0;
	s0 =	simm.s32 @!p1 $0x0  }
0x14: {  	s2 =	sld [smem:$0x3F91];
	s0 =	simm.s32 @p1 $0x1  }
0x15: {  	[smem:$0x3FAE] =	sst s0;
	s0 =	simm.s32 @!p2 $0x0  }
0x16: {  	s3 =	sld [smem:$0x3FDB];
	s0 =	simm.s32 @p2 $0x1  }
0x17: {  	s4 =	simm.s32 $0x1BF5;
	[smem:$0x3FB0] =	sst s0  }
0x18: {  	s0 =	sld [smem:$0x3F93];
	_ =	swait.ge [sflag:s4], $0x0  }
0x19: {  	s7 =	sld [smem:$0x3F94]  }
0x1a: {  	s8 =	sadd.s32 $0xFFFFE003, lr  }
0x1b: {  	s9 =	sadd.s32 $0xFFFFFEF7, lr;
	s5 =	simm.s32 $0xFFFFFFFF;
	p2 =	slt.u32 s8, $0xFFFFF086  }
0x1c: {  	p1 =	slt.u32 s9, $0xF7A;
	s5 =	simm.s32 @!p2 $0x0  }
0x1d: {  	s5 =	simm.s32 @p1 $0x1;
	p0 =	seq.s32 s7, s2  }
0x1e: {  	s7 =	smul.u32 @!p0 $0xF7A, s2;
	p2 =	seq.s32 @!p0 s5, $0x0  }
0x1f: {  	s9 =	smul.u32 $0xF7A, s1;
	s8 =	simm.s32 @!p0 $0x1BF5;
	p2 =	por !p2, p0  }
0x20: {  	[sflag:s8] =	ssyncset.s32 @!p0 $0xFFFFF086;
	s6 =	sadd.s32 @!p0 s3, s7;
	s7 =	simm.s32 @!p0 $0x108  }
0x21: {  	s3 =	sadd.s32 s3, s9;
	s6 =	sadd.s32 @!p0 $0x88, s6;
	s7 =	simm.s32 @p2 $0x1082  }
0x22: {  	[simem:s7], [sflag:s8] =	dma.local @!p0 [hbm:s6], $0xF7A  }
0x23: {  	s9 =	sor.u32 $0xD0000000, s2;
	s6 =	simm.s32 $0x108;
	_ =	swait.ge @!p0 [sflag:s8], $0x0  }
0x24: {  	s3 =	sadd.s32 $0x88, s3;
	s6 =	simm.s32 @!p1 $0x1082;
	[sflag:s4] =	ssyncset.s32 $0xFFFFF086  }
0x25: {  	[simem:s6], [sflag:s4] =	dma.local [hbm:s3], $0xF7A  }
0x26: {  	[smem:$0x3F94] =	sst s1;
	(tag) =	ssettag s2;
	_ =	strace s9  }
0x27: {  	s1 =	sld [smem:$0x3FA4]  }
0x28: {  	s2 =	sld [smem:$0x3FA5]  }
0x29: {  	s4 =	sld [smem:$0x3FA7]  }
0x2a: {  	p0 =	seq.s32 s5, $0x0;
	s5 =	sld [smem:$0x3FA8]  }
0x2b: {  	s6 =	sld [smem:$0x3FA9]  }
0x2c: {  	s7 =	sld [smem:$0x3FAA]  }
0x2d: {  	s3 =	simm.s32 $0x108;
	s8 =	sld [smem:$0x3FAB]  }
0x2e: {  	s3 =	simm.s32 @!p0 $0x1082;
	s9 =	sld [smem:$0x3FAC]  }
0x2f: {  	lr =	sadd.s32 s0, s3;
	s0 =	sld [smem:$0x3FA3]  }
0x30: {  	s3 =	sld [smem:$0x3FA6]  }
0x31: {  	[smem:$0x3FAF] =	sst s10  }
0x32: {  	s10 =	sld [smem:$0x3FAD];
	_ =	sdelay $0x3  }
0x33: {  	p0 =	seq.s32 s10, $0x1;
	s10 =	sld [smem:$0x3FAF];
	_ =	sdelay $0x3  }
0x34: {  	[smem:$0x3FAF] =	sst s10  }
0x35: {  	s10 =	sld [smem:$0x3FAE];
	_ =	sdelay $0x3  }
0x36: {  	p1 =	seq.s32 s10, $0x1;
	s10 =	sld [smem:$0x3FAF];
	_ =	sdelay $0x3  }
0x37: {  	[smem:$0x3FAF] =	sst s10  }
0x38: {  	s10 =	sld [smem:$0x3FB0]  }
0x39: {  	_ = 	snop;
	(pc) =	sbr.ind lr, $3  }
0x3a: {  	_ = 	snop  }
0x3b: {  	_ = 	snop  }
0x3c: {  	p2 =	seq.s32 s10, $0x1;
	s10 =	sld [smem:$0x3FAF]  }
0x3d: {  	_ =	shalt  }
0x3e: {  	_ =	shalt  }
0x3f: {  	_ =	shalt  }
0x40: {  	_ =	shalt  }
0x41: {  	_ =	shalt  }
0x42: {  	_ =	shalt  }
0x43: {  	_ =	shalt  }
0x44: {  	_ =	shalt  }
0x45: {  	_ =	shalt  }
0x46: {  	_ =	shalt  }
0x47: {  	_ =	shalt  }
0x48: {  	_ =	shalt  }
0x49: {  	_ =	shalt  }
0x4a: {  	_ =	shalt  }
0x4b: {  	_ =	shalt  }
0x4c: {  	_ =	shalt  }
0x4d: {  	_ =	shalt  }
0x4e: {  	_ =	shalt  }
0x4f: {  	_ =	shalt  }
0x50: {  	_ =	shalt  }
0x51: {  	_ =	shalt  }
0x52: {  	_ =	shalt  }
0x53: {  	_ =	shalt  }
0x54: {  	_ =	shalt  }
0x55: {  	_ =	shalt  }
0x56: {  	_ =	shalt  }
0x57: {  	_ =	shalt  }
0x58: {  	_ =	shalt  }
0x59: {  	_ =	shalt  }
0x5a: {  	_ =	shalt  }
0x5b: {  	_ =	shalt  }
0x5c: {  	_ =	shalt  }
0x5d: {  	_ =	shalt  }
0x5e: {  	_ =	shalt  }
0x5f: {  	_ =	shalt  }
0x60: {  	_ =	shalt  }
0x61: {  	_ =	shalt  }
0x62: {  	_ =	shalt  }
0x63: {  	_ =	shalt  }
0x64: {  	_ =	shalt  }
0x65: {  	_ =	shalt  }
0x66: {  	_ =	shalt  }
0x67: {  	_ =	shalt  }
0x68: {  	_ =	shalt  }
0x69: {  	_ =	shalt  }
0x6a: {  	_ =	shalt  }
0x6b: {  	_ =	shalt  }
0x6c: {  	_ =	shalt  }
0x6d: {  	_ =	shalt  }
0x6e: {  	_ =	shalt  }
0x6f: {  	_ =	shalt  }
0x70: {  	_ =	shalt  }
0x71: {  	_ =	shalt  }
0x72: {  	_ =	shalt  }
0x73: {  	_ =	shalt  }
0x74: {  	_ =	shalt  }
0x75: {  	_ =	shalt  }
0x76: {  	_ =	shalt  }
0x77: {  	_ =	shalt  }
0x78: {  	_ =	shalt  }
0x79: {  	_ =	shalt  }
0x7a: {  	_ =	shalt  }
0x7b: {  	_ =	shalt  }
0x7c: {  	_ =	shalt  }
0x7d: {  	_ =	shalt  }
0x7e: {  	_ =	shalt  }
0x7f: {  	_ =	shalt  }
0x80: {  	_ =	shalt  }
0x81: {  	_ =	shalt  }
0x82: {  	_ =	shalt  }
0x83: {  	_ =	shalt  }
0x84: {  	_ =	shalt  }
0x85: {  	_ =	shalt  }
0x86: {  	_ =	shalt  }
0x87: {  	_ =	shalt  }
.Lfunc_end0:
.L_simem_size_0:
called_computation.2_lowered:
.L_overlay_start_0:
0x88: {  	s2 =	sld [smem:$0x3FD9]  }
0x89: {  	s3 =	sld [smem:$0x3FFE];
	_ =	sdelay $0x1  }
0x8a: {  	s1 =	srdreg.scid  }
0x8b: {  	s0 =	sand.u32 $0x1, s1  }
0x8c: {  	s16 =	sshll.u32 s0, $0xA;
	s2 =	sadd.s32 s3, s2  }
0x8d: {  	s2 =	sadd.s32 s2, s16  }
0x8e: {  	[smem:$0x3FBB] =	sst s2  }
0x8f: {  	_ = 	snop  }
0x90: {  	(tm) =	ssettm $0x1  }
0x91: {  	s17 =	sld [smem:$0x3FFB];
	_ =	sdelay $0x3  }
0x92: {  	_ =	strace s17  }
0x93: {  	s2 =	sld [smem:$0x3FFC];
	_ =	sdelay $0x3  }
0x94: {  	_ =	strace s2  }
0x95: {  	s2 =	sld [smem:$0x3FFD];
	_ =	sdelay $0x3  }
0x96: {  	_ =	strace s2  }
0x97: {  	_ =	strace $0x8FFFFFFF  }
0x98: {  	s18 =	sld [smem:$0x3FDB];
	_ =	sdelay $0x1  }
0x99: {  	s19 =	simm.s32 $_scs_section_size  }
0x9a: {  	s4 =	simm.s32 $_size__tile_overlayer_lowered;
	s5 =	simm.s32 $_tile_overlayer_lowered  }
0x9b: {  	s22 =	simm.s32 $0x1BFF;
	s21 =	sshll.u32 s5, $0x1;
	s2 =	sadd.s32 s19, s18  }
0x9c: {  	s6 =	simm.s32 $0x0;
	s20 =	sshll.u32 s4, $0x1;
	s4 =	sadd.s32 s21, s2  }
0x9d: {  	[timem:s6], [sflag:s22] =	dma.local [hbm:s4], s20  }
0x9e: {  	_ =	swait.ge [sflag:s22], s20  }
0x9f: {  	s3 =	ssub.s32 $0x0, s20;
	[sflag:s22] =	ssyncset.done $0x0  }
0xa0: {  	[sflag:s22] =	ssyncadd.s32 s3;
	_ =	sdelay $0x1  }
0xa1: {  	s23 =	simm.s32 $0x1B8B  }
0xa2: {  	_ =	swait.ge [sflag:s23], $0x1  }
0xa3: {  	[sflag:s23] =	ssyncset.done $0x0  }
0xa4: {  	s25 =	simm.s32 $0x1B8E;
	s24 =	sld [smem:$0x3FFE];
	[sflag:s23] =	ssyncadd.s32 $0xFFFFFFFF  }
0xa5: {  	s26 =	simm.s32 $execute0_lowered;
	[smem:$0x3FD2] =	sst s25  }
0xa6: {  	s4 =	sshll.u32 s26, $0x1;
	_ =	strace $0x8000004C;
	[dreg:$0x1] =	wrdreg $0xFFFFFFFF  }
0xa7: {  	s28 =	simm.s32 $_size_execute0_lowered;
	s2 =	sadd.s32 s2, s4;
	[dreg:$0x0] =	wrdreg $0x0  }
0xa8: {  	s4 =	sshll.u32 s28, $0x1;
	[dreg:$0x2] =	wrdreg s2  }
0xa9: {  	[dreg:$0x3] =	wrdreg s4  }
0xaa: {  	[dreg:$0x4] =	wrdreg $0xC0  }
0xab: {  	_ =	task [dreg:s6], $0x5FFFF  }
0xac: {  	[dreg:$0x1] =	wrdreg $0xFFFFFFFF  }
0xad: {  	[dreg:$0x0] =	wrdreg $0x60  }
0xae: {  	[dreg:$0x2] =	wrdreg s24  }
0xaf: {  	[dreg:$0x3] =	wrdreg $0xA8000  }
0xb0: {  	[dreg:$0x4] =	wrdreg $0x9  }
0xb1: {  	_ =	task.clear_ibuf [dreg:s6], $0x5FFFF;
	_ =	strace $0x9000004C  }
0xb2: {  	s29 =	simm.s32 $0x9;
	_ =	strace $0x8000004E  }
0xb3: {  	_ =	swait.ge [sflag:s29], $0x1  }
0xb4: {  	[sflag:s29] =	ssyncadd.s32 $0xFFFFFFFF  }
0xb5: {  	_ =	strace $0x9000004E  }
0xb6: {  	_ =	sfence  }
0xb7: {  	s30 =	sld [smem:$0x0];
	_ =	sdelay $0x2  }
0xb8: {  	s31 =	sshll.u32 s1, $0xD;
	s1 =	sshrl.u32 s1, $0x2  }
0xb9: {  	s3 =	sand.u32 $0x4000, s31;
	s1 =	sadd.s32 s1, s30  }
0xba: {  	s0 =	sor.u32 s3, s0;
	s1 =	sshll.u32 s1, $0x11  }
0xbb: {  	s0 =	sor.u32 s1, s0  }
0xbc: {  	s0 =	sadd.s32 $0x8F2B, s0  }
0xbd: {  	[sflag:s0] =	ssyncadd.remote.s32 $0x1  }
0xbe: {  	_ =	sfence.sel $0xFFFF  }
0xbf: {  	[dreg:$0x0] =	wrdreg $0xFFFFFFFF;
	(pc) =	sbr.abs _section_cstart, $3  }
0xc0: {  	[dreg:$0x1] =	wrdreg $0xFFFFFFFF  }
0xc1: {  	_ =	task.clear_ibuf [dreg:s6], $0x2FFFF;
	_ =	strace $0x9FFFFFFF  }
0xc2: {  	(tm) =	ssettm $0x7FFFFFFF  }
0xc3: {  	_ =	shalt  }
tec
execute0_lowered:
.L_overlay_start_1:
0x0: {  	(tag) =	ssettag $0x1  }
0x1: {  	s5 =	rddreg [dreg:$0x0]  }
0x2: {  	s2 =	rddreg [dreg:$0x1];
	s4 =	srdreg.scid  }
0x3: {  	s1 =	stileid.u32;
	s3 =	simm.s32 $0x0;
	s17 =	simm.s32 $0x6800  }
0x4: {  	s18 =	simm.s32 $0x3;
	s19 =	simm.s32 $0x1;
	s20 =	simm.s32 $0x2  }
0x5: {  	s21 =	simm.s32 $0x80;
	s22 =	simm.s32 $0x2800;
	s23 =	simm.s32 $0x1380  }
0x6: {  	s24 =	simm.s32 $0x2700;
	s25 =	simm.s32 $0x2780;
	s26 =	simm.s32 $0x0  }
0x7: {  	s6 =	sand.u32 $0x1, s4;
	s7 =	smul.u32 $0x2800, s1;
	[smem:$0x7FF] =	sst s3  }
0x8: {  	s4 =	sadd.s32 $0x17600, s5;
	s12 =	sadd.s32 $0xD600, s5;
	s9 =	smul.u32 $0x50000, s1  }
0x9: {  	s8 =	smul.u32 $0x28000, s6;
	s29 =	sshll.u32 s6, $0x4;
	s6 =	ssub.s32 $0x2, s6  }
0xa: {  	s13 =	sadd.s32 $0x3600, s5;
	_ =	strace $0x8000004D;
	s30 =	sshrl.u32 s6, $0x1  }
0xb: {  	s9 =	sshrl.u32 s9, $0x2;
	s7 =	sadd.s32 s7, s8;
	s8 =	sor.u32 s1, s29  }
0xc: {  	s15 =	ssub.s32 s6, s30;
	s14 =	sadd.s32 s7, s5;
	s31 =	smul.u32 $0x500, s8  }
0xd: {  	s10 =	smul.u32 $0x2800, s8;
	s7 =	sadd.s32 s9, s2;
	s15 =	smax.u32 s15, $0x1  }
0xe: {  	s8 =	sadd.s32 $0x4000, s7;
	s9 =	sadd.s32 $0x8000, s7;
	s11 =	sadd.s32 $0x10000, s7  }
0xf: {  	s14 =	sadd.s32 $0x3E800, s14;
	s5 =	sadd.s32 s12, s31;
	s16 =	sshrl.u32 s10, $0x3  }
0x10: {  	s6 =	sadd.s32 s13, s31;
	s10 =	sadd.s32 $0xC000, s7;
	s16 =	sadd.s32 $0x280, s16  }
0x11: {  	v0 =	vimm.f32 $0.0e+00;
	s12 =	sadd.s32 s12, s16;
	s13 =	sadd.s32 s13, s16;
	s16 =	simm.s32 $0x1400  }
.LBB2_1:
0x12: {  	[tilespmem:s3], [sflag:$0x1] =	stream.linear.gather [hbm4b:s5+s3], $0x1400, $0x38;
	[tilespmem:$0x1E800] =	vst v63  }
0x13: {  	s28 =	simm.s32 $0x0;
	s29 =	simm.s32 $0x200  }
0x14: {  	[tilespmem:s16], [sflag:$0x2] =	stream.linear.gather [hbm4b:s6+s3], $0x1400, $0x38;
	[tilespmem:$0x1E800] =	vst v63  }
.LBB2_2:
0x15: {  	p0 =	sne.s32 s29, $0xFE00;
	[tilespmem:s28+$0x6870] =	vst v0  }
0x16: {  	[tilespmem:s28+$0x6800] =	vst v0  }
0x17: {  	[tilespmem:s28+$0x6810] =	vst v0  }
.Ltmp0:
0x18: {  	[tilespmem:s28+$0x6820] =	vst v0;
	(pc) =	sbr.rel @p0 .LBB2_2-.Ltmp0, $4  }
0x19: {  	[tilespmem:s28+$0x6830] =	vst v0  }
0x1a: {  	[tilespmem:s28+$0x6840] =	vst v0  }
0x1b: {  	[tilespmem:s28+$0x6850] =	vst v0  }
0x1c: {  	[tilespmem:s28+$0x6860] =	vst v0;
	s28 =	sshra.s32 s29, $0x2;
	s29 =	sadd.s32 $0x200, s29  }
0x1d: {  	[tilespmem:s28+$0x6870] =	vst v0  }
0x1e: {  	[tilespmem:s28+$0x6800] =	vst v0  }
0x1f: {  	[tilespmem:s28+$0x6810] =	vst v0  }
0x20: {  	[tilespmem:s28+$0x6820] =	vst v0  }
0x21: {  	[tilespmem:s28+$0x6830] =	vst v0  }
0x22: {  	[tilespmem:s28+$0x6840] =	vst v0  }
0x23: {  	[tilespmem:s28+$0x6850] =	vst v0  }
0x24: {  	[tilespmem:s28+$0x6860] =	vst v0  }
0x25: {  	[spmem:s7] =	stream.linear.scatter [tilespmem:s17], [sflag:$0x3], $0x4000, $0x38;
	[tilespmem:$0x1E800] =	vst v63  }
0x26: {  	_ =	swait.ge [sflag:s18], $0x4000  }
0x27: {  	[sflag:s18] =	ssyncset.done $0x0  }
0x28: {  	[sflag:s18] =	ssyncadd.s32 $0xFFFFC000  }
0x29: {  	[spmem:s8] =	stream.linear.scatter [tilespmem:s17], [sflag:$0x3], $0x4000, $0x38;
	[tilespmem:$0x1E800] =	vst v63  }
0x2a: {  	_ =	swait.ge [sflag:s18], $0x4000  }
0x2b: {  	[sflag:s18] =	ssyncset.done $0x0  }
0x2c: {  	[sflag:s18] =	ssyncadd.s32 $0xFFFFC000  }
0x2d: {  	[spmem:s9] =	stream.linear.scatter [tilespmem:s17], [sflag:$0x3], $0x4000, $0x38;
	[tilespmem:$0x1E800] =	vst v63  }
0x2e: {  	_ =	swait.ge [sflag:s18], $0x4000  }
0x2f: {  	[sflag:s18] =	ssyncset.done $0x0  }
0x30: {  	[sflag:s18] =	ssyncadd.s32 $0xFFFFC000  }
0x31: {  	[spmem:s10] =	stream.linear.scatter [tilespmem:s17], [sflag:$0x3], $0x4000, $0x38;
	[tilespmem:$0x1E800] =	vst v63  }
0x32: {  	_ =	swait.ge [sflag:s18], $0x4000  }
0x33: {  	[sflag:s18] =	ssyncset.done $0x0  }
0x34: {  	[sflag:s18] =	ssyncadd.s32 $0xFFFFC000  }
0x35: {  	[spmem:s11] =	stream.linear.scatter [tilespmem:s17], [sflag:$0x3], $0x4000, $0x38;
	[tilespmem:$0x1E800] =	vst v63  }
0x36: {  	_ =	swait.ge [sflag:s18], $0x4000  }
0x37: {  	[sflag:s18] =	ssyncset.done $0x0  }
0x38: {  	[sflag:s18] =	ssyncadd.s32 $0xFFFFC000  }
0x39: {  	_ =	swait.ge [sflag:s19], $0x1400  }
0x3a: {  	[sflag:s19] =	ssyncset.done $0x0  }
0x3b: {  	[sflag:s19] =	ssyncadd.s32 $0xFFFFEC00  }
0x3c: {  	_ =	swait.ge [sflag:s20], $0x1400  }
0x3d: {  	[sflag:s20] =	ssyncset.done $0x0  }
0x3e: {  	[sflag:s20] =	ssyncadd.s32 $0xFFFFEC00  }
0x3f: {  	s28 =	simm.s32 $0x0;
	[bflag:$0x0] =	sbarrier.arrive $0xFFFF  }
0x40: {  	[tilespmem:s22], [sflag:$0x1] =	stream.indirect.gather [hbm4b:s4+s21], $0x80, s28, s21, $0xb8;
	[tilespmem:$0x1E800] =	vst v63  }
0x41: {  	s28 =	simm.s32 $0x80  }
0x42: {  	[tilespmem:s17], [sflag:$0x2] =	stream.indirect.gather [hbm4b:s4+s21], $0x80, s28, s21, $0xb8;
	[tilespmem:$0x1E800] =	vst v63  }
0x43: {  	_ =	swait.ge [sflag:s19], $0x4000  }
0x44: {  	[sflag:s19] =	ssyncset.done $0x0  }
0x45: {  	s28 =	simm.s32 $0x1400;
	[sflag:s19] =	ssyncadd.s32 $0xFFFFC000  }
0x46: {  	[spmem:s2] =	stream.indirect.scatter.add.f32 [tilespmem:s22], [sflag:$0x3], $0x80, s28, s21, $0xb8;
	[tilespmem:$0x1E800] =	vst v63  }
0x47: {  	_ =	swait.ge [sflag:s18], $0x4000  }
0x48: {  	[sflag:s18] =	ssyncset.done $0x0  }
0x49: {  	s28 =	simm.s32 $0x100;
	[sflag:s18] =	ssyncadd.s32 $0xFFFFC000  }
0x4a: {  	[tilespmem:s22], [sflag:$0x1] =	stream.indirect.gather [hbm4b:s4+s21], $0x80, s28, s21, $0xb8;
	[tilespmem:$0x1E800] =	vst v63  }
0x4b: {  	_ =	swait.ge [sflag:s20], $0x4000  }
0x4c: {  	[sflag:s20] =	ssyncset.done $0x0  }
0x4d: {  	s28 =	simm.s32 $0x1480;
	[sflag:s20] =	ssyncadd.s32 $0xFFFFC000  }
0x4e: {  	[spmem:s2] =	stream.indirect.scatter.add.f32 [tilespmem:s17], [sflag:$0x3], $0x80, s28, s21, $0xb8;
	[tilespmem:$0x1E800] =	vst v63  }
0x4f: {  	_ =	swait.ge [sflag:s18], $0x4000  }
0x50: {  	s29 =	simm.s32 $0x800;
	s28 =	simm.s32 $0x100;
	[sflag:s18] =	ssyncset.done $0x0  }
.LBB2_4:
0x51: {  	s30 =	sadd.s32 $0x80, s28  }
0x52: {  	[sflag:s18] =	ssyncadd.s32 $0xFFFFC000;
	s31 =	smov.u32 s29;
	s0 =	sadd.s32 $0x400, s29  }
0x53: {  	[tilespmem:s17], [sflag:$0x2] =	stream.indirect.gather [hbm4b:s4+s21], $0x80, s30, s21, $0xb8;
	[tilespmem:$0x1E800] =	vst v63  }
0x54: {  	p0 =	sne.s32 s29, $0x4800;
	_ =	swait.ge [sflag:s19], $0x4000  }
0x55: {  	[sflag:s19] =	ssyncset.done $0x0  }
0x56: {  	s29 =	sadd.s32 $0x1400, s28;
	[sflag:s19] =	ssyncadd.s32 $0xFFFFC000  }
0x57: {  	[spmem:s2] =	stream.indirect.scatter.add.f32 [tilespmem:s22], [sflag:$0x3], $0x80, s29, s21, $0xb8;
	[tilespmem:$0x1E800] =	vst v63  }
0x58: {  	_ =	swait.ge [sflag:s18], $0x4000  }
0x59: {  	[sflag:s18] =	ssyncset.done $0x0  }
0x5a: {  	s29 =	sadd.s32 $0x100, s28;
	[sflag:s18] =	ssyncadd.s32 $0xFFFFC000  }
0x5b: {  	[tilespmem:s22], [sflag:$0x1] =	stream.indirect.gather [hbm4b:s4+s21], $0x80, s29, s21, $0xb8;
	[tilespmem:$0x1E800] =	vst v63  }
0x5c: {  	_ =	swait.ge [sflag:s20], $0x4000  }
.Ltmp1:
0x5d: {  	[sflag:s20] =	ssyncset.done $0x0;
	(pc) =	sbr.rel @p0 .LBB2_4-.Ltmp1, $4  }
0x5e: {  	s28 =	sadd.s32 $0x1480, s28;
	[sflag:s20] =	ssyncadd.s32 $0xFFFFC000  }
0x5f: {  	[spmem:s2] =	stream.indirect.scatter.add.f32 [tilespmem:s17], [sflag:$0x3], $0x80, s28, s21, $0xb8;
	[tilespmem:$0x1E800] =	vst v63  }
0x60: {  	_ =	swait.ge [sflag:s18], $0x4000  }
0x61: {  	s29 =	smov.u32 s0;
	s28 =	sshra.s32 s31, $0x2;
	[sflag:s18] =	ssyncset.done $0x0  }
0x62: {  	s0 =	sadd.s32 $0x80, s28;
	[sflag:s18] =	ssyncadd.s32 $0xFFFFC000  }
0x63: {  	[tilespmem:s17], [sflag:$0x2] =	stream.indirect.gather [hbm4b:s4+s21], $0x80, s0, s21, $0xb8;
	[tilespmem:$0x1E800] =	vst v63  }
0x64: {  	_ =	swait.ge [sflag:s19], $0x4000  }
0x65: {  	[sflag:s19] =	ssyncset.done $0x0  }
0x66: {  	s30 =	sadd.s32 $0x1400, s28;
	[sflag:s19] =	ssyncadd.s32 $0xFFFFC000  }
0x67: {  	[spmem:s2] =	stream.indirect.scatter.add.f32 [tilespmem:s22], [sflag:$0x3], $0x80, s30, s21, $0xb8;
	[tilespmem:$0x1E800] =	vst v63  }
0x68: {  	_ =	swait.ge [sflag:s18], $0x4000  }
0x69: {  	[sflag:s18] =	ssyncset.done $0x0  }
0x6a: {  	s31 =	sadd.s32 $0x100, s28;
	[sflag:s18] =	ssyncadd.s32 $0xFFFFC000  }
0x6b: {  	[tilespmem:s22], [sflag:$0x1] =	stream.indirect.gather [hbm4b:s4+s21], $0x80, s31, s21, $0xb8;
	[tilespmem:$0x1E800] =	vst v63  }
0x6c: {  	_ =	swait.ge [sflag:s20], $0x4000  }
0x6d: {  	[sflag:s20] =	ssyncset.done $0x0  }
0x6e: {  	s30 =	sadd.s32 $0x1480, s28;
	[sflag:s20] =	ssyncadd.s32 $0xFFFFC000  }
0x6f: {  	[spmem:s2] =	stream.indirect.scatter.add.f32 [tilespmem:s17], [sflag:$0x3], $0x80, s30, s21, $0xb8;
	[tilespmem:$0x1E800] =	vst v63  }
0x70: {  	_ =	swait.ge [sflag:s18], $0x4000  }
0x71: {  	[sflag:s18] =	ssyncset.done $0x0  }
0x72: {  	[sflag:s18] =	ssyncadd.s32 $0xFFFFC000  }
0x73: {  	[tilespmem:s17], [sflag:$0x2] =	stream.indirect.gather [hbm4b:s4+s21], $0x80, s23, s21, $0xb8;
	[tilespmem:$0x1E800] =	vst v63  }
0x74: {  	_ =	swait.ge [sflag:s19], $0x4000  }
0x75: {  	[sflag:s19] =	ssyncset.done $0x0  }
0x76: {  	[sflag:s19] =	ssyncadd.s32 $0xFFFFC000  }
0x77: {  	[spmem:s2] =	stream.indirect.scatter.add.f32 [tilespmem:s22], [sflag:$0x3], $0x80, s24, s21, $0xb8;
	[tilespmem:$0x1E800] =	vst v63  }
0x78: {  	_ =	swait.ge [sflag:s18], $0x4000  }
0x79: {  	[sflag:s18] =	ssyncset.done $0x0  }
0x7a: {  	[sflag:s18] =	ssyncadd.s32 $0xFFFFC000  }
0x7b: {  	_ =	swait.ge [sflag:s20], $0x4000  }
0x7c: {  	[sflag:s20] =	ssyncset.done $0x0  }
0x7d: {  	[sflag:s20] =	ssyncadd.s32 $0xFFFFC000  }
0x7e: {  	[spmem:s2] =	stream.indirect.scatter.add.f32 [tilespmem:s17], [sflag:$0x3], $0x80, s25, s21, $0xb8;
	[tilespmem:$0x1E800] =	vst v63  }
0x7f: {  	_ =	swait.ge [sflag:s18], $0x4000  }
0x80: {  	[sflag:s18] =	ssyncset.done $0x0  }
0x81: {  	s31 =	simm.s32 $0x0;
	[sflag:s18] =	ssyncadd.s32 $0xFFFFC000  }
0x82: {  	[tilespmem:s31], [sflag:$0x3] =	stream.linear.gather [hbm4b:s12+s31], $0x1400, $0x38;
	[tilespmem:$0x1E800] =	vst v63  }
0x83: {  	_ =	swait.ge [sflag:s18], $0x1400  }
0x84: {  	[sflag:s18] =	ssyncset.done $0x0  }
0x85: {  	[sflag:s18] =	ssyncadd.s32 $0xFFFFEC00  }
0x86: {  	[tilespmem:s16], [sflag:$0x3] =	stream.linear.gather [hbm4b:s13+s31], $0x1400, $0x38;
	[tilespmem:$0x1E800] =	vst v63  }
0x87: {  	_ =	swait.ge [sflag:s18], $0x1400  }
0x88: {  	[sflag:s18] =	ssyncset.done $0x0  }
0x89: {  	[sflag:s18] =	ssyncadd.s32 $0xFFFFEC00  }
0x8a: {  	[tilespmem:s22], [sflag:$0x1] =	stream.indirect.gather [hbm4b:s4+s21], $0x80, s31, s21, $0xb8;
	[tilespmem:$0x1E800] =	vst v63  }
0x8b: {  	s30 =	simm.s32 $0x80  }
0x8c: {  	[tilespmem:s17], [sflag:$0x2] =	stream.indirect.gather [hbm4b:s4+s21], $0x80, s30, s21, $0xb8;
	[tilespmem:$0x1E800] =	vst v63  }
0x8d: {  	_ =	swait.ge [sflag:s19], $0x4000  }
0x8e: {  	[sflag:s19] =	ssyncset.done $0x0  }
0x8f: {  	s31 =	simm.s32 $0x1400;
	[sflag:s19] =	ssyncadd.s32 $0xFFFFC000  }
0x90: {  	[spmem:s2] =	stream.indirect.scatter.add.f32 [tilespmem:s22], [sflag:$0x3], $0x80, s31, s21, $0xb8;
	[tilespmem:$0x1E800] =	vst v63  }
0x91: {  	_ =	swait.ge [sflag:s18], $0x4000  }
0x92: {  	[sflag:s18] =	ssyncset.done $0x0  }
0x93: {  	s30 =	simm.s32 $0x100;
	[sflag:s18] =	ssyncadd.s32 $0xFFFFC000  }
0x94: {  	[tilespmem:s22], [sflag:$0x1] =	stream.indirect.gather [hbm4b:s4+s21], $0x80, s30, s21, $0xb8;
	[tilespmem:$0x1E800] =	vst v63  }
0x95: {  	_ =	swait.ge [sflag:s20], $0x4000  }
0x96: {  	[sflag:s20] =	ssyncset.done $0x0  }
0x97: {  	s31 =	simm.s32 $0x1480;
	[sflag:s20] =	ssyncadd.s32 $0xFFFFC000  }
0x98: {  	[spmem:s2] =	stream.indirect.scatter.add.f32 [tilespmem:s17], [sflag:$0x3], $0x80, s31, s21, $0xb8;
	[tilespmem:$0x1E800] =	vst v63  }
0x99: {  	_ =	swait.ge [sflag:s18], $0x4000  }
0x9a: {  	s29 =	simm.s32 $0x800;
	s28 =	simm.s32 $0x100;
	[sflag:s18] =	ssyncset.done $0x0  }
.LBB2_6:
0x9b: {  	s0 =	sadd.s32 $0x80, s28  }
0x9c: {  	[sflag:s18] =	ssyncadd.s32 $0xFFFFC000;
	s30 =	smov.u32 s29;
	s31 =	sadd.s32 $0x400, s29  }
0x9d: {  	[tilespmem:s17], [sflag:$0x2] =	stream.indirect.gather [hbm4b:s4+s21], $0x80, s0, s21, $0xb8;
	[tilespmem:$0x1E800] =	vst v63  }
0x9e: {  	p0 =	sne.s32 s29, $0x4800;
	_ =	swait.ge [sflag:s19], $0x4000  }
0x9f: {  	[sflag:s19] =	ssyncset.done $0x0  }
0xa0: {  	s0 =	sadd.s32 $0x1400, s28;
	[sflag:s19] =	ssyncadd.s32 $0xFFFFC000  }
0xa1: {  	[spmem:s2] =	stream.indirect.scatter.add.f32 [tilespmem:s22], [sflag:$0x3], $0x80, s0, s21, $0xb8;
	[tilespmem:$0x1E800] =	vst v63  }
0xa2: {  	_ =	swait.ge [sflag:s18], $0x4000  }
0xa3: {  	[sflag:s18] =	ssyncset.done $0x0  }
0xa4: {  	s0 =	sadd.s32 $0x100, s28;
	[sflag:s18] =	ssyncadd.s32 $0xFFFFC000  }
0xa5: {  	[tilespmem:s22], [sflag:$0x1] =	stream.indirect.gather [hbm4b:s4+s21], $0x80, s0, s21, $0xb8;
	[tilespmem:$0x1E800] =	vst v63  }
0xa6: {  	_ =	swait.ge [sflag:s20], $0x4000  }
.Ltmp2:
0xa7: {  	[sflag:s20] =	ssyncset.done $0x0;
	(pc) =	sbr.rel @p0 .LBB2_6-.Ltmp2, $4  }
0xa8: {  	s0 =	sadd.s32 $0x1480, s28;
	[sflag:s20] =	ssyncadd.s32 $0xFFFFC000  }
0xa9: {  	[spmem:s2] =	stream.indirect.scatter.add.f32 [tilespmem:s17], [sflag:$0x3], $0x80, s0, s21, $0xb8;
	[tilespmem:$0x1E800] =	vst v63  }
0xaa: {  	_ =	swait.ge [sflag:s18], $0x4000  }
0xab: {  	s29 =	smov.u32 s31;
	s28 =	sshra.s32 s30, $0x2;
	[sflag:s18] =	ssyncset.done $0x0  }
0xac: {  	s0 =	sadd.s32 $0x80, s28;
	[sflag:s18] =	ssyncadd.s32 $0xFFFFC000  }
0xad: {  	[tilespmem:s17], [sflag:$0x2] =	stream.indirect.gather [hbm4b:s4+s21], $0x80, s0, s21, $0xb8;
	[tilespmem:$0x1E800] =	vst v63  }
0xae: {  	_ =	swait.ge [sflag:s19], $0x4000  }
0xaf: {  	[sflag:s19] =	ssyncset.done $0x0  }
0xb0: {  	s30 =	sadd.s32 $0x1400, s28;
	[sflag:s19] =	ssyncadd.s32 $0xFFFFC000  }
0xb1: {  	[spmem:s2] =	stream.indirect.scatter.add.f32 [tilespmem:s22], [sflag:$0x3], $0x80, s30, s21, $0xb8;
	[tilespmem:$0x1E800] =	vst v63  }
0xb2: {  	_ =	swait.ge [sflag:s18], $0x4000  }
0xb3: {  	[sflag:s18] =	ssyncset.done $0x0  }
0xb4: {  	s31 =	sadd.s32 $0x100, s28;
	[sflag:s18] =	ssyncadd.s32 $0xFFFFC000  }
0xb5: {  	[tilespmem:s22], [sflag:$0x1] =	stream.indirect.gather [hbm4b:s4+s21], $0x80, s31, s21, $0xb8;
	[tilespmem:$0x1E800] =	vst v63  }
0xb6: {  	_ =	swait.ge [sflag:s20], $0x4000  }
0xb7: {  	[sflag:s20] =	ssyncset.done $0x0  }
0xb8: {  	s29 =	sadd.s32 $0x1480, s28;
	[sflag:s20] =	ssyncadd.s32 $0xFFFFC000  }
0xb9: {  	[spmem:s2] =	stream.indirect.scatter.add.f32 [tilespmem:s17], [sflag:$0x3], $0x80, s29, s21, $0xb8;
	[tilespmem:$0x1E800] =	vst v63  }
0xba: {  	_ =	swait.ge [sflag:s18], $0x4000  }
0xbb: {  	[sflag:s18] =	ssyncset.done $0x0  }
0xbc: {  	[sflag:s18] =	ssyncadd.s32 $0xFFFFC000  }
0xbd: {  	[tilespmem:s17], [sflag:$0x2] =	stream.indirect.gather [hbm4b:s4+s21], $0x80, s23, s21, $0xb8;
	[tilespmem:$0x1E800] =	vst v63  }
0xbe: {  	_ =	swait.ge [sflag:s19], $0x4000  }
0xbf: {  	[sflag:s19] =	ssyncset.done $0x0  }
0xc0: {  	[sflag:s19] =	ssyncadd.s32 $0xFFFFC000  }
0xc1: {  	[spmem:s2] =	stream.indirect.scatter.add.f32 [tilespmem:s22], [sflag:$0x3], $0x80, s24, s21, $0xb8;
	[tilespmem:$0x1E800] =	vst v63  }
0xc2: {  	_ =	swait.ge [sflag:s18], $0x4000  }
0xc3: {  	[sflag:s18] =	ssyncset.done $0x0  }
0xc4: {  	[sflag:s18] =	ssyncadd.s32 $0xFFFFC000  }
0xc5: {  	_ =	swait.ge [sflag:s20], $0x4000  }
0xc6: {  	[sflag:s20] =	ssyncset.done $0x0  }
0xc7: {  	[sflag:s20] =	ssyncadd.s32 $0xFFFFC000  }
0xc8: {  	[spmem:s2] =	stream.indirect.scatter.add.f32 [tilespmem:s17], [sflag:$0x3], $0x80, s25, s21, $0xb8;
	[tilespmem:$0x1E800] =	vst v63  }
0xc9: {  	_ =	swait.ge [sflag:s18], $0x4000  }
0xca: {  	s26 =	sadd.s32 $0x1, s26;
	s30 =	sshll.u32 s1, $0x6;
	[sflag:s18] =	ssyncset.done $0x0  }
0xcb: {  	p0 =	sne.s32 s26, s15;
	s0 =	sor.u32 $0x1C03, s30;
	[sflag:s18] =	ssyncadd.s32 $0xFFFFC000  }
.Ltmp3:
0xcc: {  	s31 =	sshrl.u32 s7, $0x3;
	[bflag:$0x0] =	sbarrier.arrive $0xFFFF;
	(pc) =	sbr.rel @p0 .LBB2_1-.Ltmp3, $4  }
0xcd: {  	[hbm:s14], [sflag:s0] =	dma.local [spmem:s31], $0x2800  }
0xce: {  	_ =	swait.ge [sflag:s18], $0x2800  }
0xcf: {  	[sflag:s18] =	ssyncset.done $0x0  }
0xd0: {  	[sflag:s18] =	ssyncadd.s32 $0xFFFFD800  }
0xd1: {  	_ =	sfence.sel $0x180000  }
0xd2: {  	[bflag:$0x0] =	sbarrier.arrive $0xFFFF  }
0xd3: {  	_ =	strace $0x9000004D  }
0xd4: {  	[bflag:$0x2] =	sbarrier.arrive $0xFFFF  }
0xd5: {  	p0 =	sne.s32 s1, $0x0;
	s0 =	rddreg [dreg:$0x2]  }
0xd6: {  	s0 =	sadd.s32 @!p0 $0x100000, s0  }
0xd7: {  	[sflag:s0] =	ssyncadd.tile.s32 @!p0 $0x1;
	_ =	shalt  }
.Lfunc_end2:
_tile_overlayer_lowered:
.L_overlay_start_2:
0xd8: {  	(tag) =	ssettag $0x2  }
0xd9: {  	s0 =	rddreg [dreg:$0x0];
	s2 =	stileid.u32  }
0xda: {  	s1 =	rddreg [dreg:$0x1];
	p0 =	sne.s32 s2, $0x0  }
0xdb: {  	s3 =	rddreg [dreg:$0x2];
	[bflag:$0x3] =	sbarrier.arrive $0xFFFF;
	s2 =	simm.s32 @!p0 $0x1C03  }
0xdc: {  	[timem:s3], [sflag:s2] =	dma.local @!p0 [hbm:s0], s1  }
0xdd: {  	s0 =	simm.s32 @!p0 $0x3  }
0xde: {  	_ =	swait.ge @!p0 [sflag:s0], s1  }
0xdf: {  	s1 =	ssub.s32 @!p0 $0x0, s1;
	[sflag:s0] =	ssyncset.done @!p0 $0x0  }
0xe0: {  	[sflag:s0] =	ssyncadd.s32 @!p0 s1  }
0xe1: {  	[bflag:$0x3] =	sbarrier.arrive $0xFFFF  }
0xe2: {  	_ =	shalt  }

// kernel: kernel.9.cloned.1.call-start
scs
__scs_entry_jumppad:
0x0: {  	(pc) =	sbr.rel $0x88, $3  }
0x1: {  	(tag) =	ssettag $0x0;
	lr =	simm.s32 $0x1  }
0x2: {  	[smem:$0x3F94] =	sst lr;
	_ =	strace $0xD0000000  }
0x3: {  	_ = 	snop  }
0x4: {  	_ = 	snop  }
0x5: {  	_ = 	snop  }
0x6: {  	_ = 	snop  }
0x7: {  	_ = 	snop  }
__scs_overlays_trampoline_lowered:
0x8: {  	[smem:$0x3FA3] =	sst s0  }
0x9: {  	[smem:$0x3FA4] =	sst s1  }
0xa: {  	[smem:$0x3FA5] =	sst s2  }
0xb: {  	[smem:$0x3FA6] =	sst s3  }
0xc: {  	[smem:$0x3FA7] =	sst s4  }
0xd: {  	[smem:$0x3FA8] =	sst s5  }
0xe: {  	[smem:$0x3FA9] =	sst s6  }
0xf: {  	[smem:$0x3FAA] =	sst s7  }
0x10: {  	[smem:$0x3FAB] =	sst s8  }
0x11: {  	[smem:$0x3FAC] =	sst s9;
	s0 =	simm.s32 @!p0 $0x0  }
0x12: {  	s1 =	sld [smem:$0x3F92];
	s0 =	simm.s32 @p0 $0x1  }
0x13: {  	[smem:$0x3FAD] =	sst s0;
	s0 =	simm.s32 @!p1 $0x0  }
0x14: {  	s2 =	sld [smem:$0x3F91];
	s0 =	simm.s32 @p1 $0x1  }
0x15: {  	[smem:$0x3FAE] =	sst s0;
	s0 =	simm.s32 @!p2 $0x0  }
0x16: {  	s3 =	sld [smem:$0x3FDB];
	s0 =	simm.s32 @p2 $0x1  }
0x17: {  	s4 =	simm.s32 $0x1BF5;
	[smem:$0x3FB0] =	sst s0  }
0x18: {  	s0 =	sld [smem:$0x3F93];
	_ =	swait.ge [sflag:s4], $0x0  }
0x19: {  	s7 =	sld [smem:$0x3F94]  }
0x1a: {  	s8 =	sadd.s32 $0xFFFFE003, lr  }
0x1b: {  	s9 =	sadd.s32 $0xFFFFFEF7, lr;
	s5 =	simm.s32 $0xFFFFFFFF;
	p2 =	slt.u32 s8, $0xFFFFF086  }
0x1c: {  	p1 =	slt.u32 s9, $0xF7A;
	s5 =	simm.s32 @!p2 $0x0  }
0x1d: {  	s5 =	simm.s32 @p1 $0x1;
	p0 =	seq.s32 s7, s2  }
0x1e: {  	s7 =	smul.u32 @!p0 $0xF7A, s2;
	p2 =	seq.s32 @!p0 s5, $0x0  }
0x1f: {  	s9 =	smul.u32 $0xF7A, s1;
	s8 =	simm.s32 @!p0 $0x1BF5;
	p2 =	por !p2, p0  }
0x20: {  	[sflag:s8] =	ssyncset.s32 @!p0 $0xFFFFF086;
	s6 =	sadd.s32 @!p0 s3, s7;
	s7 =	simm.s32 @!p0 $0x108  }
0x21: {  	s3 =	sadd.s32 s3, s9;
	s6 =	sadd.s32 @!p0 $0x88, s6;
	s7 =	simm.s32 @p2 $0x1082  }
0x22: {  	[simem:s7], [sflag:s8] =	dma.local @!p0 [hbm:s6], $0xF7A  }
0x23: {  	s9 =	sor.u32 $0xD0000000, s2;
	s6 =	simm.s32 $0x108;
	_ =	swait.ge @!p0 [sflag:s8], $0x0  }
0x24: {  	s3 =	sadd.s32 $0x88, s3;
	s6 =	simm.s32 @!p1 $0x1082;
	[sflag:s4] =	ssyncset.s32 $0xFFFFF086  }
0x25: {  	[simem:s6], [sflag:s4] =	dma.local [hbm:s3], $0xF7A  }
0x26: {  	[smem:$0x3F94] =	sst s1;
	(tag) =	ssettag s2;
	_ =	strace s9  }
0x27: {  	s1 =	sld [smem:$0x3FA4]  }
0x28: {  	s2 =	sld [smem:$0x3FA5]  }
0x29: {  	s4 =	sld [smem:$0x3FA7]  }
0x2a: {  	p0 =	seq.s32 s5, $0x0;
	s5 =	sld [smem:$0x3FA8]  }
0x2b: {  	s6 =	sld [smem:$0x3FA9]  }
0x2c: {  	s7 =	sld [smem:$0x3FAA]  }
0x2d: {  	s3 =	simm.s32 $0x108;
	s8 =	sld [smem:$0x3FAB]  }
0x2e: {  	s3 =	simm.s32 @!p0 $0x1082;
	s9 =	sld [smem:$0x3FAC]  }
0x2f: {  	lr =	sadd.s32 s0, s3;
	s0 =	sld [smem:$0x3FA3]  }
0x30: {  	s3 =	sld [smem:$0x3FA6]  }
0x31: {  	[smem:$0x3FAF] =	sst s10  }
0x32: {  	s10 =	sld [smem:$0x3FAD];
	_ =	sdelay $0x3  }
0x33: {  	p0 =	seq.s32 s10, $0x1;
	s10 =	sld [smem:$0x3FAF];
	_ =	sdelay $0x3  }
0x34: {  	[smem:$0x3FAF] =	sst s10  }
0x35: {  	s10 =	sld [smem:$0x3FAE];
	_ =	sdelay $0x3  }
0x36: {  	p1 =	seq.s32 s10, $0x1;
	s10 =	sld [smem:$0x3FAF];
	_ =	sdelay $0x3  }
0x37: {  	[smem:$0x3FAF] =	sst s10  }
0x38: {  	s10 =	sld [smem:$0x3FB0]  }
0x39: {  	_ = 	snop;
	(pc) =	sbr.ind lr, $3  }
0x3a: {  	_ = 	snop  }
0x3b: {  	_ = 	snop  }
0x3c: {  	p2 =	seq.s32 s10, $0x1;
	s10 =	sld [smem:$0x3FAF]  }
0x3d: {  	_ =	shalt  }
0x3e: {  	_ =	shalt  }
0x3f: {  	_ =	shalt  }
0x40: {  	_ =	shalt  }
0x41: {  	_ =	shalt  }
0x42: {  	_ =	shalt  }
0x43: {  	_ =	shalt  }
0x44: {  	_ =	shalt  }
0x45: {  	_ =	shalt  }
0x46: {  	_ =	shalt  }
0x47: {  	_ =	shalt  }
0x48: {  	_ =	shalt  }
0x49: {  	_ =	shalt  }
0x4a: {  	_ =	shalt  }
0x4b: {  	_ =	shalt  }
0x4c: {  	_ =	shalt  }
0x4d: {  	_ =	shalt  }
0x4e: {  	_ =	shalt  }
0x4f: {  	_ =	shalt  }
0x50: {  	_ =	shalt  }
0x51: {  	_ =	shalt  }
0x52: {  	_ =	shalt  }
0x53: {  	_ =	shalt  }
0x54: {  	_ =	shalt  }
0x55: {  	_ =	shalt  }
0x56: {  	_ =	shalt  }
0x57: {  	_ =	shalt  }
0x58: {  	_ =	shalt  }
0x59: {  	_ =	shalt  }
0x5a: {  	_ =	shalt  }
0x5b: {  	_ =	shalt  }
0x5c: {  	_ =	shalt  }
0x5d: {  	_ =	shalt  }
0x5e: {  	_ =	shalt  }
0x5f: {  	_ =	shalt  }
0x60: {  	_ =	shalt  }
0x61: {  	_ =	shalt  }
0x62: {  	_ =	shalt  }
0x63: {  	_ =	shalt  }
0x64: {  	_ =	shalt  }
0x65: {  	_ =	shalt  }
0x66: {  	_ =	shalt  }
0x67: {  	_ =	shalt  }
0x68: {  	_ =	shalt  }
0x69: {  	_ =	shalt  }
0x6a: {  	_ =	shalt  }
0x6b: {  	_ =	shalt  }
0x6c: {  	_ =	shalt  }
0x6d: {  	_ =	shalt  }
0x6e: {  	_ =	shalt  }
0x6f: {  	_ =	shalt  }
0x70: {  	_ =	shalt  }
0x71: {  	_ =	shalt  }
0x72: {  	_ =	shalt  }
0x73: {  	_ =	shalt  }
0x74: {  	_ =	shalt  }
0x75: {  	_ =	shalt  }
0x76: {  	_ =	shalt  }
0x77: {  	_ =	shalt  }
0x78: {  	_ =	shalt  }
0x79: {  	_ =	shalt  }
0x7a: {  	_ =	shalt  }
0x7b: {  	_ =	shalt  }
0x7c: {  	_ =	shalt  }
0x7d: {  	_ =	shalt  }
0x7e: {  	_ =	shalt  }
0x7f: {  	_ =	shalt  }
0x80: {  	_ =	shalt  }
0x81: {  	_ =	shalt  }
0x82: {  	_ =	shalt  }
0x83: {  	_ =	shalt  }
0x84: {  	_ =	shalt  }
0x85: {  	_ =	shalt  }
0x86: {  	_ =	shalt  }
0x87: {  	_ =	shalt  }
.Lfunc_end0:
.L_simem_size_0:
called_computation_lowered:
.L_overlay_start_0:
0x88: {  	s2 =	sld [smem:$0x3FD9]  }
0x89: {  	s3 =	sld [smem:$0x3FFE];
	_ =	sdelay $0x1  }
0x8a: {  	s1 =	srdreg.scid  }
0x8b: {  	s0 =	sand.u32 $0x1, s1  }
0x8c: {  	s16 =	sshll.u32 s0, $0xA;
	s2 =	sadd.s32 s3, s2  }
0x8d: {  	s2 =	sadd.s32 s2, s16  }
0x8e: {  	[smem:$0x3FBB] =	sst s2  }
0x8f: {  	_ = 	snop  }
0x90: {  	(tm) =	ssettm $0x1  }
0x91: {  	s17 =	sld [smem:$0x3FFB];
	_ =	sdelay $0x3  }
0x92: {  	_ =	strace s17  }
0x93: {  	s2 =	sld [smem:$0x3FFC];
	_ =	sdelay $0x3  }
0x94: {  	_ =	strace s2  }
0x95: {  	s2 =	sld [smem:$0x3FFD];
	_ =	sdelay $0x3  }
0x96: {  	_ =	strace s2  }
0x97: {  	_ =	strace $0x8FFFFFFF  }
0x98: {  	s18 =	sld [smem:$0x3FDB];
	_ =	sdelay $0x1  }
0x99: {  	s19 =	simm.s32 $_scs_section_size  }
0x9a: {  	s4 =	simm.s32 $_size__tile_overlayer_lowered;
	s5 =	simm.s32 $_tile_overlayer_lowered  }
0x9b: {  	s22 =	simm.s32 $0x1BFF;
	s21 =	sshll.u32 s5, $0x1;
	s2 =	sadd.s32 s19, s18  }
0x9c: {  	s6 =	simm.s32 $0x0;
	s20 =	sshll.u32 s4, $0x1;
	s4 =	sadd.s32 s21, s2  }
0x9d: {  	[timem:s6], [sflag:s22] =	dma.local [hbm:s4], s20  }
0x9e: {  	_ =	swait.ge [sflag:s22], s20  }
0x9f: {  	s3 =	ssub.s32 $0x0, s20;
	[sflag:s22] =	ssyncset.done $0x0  }
0xa0: {  	[sflag:s22] =	ssyncadd.s32 s3;
	_ =	sdelay $0x1  }
0xa1: {  	s23 =	simm.s32 $0x1B8B  }
0xa2: {  	_ =	swait.ge [sflag:s23], $0x1  }
0xa3: {  	[sflag:s23] =	ssyncset.done $0x0  }
0xa4: {  	s25 =	simm.s32 $0x1B8E;
	s24 =	sld [smem:$0x3FFE];
	[sflag:s23] =	ssyncadd.s32 $0xFFFFFFFF  }
0xa5: {  	s26 =	simm.s32 $execute0_lowered;
	[smem:$0x3FD2] =	sst s25  }
0xa6: {  	s4 =	sshll.u32 s26, $0x1;
	_ =	strace $0x80000046;
	[dreg:$0x1] =	wrdreg $0xFFFFFFFF  }
0xa7: {  	s28 =	simm.s32 $_size_execute0_lowered;
	s2 =	sadd.s32 s2, s4;
	[dreg:$0x0] =	wrdreg $0x0  }
0xa8: {  	s4 =	sshll.u32 s28, $0x1;
	[dreg:$0x2] =	wrdreg s2  }
0xa9: {  	[dreg:$0x3] =	wrdreg s4  }
0xaa: {  	[dreg:$0x4] =	wrdreg $0xC0  }
0xab: {  	_ =	task [dreg:s6], $0x5FFFF  }
0xac: {  	[dreg:$0x1] =	wrdreg $0xFFFFFFFF  }
0xad: {  	[dreg:$0x0] =	wrdreg $0x60  }
0xae: {  	[dreg:$0x2] =	wrdreg s24  }
0xaf: {  	[dreg:$0x3] =	wrdreg $0x2B000  }
0xb0: {  	[dreg:$0x4] =	wrdreg $0x9  }
0xb1: {  	_ =	task.clear_ibuf [dreg:s6], $0x5FFFF;
	_ =	strace $0x90000046  }
0xb2: {  	s29 =	simm.s32 $0x9;
	_ =	strace $0x80000048  }
0xb3: {  	_ =	swait.ge [sflag:s29], $0x1  }
0xb4: {  	[sflag:s29] =	ssyncadd.s32 $0xFFFFFFFF  }
0xb5: {  	_ =	strace $0x90000048  }
0xb6: {  	_ =	sfence  }
0xb7: {  	s30 =	sld [smem:$0x0];
	_ =	sdelay $0x2  }
0xb8: {  	s31 =	sshll.u32 s1, $0xD;
	s1 =	sshrl.u32 s1, $0x2  }
0xb9: {  	s3 =	sand.u32 $0x4000, s31;
	s1 =	sadd.s32 s1, s30  }
0xba: {  	s0 =	sor.u32 s3, s0;
	s1 =	sshll.u32 s1, $0x11  }
0xbb: {  	s0 =	sor.u32 s1, s0  }
0xbc: {  	s0 =	sadd.s32 $0x8F2B, s0  }
0xbd: {  	[sflag:s0] =	ssyncadd.remote.s32 $0x1  }
0xbe: {  	_ =	sfence.sel $0xFFFF  }
0xbf: {  	[dreg:$0x0] =	wrdreg $0xFFFFFFFF;
	(pc) =	sbr.abs _section_cstart, $3  }
0xc0: {  	[dreg:$0x1] =	wrdreg $0xFFFFFFFF  }
0xc1: {  	_ =	task.clear_ibuf [dreg:s6], $0x2FFFF;
	_ =	strace $0x9FFFFFFF  }
0xc2: {  	(tm) =	ssettm $0x7FFFFFFF  }
0xc3: {  	_ =	shalt  }
tec
execute0_lowered:
.L_overlay_start_1:
0x0: {  	(tag) =	ssettag $0x1  }
0x1: {  	s1 =	srdreg.scid;
	s4 =	rddreg [dreg:$0x0]  }
0x2: {  	s0 =	stileid.u32;
	s2 =	rddreg [dreg:$0x1];
	s3 =	simm.s32 $0x0  }
0x3: {  	s10 =	simm.s32 $0x80;
	s11 =	simm.s32 $0x2800;
	s12 =	simm.s32 $0x1  }
0x4: {  	s13 =	simm.s32 $0x2;
	s5 =	sand.u32 $0x1, s1;
	s6 =	smul.u32 $0x280, s0  }
0x5: {  	s1 =	rddreg [dreg:$0x2];
	s7 =	sshll.u32 s5, $0x4;
	s8 =	smul.u32 $0x2800, s5  }
0x6: {  	s14 =	simm.s32 $0x0;
	[smem:$0x7FF] =	sst s3;
	s7 =	sor.u32 s0, s7  }
0x7: {  	s5 =	ssub.s32 $0x2, s5;
	s7 =	smul.u32 $0x500, s7;
	s8 =	sadd.s32 s6, s8  }
0x8: {  	_ =	strace $0x80000047;
	s31 =	sshrl.u32 s5, $0x1;
	s8 =	sshrl.u32 s8, $0x3  }
0x9: {  	s9 =	ssub.s32 s5, s31;
	s7 =	sadd.s32 s7, s4;
	s8 =	sadd.s32 s8, s4  }
0xa: {  	s4 =	sadd.s32 s6, s2;
	s5 =	sadd.s32 $0x3600, s7;
	s6 =	sadd.s32 $0x17600, s8  }
0xb: {  	v0 =	vimm.f32 $1.000000000e+00;
	v1 =	vimm.f32 $0.0e+00;
	s7 =	smax.u32 s9, $0x1;
	s8 =	simm.s32 $0x2880;
	s9 =	simm.s32 $0x3  }
.LBB2_1:
0xc: {  	[tilespmem:$0x2800] =	vst v0  }
0xd: {  	[tilespmem:$0x2810] =	vst v0  }
0xe: {  	[tilespmem:$0x2820] =	vst v0  }
0xf: {  	[tilespmem:$0x2830] =	vst v0  }
0x10: {  	[tilespmem:$0x2840] =	vst v0  }
0x11: {  	[tilespmem:$0x2850] =	vst v0  }
0x12: {  	[tilespmem:$0x2860] =	vst v0  }
0x13: {  	[tilespmem:$0x2870] =	vst v0  }
0x14: {  	[tilespmem:$0x2880] =	vst v1  }
0x15: {  	[tilespmem:$0x2890] =	vst v1  }
0x16: {  	[tilespmem:$0x28A0] =	vst v1  }
0x17: {  	[tilespmem:$0x28B0] =	vst v1  }
0x18: {  	[tilespmem:$0x28C0] =	vst v1  }
0x19: {  	[tilespmem:$0x28D0] =	vst v1  }
0x1a: {  	[tilespmem:$0x28E0] =	vst v1  }
0x1b: {  	[tilespmem:$0x28F0] =	vst v1  }
0x1c: {  	[tilespmem:$0x2900] =	vst v1  }
0x1d: {  	[tilespmem:$0x2910] =	vst v1  }
0x1e: {  	[tilespmem:$0x2920] =	vst v1  }
0x1f: {  	[tilespmem:$0x2930] =	vst v1  }
0x20: {  	[tilespmem:$0x2940] =	vst v1  }
0x21: {  	[tilespmem:$0x2950] =	vst v1  }
0x22: {  	[tilespmem:$0x2960] =	vst v1  }
0x23: {  	[tilespmem:$0x2970] =	vst v1  }
0x24: {  	[tilespmem:$0x2980] =	vst v1  }
0x25: {  	[tilespmem:$0x2990] =	vst v1  }
0x26: {  	[tilespmem:$0x29A0] =	vst v1  }
0x27: {  	[tilespmem:$0x29B0] =	vst v1  }
0x28: {  	[tilespmem:$0x29C0] =	vst v1  }
0x29: {  	[tilespmem:$0x29D0] =	vst v1  }
0x2a: {  	[tilespmem:$0x29E0] =	vst v1  }
0x2b: {  	[tilespmem:$0x29F0] =	vst v1  }
0x2c: {  	[tilespmem:$0x2A00] =	vst v1  }
0x2d: {  	[tilespmem:$0x2A10] =	vst v1  }
0x2e: {  	[tilespmem:$0x2A20] =	vst v1  }
0x2f: {  	[tilespmem:$0x2A30] =	vst v1  }
0x30: {  	[tilespmem:$0x2A40] =	vst v1  }
0x31: {  	[tilespmem:$0x2A50] =	vst v1  }
0x32: {  	[tilespmem:$0x2A60] =	vst v1  }
0x33: {  	[tilespmem:$0x2A70] =	vst v1  }
0x34: {  	[tilespmem:$0x2A80] =	vst v1  }
0x35: {  	[tilespmem:$0x2A90] =	vst v1  }
0x36: {  	[tilespmem:$0x2AA0] =	vst v1  }
0x37: {  	[tilespmem:$0x2AB0] =	vst v1  }
0x38: {  	[tilespmem:$0x2AC0] =	vst v1  }
0x39: {  	[tilespmem:$0x2AD0] =	vst v1  }
0x3a: {  	[tilespmem:$0x2AE0] =	vst v1  }
0x3b: {  	[tilespmem:$0x2AF0] =	vst v1  }
0x3c: {  	[spmem:s4] =	stream.linear.scatter [tilespmem:s8], [sflag:$0x3], $0x280, $0x38;
	[tilespmem:$0x2D80] =	vst v63  }
0x3d: {  	_ =	swait.ge [sflag:s9], $0x280  }
0x3e: {  	[sflag:s9] =	ssyncset.done $0x0  }
0x3f: {  	[sflag:s9] =	ssyncadd.s32 $0xFFFFFD80  }
0x40: {  	[tilespmem:s3], [sflag:$0x3] =	stream.linear.gather [hbm4b:s5+s3], $0x2800, $0x38;
	[tilespmem:$0x2D80] =	vst v63  }
0x41: {  	_ =	swait.ge [sflag:s9], $0x2800  }
0x42: {  	[sflag:s9] =	ssyncset.done $0x0  }
0x43: {  	[sflag:s9] =	ssyncadd.s32 $0xFFFFD800  }
0x44: {  	s15 =	simm.s32 $0x0;
	[bflag:$0x0] =	sbarrier.arrive $0xFFFF  }
0x45: {  	[spmem:s2] =	stream.indirect.scatter.add.f32 [tilespmem:s11], [sflag:$0x1], $0x1, s15, s10, $0xb8;
	[tilespmem:$0x2D80] =	vst v63  }
0x46: {  	s31 =	simm.s32 $0x80  }
0x47: {  	[spmem:s2] =	stream.indirect.scatter.add.f32 [tilespmem:s11], [sflag:$0x2], $0x1, s31, s10, $0xb8;
	[tilespmem:$0x2D80] =	vst v63  }
0x48: {  	_ =	swait.ge [sflag:s12], $0x80  }
0x49: {  	[sflag:s12] =	ssyncset.done $0x0  }
0x4a: {  	[sflag:s12] =	ssyncadd.s32 $0xFFFFFF80  }
0x4b: {  	_ =	swait.ge [sflag:s13], $0x80  }
0x4c: {  	s16 =	simm.s32 $0x800;
	s15 =	simm.s32 $0x400;
	[sflag:s13] =	ssyncset.done $0x0  }
.LBB2_2:
0x4d: {  	s17 =	sshra.s32 s15, $0x2  }
0x4e: {  	[sflag:s13] =	ssyncadd.s32 $0xFFFFFF80;
	s15 =	smov.u32 s16;
	s18 =	sadd.s32 $0x400, s16  }
0x4f: {  	[spmem:s2] =	stream.indirect.scatter.add.f32 [tilespmem:s11], [sflag:$0x1], $0x1, s17, s10, $0xb8;
	[tilespmem:$0x2D80] =	vst v63  }
0x50: {  	p0 =	sne.s32 s16, $0x9C00;
	s16 =	sadd.s32 $0x80, s17  }
0x51: {  	[spmem:s2] =	stream.indirect.scatter.add.f32 [tilespmem:s11], [sflag:$0x2], $0x1, s16, s10, $0xb8;
	[tilespmem:$0x2D80] =	vst v63  }
.Ltmp0:
0x52: {  	_ =	swait.ge [sflag:s12], $0x80;
	(pc) =	sbr.rel @p0 .LBB2_2-.Ltmp0, $4  }
0x53: {  	[sflag:s12] =	ssyncset.done $0x0  }
0x54: {  	[sflag:s12] =	ssyncadd.s32 $0xFFFFFF80  }
0x55: {  	_ =	swait.ge [sflag:s13], $0x80  }
0x56: {  	s16 =	smov.u32 s18;
	[sflag:s13] =	ssyncset.done $0x0  }
0x57: {  	s15 =	sshra.s32 s15, $0x2;
	[sflag:s13] =	ssyncadd.s32 $0xFFFFFF80  }
0x58: {  	[spmem:s2] =	stream.indirect.scatter.add.f32 [tilespmem:s11], [sflag:$0x1], $0x1, s15, s10, $0xb8;
	[tilespmem:$0x2D80] =	vst v63  }
0x59: {  	s15 =	sadd.s32 $0x80, s15  }
0x5a: {  	[spmem:s2] =	stream.indirect.scatter.add.f32 [tilespmem:s11], [sflag:$0x2], $0x1, s15, s10, $0xb8;
	[tilespmem:$0x2D80] =	vst v63  }
0x5b: {  	_ =	swait.ge [sflag:s12], $0x80  }
0x5c: {  	[sflag:s12] =	ssyncset.done $0x0  }
0x5d: {  	[sflag:s12] =	ssyncadd.s32 $0xFFFFFF80  }
0x5e: {  	_ =	swait.ge [sflag:s13], $0x80  }
0x5f: {  	[sflag:s13] =	ssyncset.done $0x0  }
0x60: {  	[sflag:s13] =	ssyncadd.s32 $0xFFFFFF80  }
0x61: {  	[bflag:$0x0] =	sbarrier.arrive $0xFFFF  }
0x62: {  	[tilespmem:s8], [sflag:$0x3] =	stream.linear.gather [spmem:s4], $0x280, $0x38;
	[tilespmem:$0x2D80] =	vst v63  }
0x63: {  	s14 =	sadd.s32 $0x1, s14;
	_ =	swait.ge [sflag:s9], $0x280  }
0x64: {  	p0 =	sne.s32 s14, s7;
	[sflag:s9] =	ssyncset.done $0x0  }
.Ltmp1:
0x65: {  	[sflag:s9] =	ssyncadd.s32 $0xFFFFFD80;
	(pc) =	sbr.rel @p0 .LBB2_1-.Ltmp1, $4  }
0x66: {  	[hbm4b:s6+s3] =	stream.linear.scatter [tilespmem:s8], [sflag:$0x3], $0x280, $0x38;
	[tilespmem:$0x2D80] =	vst v63  }
0x67: {  	_ =	swait.ge [sflag:s9], $0x280  }
0x68: {  	[sflag:s9] =	ssyncset.done $0x0  }
0x69: {  	[sflag:s9] =	ssyncadd.s32 $0xFFFFFD80  }
0x6a: {  	_ =	sfence.sel $0x180000  }
0x6b: {  	[bflag:$0x0] =	sbarrier.arrive $0xFFFF  }
0x6c: {  	p0 =	sne.s32 s0, $0x0;
	_ =	strace $0x90000047  }
0x6d: {  	s0 =	sadd.s32 @!p0 $0x100000, s1;
	[bflag:$0x2] =	sbarrier.arrive $0xFFFF  }
0x6e: {  	[sflag:s0] =	ssyncadd.tile.s32 @!p0 $0x1;
	_ =	shalt  }
.Lfunc_end2:
_tile_overlayer_lowered:
.L_overlay_start_2:
0x6f: {  	(tag) =	ssettag $0x2  }
0x70: {  	s0 =	rddreg [dreg:$0x0];
	s2 =	stileid.u32  }
0x71: {  	s1 =	rddreg [dreg:$0x1];
	p0 =	sne.s32 s2, $0x0  }
0x72: {  	s3 =	rddreg [dreg:$0x2];
	[bflag:$0x3] =	sbarrier.arrive $0xFFFF;
	s2 =	simm.s32 @!p0 $0x1C03  }
0x73: {  	[timem:s3], [sflag:s2] =	dma.local @!p0 [hbm:s0], s1  }
0x74: {  	s0 =	simm.s32 @!p0 $0x3  }
0x75: {  	_ =	swait.ge @!p0 [sflag:s0], s1  }
0x76: {  	s1 =	ssub.s32 @!p0 $0x0, s1;
	[sflag:s0] =	ssyncset.done @!p0 $0x0  }
0x77: {  	[sflag:s0] =	ssyncadd.s32 @!p0 s1  }
0x78: {  	[bflag:$0x3] =	sbarrier.arrive $0xFFFF  }
0x79: {  	_ =	shalt  }

</sc_bundles>
